<compile_context>
chip_gen: v7x
topology: tpu7x:2x2x1
jax: 0.10.2.dev20260603
libtpu: 0.0.44.dev20260713+nightly
codegen_flags: <defaults>
</compile_context>

<pallas_src>
import functools

import jax
import jax.numpy as jnp
from jax import lax
from jax.experimental import pallas as pl
from jax.experimental.pallas import tpu as pltpu
from jax.experimental.pallas import tpu_sc as plsc

_LANES = 16
_CHUNK = 2048


def _sc_vegas_body(dim, ninc, ppw, chunk, nchunks, ncores,
                   u_hbm, grid_hbm, inc_hbm,
                   x_hbm, jac_hbm,
                   grid_v, inc_v, u_v, x_v, jac_v, usem, xsem, jsem):
    wid = lax.axis_index("s") * ncores + lax.axis_index("c")
    base = wid * ppw
    pltpu.sync_copy(grid_hbm, grid_v)
    pltpu.sync_copy(inc_hbm, inc_v)
    fninc = float(ninc)
    ntiles = chunk // 128

    def u_copy(k, b):
        t0 = (base + k * chunk) // 128
        return pltpu.make_async_copy(
            u_hbm.at[pl.ds(t0, chunk // 128)], u_v.at[b], usem.at[b])

    def start_out(k, b):
        col0 = base + k * chunk
        def do_tile(t, _):
            pltpu.async_copy(x_v.at[b, :, pl.ds(t * 128, 128)],
                             x_hbm.at[col0 // 128 + t], xsem.at[b])
            return 0
        lax.fori_loop(0, ntiles, do_tile, 0)
        pltpu.async_copy(jac_v.at[b], jac_hbm.at[pl.ds(col0, chunk)],
                         jsem.at[b])

    def wait_out(b):
        def do_tile(t, _):
            pltpu.make_async_copy(x_v.at[b, :, pl.ds(0, 128)],
                                  x_hbm.at[0], xsem.at[b]).wait()
            return 0
        lax.fori_loop(0, ntiles, do_tile, 0)
        pltpu.make_async_copy(jac_v.at[b], jac_hbm.at[pl.ds(0, chunk)],
                              jsem.at[b]).wait()

    def do_group_in(b):
        def do_group(o):
            t = o >> 7
            c = o & 127
            jfs = []
            for d in range(dim):
                ud = u_v[b, t, d, pl.ds(c, _LANES)]
                un = ud * fninc
                iu = un.astype(jnp.int32)
                du = un - iu.astype(jnp.float32)
                idx = jnp.minimum(iu, ninc) + (d * (ninc + 1))
                g = plsc.load_gather(grid_v, [idx])
                ig = plsc.load_gather(inc_v, [idx])
                x_v[b, d, pl.ds(o, _LANES)] = g + ig * du
                jfs.append(ig * fninc)
            while len(jfs) > 1:
                jfs = [a * b2 for a, b2 in zip(jfs[::2], jfs[1::2])]
            jac_v[b, pl.ds(o, _LANES)] = jfs[0]
        return do_group

    u_copy(0, 0).start()

    def do_pair(kk, _):
        for b in range(2):
            k = kk * 2 + b
            u_copy(k, b).wait()

            @pl.when(k + 1 < nchunks)
            def _():
                u_copy(k + 1, 1 - b).start()

            @pl.when(k >= 2)
            def _():
                wait_out(b)

            plsc.parallel_loop(0, chunk, step=_LANES,
                               unroll=4)(do_group_in(b))
            start_out(k, b)
        return 0

    lax.fori_loop(0, nchunks // 2, do_pair, 0)
    wait_out(0)
    wait_out(1)


def _log_body(j_ref, o_ref):
    o_ref[...] = jnp.log(j_ref[...])


def _tc_log(jacp):
    n = jacp.shape[0]
    rows = n // 128
    brows = min(2048, rows)
    j2 = jacp.reshape(rows, 128)
    out = pl.pallas_call(
        _log_body,
        grid=(rows // brows,),
        in_specs=[pl.BlockSpec((brows, 128), lambda i: (i, 0))],
        out_specs=pl.BlockSpec((brows, 128), lambda i: (i, 0)),
        out_shape=jax.ShapeDtypeStruct((rows, 128), jnp.float32),
    )(j2)
    return out.reshape(n)


def kernel(u, grid, inc):
    n, dim = u.shape
    ninc = grid.shape[1] - 1
    info = plsc.get_sparse_core_info()
    ncores, nsub = info.num_cores, info.num_subcores
    nw = ncores * nsub
    ppw = n // nw
    chunk = min(_CHUNK, ppw)
    nchunks = ppw // chunk

    grid_f = grid.reshape(dim * (ninc + 1))
    inc_f = jnp.concatenate([inc, inc[:, -1:]], axis=1).reshape(
        dim * (ninc + 1))

    mesh = plsc.VectorSubcoreMesh(core_axis_name="c", subcore_axis_name="s")
    run = functools.partial(
        pl.kernel,
        out_type=[
            jax.ShapeDtypeStruct((n // 128, dim, 128), jnp.float32),
            jax.ShapeDtypeStruct((n,), jnp.float32),
        ],
        mesh=mesh,
        compiler_params=pltpu.CompilerParams(use_tc_tiling_on_sc=False,
                                             needs_layout_passes=False),
        scratch_types=[
            pltpu.VMEM((dim * (ninc + 1),), jnp.float32),
            pltpu.VMEM((dim * (ninc + 1),), jnp.float32),
            pltpu.VMEM((2, chunk // 128, dim, 128), jnp.float32),
            pltpu.VMEM((2, dim, chunk), jnp.float32),
            pltpu.VMEM((2, chunk), jnp.float32),
            pltpu.SemaphoreType.DMA((2,)),
            pltpu.SemaphoreType.DMA((2,)),
            pltpu.SemaphoreType.DMA((2,)),
        ],
    )(functools.partial(_sc_vegas_body, dim, ninc, ppw, chunk, nchunks,
                        ncores))

    u3 = u.reshape(n // 128, 128, dim).transpose(0, 2, 1)
    x_f, jacp = run(u3, grid_f, inc_f)
    x = x_f.transpose(0, 2, 1).reshape(n, dim)
    return x, _tc_log(jacp)

# --- scband reference (transcript-rebuilt; emitter-appended) ---
"""Pipeline reference for scband-vegas-61435212202520 (READ-ONLY COPY).

The authoritative reference and input builder live on the scoring server;
editing this copy changes nothing except your own understanding.
"""

import jax, jax.numpy as jnp
import numpy as np

DIM = 8
NINC = 1000
N = 1048576

def _make_grid(key):
    # nonuniform adapted grid: random positive increments normalized to [0,1]
    incs = jax.random.uniform(key, (DIM, NINC), dtype=jnp.float32, minval=0.1, maxval=1.0)
    incs = incs / jnp.sum(incs, axis=1, keepdims=True)
    grid = jnp.concatenate([jnp.zeros((DIM, 1), jnp.float32), jnp.cumsum(incs, axis=1)], axis=1)
    grid = grid.at[:, -1].set(1.0)
    inc = grid[:, 1:] - grid[:, :-1]
    return grid, inc

def setup_inputs(seed: int = 0):
    key = jax.random.key(seed)
    k1, k2 = jax.random.split(key)
    u = jax.random.uniform(k1, (N, DIM), dtype=jnp.float32)
    grid, inc = _make_grid(k2)
    return {"u": u, "grid": grid, "inc": inc}

def reference(u, grid, inc):
    # Vegas map forward: bounds=[0,1]^dim so A=1, bounds[:,0]=0
    dim = u.shape[1]
    ninc = grid.shape[1] - 1
    u_ninc = u * ninc
    iu = jnp.floor(u_ninc).astype(jnp.int32)
    du_ninc = u_ninc - jnp.floor(u_ninc)
    mask = iu < ninc
    iu_c = jnp.clip(iu, 0, ninc - 1)
    dar = jnp.arange(dim)
    # gather grid[d, iu[n,d]] and inc[d, iu[n,d]]  -> SparseCore gathers
    g = grid[dar[None, :], iu_c]
    inc_g = inc[dar[None, :], iu_c]
    x_in = g + inc_g * du_ninc
    x_out = grid[dar, ninc][None, :]
    x = jnp.where(mask, x_in, x_out)
    jac_in = inc_g * ninc
    jac_out = (inc[dar, ninc - 1] * ninc)[None, :]
    jacf = jnp.where(mask, jac_in, jac_out)
    log_detJ = jnp.sum(jnp.log(jacf), axis=1)
    return x, log_detJ

if __name__ == "__main__":
    import jax
    _d = setup_inputs()
    print(jax.jit(kernel)(*tuple(_d.values())))

</pallas_src>

<mosaic_0001>
#map = affine_map<(d0, d1) -> (0, 0, 0)>
#map1 = affine_map<(d0, d1) -> (0)>
module attributes {stable_mosaic.version = 14 : i64} {
  func.func @_sc_vegas_body(%arg0: i32, %arg1: i32, %arg2: memref<8192x8x128xf32, #tpu.memory_space<hbm>>, %arg3: memref<8008xf32, #tpu.memory_space<hbm>>, %arg4: memref<8008xf32, #tpu.memory_space<hbm>>, %arg5: memref<8192x8x128xf32, #tpu.memory_space<hbm>>, %arg6: memref<1048576xf32, #tpu.memory_space<hbm>>, %arg7: memref<8008xf32, #tpu.memory_space<vmem>>, %arg8: memref<8008xf32, #tpu.memory_space<vmem>>, %arg9: memref<2x16x8x128xf32, #tpu.memory_space<vmem>>, %arg10: memref<2x8x2048xf32, #tpu.memory_space<vmem>>, %arg11: memref<2x2048xf32, #tpu.memory_space<vmem>>, %arg12: memref<2x!tpu.dma_semaphore, #tpu.memory_space<semaphore_mem>>, %arg13: memref<2x!tpu.dma_semaphore, #tpu.memory_space<semaphore_mem>>, %arg14: memref<2x!tpu.dma_semaphore, #tpu.memory_space<semaphore_mem>>) attributes {dimension_semantics = [#tpu.dimension_semantics<core_parallel>, #tpu.dimension_semantics<subcore_parallel>], iteration_bounds = array<i64: 2, 16>, scalar_prefetch = 0 : i64, scratch_operands = 8 : i64, tpu.core_type = #tpu.core_type<sc_vector_subcore>, window_params = [{transform_indices = #map}, {transform_indices = #map1}, {transform_indices = #map1}, {transform_indices = #map}, {transform_indices = #map1}]} {
    %mul3A = arith.constant 2 : i32
    %mul3A_0 = arith.muli %arg1, %mul3A : i32
    %add3A = arith.addi %mul3A_0, %arg0 : i32
    %mul3A_1 = arith.constant 32768 : i32
    %mul3A_2 = arith.muli %add3A, %mul3A_1 : i32
    "tpu.region"() ({
      %run_scoped3A = tpu.sem_alloc : memref<!tpu.dma_semaphore, #tpu.memory_space<semaphore_mem>>
      tpu.enqueue_dma source(%arg3 : memref<8008xf32, #tpu.memory_space<hbm>>) target(%arg7 : memref<8008xf32, #tpu.memory_space<vmem>>) target_semaphore(%run_scoped3A : memref<!tpu.dma_semaphore, #tpu.memory_space<semaphore_mem>>)
      tpu.wait_dma2 semaphore(%run_scoped3A : memref<!tpu.dma_semaphore, #tpu.memory_space<semaphore_mem>>) src(%arg3 : memref<8008xf32, #tpu.memory_space<hbm>>) dst(%arg7 : memref<8008xf32, #tpu.memory_space<vmem>>)
      tpu.yield
    }) : () -> ()
    "tpu.region"() ({
      %run_scoped3A = tpu.sem_alloc : memref<!tpu.dma_semaphore, #tpu.memory_space<semaphore_mem>>
      tpu.enqueue_dma source(%arg4 : memref<8008xf32, #tpu.memory_space<hbm>>) target(%arg8 : memref<8008xf32, #tpu.memory_space<vmem>>) target_semaphore(%run_scoped3A : memref<!tpu.dma_semaphore, #tpu.memory_space<semaphore_mem>>)
      tpu.wait_dma2 semaphore(%run_scoped3A : memref<!tpu.dma_semaphore, #tpu.memory_space<semaphore_mem>>) src(%arg4 : memref<8008xf32, #tpu.memory_space<hbm>>) dst(%arg8 : memref<8008xf32, #tpu.memory_space<vmem>>)
      tpu.yield
    }) : () -> ()
    %add3A_3 = arith.constant 0 : i32
    %add3A_4 = arith.addi %mul3A_2, %add3A_3 : i32
    %jit3A = arith.constant 128 : i32
    %div3A = arith.divsi %add3A_4, %jit3A : i32
    %sign3A = arith.constant 0 : i32
    %sign3A_5 = arith.cmpi sgt, %add3A_4, %sign3A : i32
    %sign3A_6 = arith.extui %sign3A_5 : i1 to i32
    %sign3A_7 = arith.constant 0 : i32
    %sign3A_8 = arith.cmpi slt, %add3A_4, %sign3A_7 : i32
    %sign3A_9 = arith.extui %sign3A_8 : i1 to i32
    %sign3A_10 = arith.subi %sign3A_6, %sign3A_9 : i32
    %sign3A_11 = arith.constant 0 : i32
    %sign3A_12 = arith.cmpi sgt, %jit3A, %sign3A_11 : i32
    %sign3A_13 = arith.extui %sign3A_12 : i1 to i32
    %sign3A_14 = arith.constant 0 : i32
    %sign3A_15 = arith.cmpi slt, %jit3A, %sign3A_14 : i32
    %sign3A_16 = arith.extui %sign3A_15 : i1 to i32
    %sign3A_17 = arith.subi %sign3A_13, %sign3A_16 : i32
    %ne3A = arith.cmpi ne, %sign3A_10, %sign3A_17 : i32
    %rem3A = arith.remsi %add3A_4, %jit3A : i32
    %ne3A_18 = arith.constant 0 : i32
    %ne3A_19 = arith.cmpi ne, %rem3A, %ne3A_18 : i32
    %and3A = arith.andi %ne3A, %ne3A_19 : i1
    %sub3A = arith.constant 1 : i32
    %sub3A_20 = arith.subi %div3A, %sub3A : i32
    %select_n3A = arith.select %and3A, %sub3A_20, %div3A : i32
    %dma_start3A = arith.constant 0 : i32
    %dma_start3A_21 = arith.constant 0 : i32
    %dma_start3A_22 = arith.constant 0 : i32
    %dma_start3A_23 = arith.constant 0 : i32
    %dma_start3A_24 = arith.constant 0 : i32
    %dma_start3A_25 = tpu.memref_slice %arg9[%dma_start3A, %dma_start3A_22, %dma_start3A_23, %dma_start3A_24] : memref<2x16x8x128xf32, #tpu.memory_space<vmem>> -> memref<1x16x8x128xf32, #tpu.memory_space<vmem>>
    %dma_start3A_26 = tpu.memref_squeeze %dma_start3A_25 : memref<1x16x8x128xf32, #tpu.memory_space<vmem>> -> memref<16x8x128xf32, #tpu.memory_space<vmem>>
    %dma_start3A_27 = arith.constant 0 : i32
    %dma_start3A_28 = arith.constant 0 : i32
    %dma_start3A_29 = tpu.memref_slice %arg2[%select_n3A, %dma_start3A_27, %dma_start3A_28] : memref<8192x8x128xf32, #tpu.memory_space<hbm>> -> memref<16x8x128xf32, #tpu.memory_space<hbm>>
    %dma_start3A_30 = tpu.memref_slice %arg12[%dma_start3A_21] : memref<2x!tpu.dma_semaphore, #tpu.memory_space<semaphore_mem>> -> memref<1x!tpu.dma_semaphore, #tpu.memory_space<semaphore_mem>>
    %dma_start3A_31 = tpu.memref_squeeze %dma_start3A_30 : memref<1x!tpu.dma_semaphore, #tpu.memory_space<semaphore_mem>> -> memref<!tpu.dma_semaphore, #tpu.memory_space<semaphore_mem>>
    %dma_start3A_32 = arith.constant 0 : i32
    %dma_start3A_33 = arith.constant 0 : i32
    %dma_start3A_34 = arith.constant 0 : i32
    %dma_start3A_35 = tpu.memref_slice %arg9[%dma_start3A, %dma_start3A_32, %dma_start3A_33, %dma_start3A_34] : memref<2x16x8x128xf32, #tpu.memory_space<vmem>> -> memref<1x16x8x128xf32, #tpu.memory_space<vmem>>
    %dma_start3A_36 = tpu.memref_squeeze %dma_start3A_35 : memref<1x16x8x128xf32, #tpu.memory_space<vmem>> -> memref<16x8x128xf32, #tpu.memory_space<vmem>>
    %dma_start3A_37 = arith.constant 0 : i32
    %dma_start3A_38 = arith.constant 0 : i32
    %dma_start3A_39 = tpu.memref_slice %arg2[%select_n3A, %dma_start3A_37, %dma_start3A_38] : memref<8192x8x128xf32, #tpu.memory_space<hbm>> -> memref<16x8x128xf32, #tpu.memory_space<hbm>>
    tpu.enqueue_dma source(%dma_start3A_39 : memref<16x8x128xf32, #tpu.memory_space<hbm>>) target(%dma_start3A_36 : memref<16x8x128xf32, #tpu.memory_space<vmem>>) target_semaphore(%dma_start3A_31 : memref<!tpu.dma_semaphore, #tpu.memory_space<semaphore_mem>>)
    %scan3A = arith.constant 0 : i32
    %scan3A_40 = arith.constant 0 : i32
    %scan3A_41 = arith.constant 8 : i32
    %scan3A_42 = arith.addi %scan3A_40, %scan3A_41 : i32
    %scan3A_43 = arith.constant 1 : i32
    %scan3A_44 = scf.for %scan3A_87 = %scan3A_40 to %scan3A_42 step %scan3A_43 iter_args(%scan3A_88 = %scan3A) -> (i32)  : i32 {
      %mul3A_89 = arith.constant 2 : i32
      %mul3A_90 = arith.muli %scan3A_87, %mul3A_89 : i32
      %add3A_91 = arith.constant 0 : i32
      %add3A_92 = arith.addi %mul3A_90, %add3A_91 : i32
      %mul3A_93 = arith.constant 2048 : i32
      %mul3A_94 = arith.muli %add3A_92, %mul3A_93 : i32
      %add3A_95 = arith.addi %mul3A_2, %mul3A_94 : i32
      %jit3A_96 = arith.constant 128 : i32
      %div3A_97 = arith.divsi %add3A_95, %jit3A_96 : i32
      %sign3A_98 = arith.constant 0 : i32
      %sign3A_99 = arith.cmpi sgt, %add3A_95, %sign3A_98 : i32
      %sign3A_100 = arith.extui %sign3A_99 : i1 to i32
      %sign3A_101 = arith.constant 0 : i32
      %sign3A_102 = arith.cmpi slt, %add3A_95, %sign3A_101 : i32
      %sign3A_103 = arith.extui %sign3A_102 : i1 to i32
      %sign3A_104 = arith.subi %sign3A_100, %sign3A_103 : i32
      %sign3A_105 = arith.constant 0 : i32
      %sign3A_106 = arith.cmpi sgt, %jit3A_96, %sign3A_105 : i32
      %sign3A_107 = arith.extui %sign3A_106 : i1 to i32
      %sign3A_108 = arith.constant 0 : i32
      %sign3A_109 = arith.cmpi slt, %jit3A_96, %sign3A_108 : i32
      %sign3A_110 = arith.extui %sign3A_109 : i1 to i32
      %sign3A_111 = arith.subi %sign3A_107, %sign3A_110 : i32
      %ne3A_112 = arith.cmpi ne, %sign3A_104, %sign3A_111 : i32
      %rem3A_113 = arith.remsi %add3A_95, %jit3A_96 : i32
      %ne3A_114 = arith.constant 0 : i32
      %ne3A_115 = arith.cmpi ne, %rem3A_113, %ne3A_114 : i32
      %and3A_116 = arith.andi %ne3A_112, %ne3A_115 : i1
      %sub3A_117 = arith.constant 1 : i32
      %sub3A_118 = arith.subi %div3A_97, %sub3A_117 : i32
      %select_n3A_119 = arith.select %and3A_116, %sub3A_118, %div3A_97 : i32
      %dma_wait3A_120 = arith.constant 0 : i32
      %dma_wait3A_121 = arith.constant 0 : i32
      %dma_wait3A_122 = arith.constant 0 : i32
      %dma_wait3A_123 = arith.constant 0 : i32
      %dma_wait3A_124 = arith.constant 0 : i32
      %dma_wait3A_125 = tpu.memref_slice %arg9[%dma_wait3A_120, %dma_wait3A_122, %dma_wait3A_123, %dma_wait3A_124] : memref<2x16x8x128xf32, #tpu.memory_space<vmem>> -> memref<1x16x8x128xf32, #tpu.memory_space<vmem>>
      %dma_wait3A_126 = tpu.memref_squeeze %dma_wait3A_125 : memref<1x16x8x128xf32, #tpu.memory_space<vmem>> -> memref<16x8x128xf32, #tpu.memory_space<vmem>>
      %dma_wait3A_127 = arith.constant 0 : i32
      %dma_wait3A_128 = arith.constant 0 : i32
      %dma_wait3A_129 = tpu.memref_slice %arg2[%select_n3A_119, %dma_wait3A_127, %dma_wait3A_128] : memref<8192x8x128xf32, #tpu.memory_space<hbm>> -> memref<16x8x128xf32, #tpu.memory_space<hbm>>
      %dma_wait3A_130 = tpu.memref_slice %arg12[%dma_wait3A_121] : memref<2x!tpu.dma_semaphore, #tpu.memory_space<semaphore_mem>> -> memref<1x!tpu.dma_semaphore, #tpu.memory_space<semaphore_mem>>
      %dma_wait3A_131 = tpu.memref_squeeze %dma_wait3A_130 : memref<1x!tpu.dma_semaphore, #tpu.memory_space<semaphore_mem>> -> memref<!tpu.dma_semaphore, #tpu.memory_space<semaphore_mem>>
      %dma_wait3A_132 = arith.constant 0 : i32
      %dma_wait3A_133 = arith.constant 0 : i32
      %dma_wait3A_134 = arith.constant 0 : i32
      %dma_wait3A_135 = tpu.memref_slice %arg9[%dma_wait3A_120, %dma_wait3A_132, %dma_wait3A_133, %dma_wait3A_134] : memref<2x16x8x128xf32, #tpu.memory_space<vmem>> -> memref<1x16x8x128xf32, #tpu.memory_space<vmem>>
      %dma_wait3A_136 = tpu.memref_squeeze %dma_wait3A_135 : memref<1x16x8x128xf32, #tpu.memory_space<vmem>> -> memref<16x8x128xf32, #tpu.memory_space<vmem>>
      %dma_wait3A_137 = arith.constant 0 : i32
      %dma_wait3A_138 = arith.constant 0 : i32
      %dma_wait3A_139 = tpu.memref_slice %arg2[%select_n3A_119, %dma_wait3A_137, %dma_wait3A_138] : memref<8192x8x128xf32, #tpu.memory_space<hbm>> -> memref<16x8x128xf32, #tpu.memory_space<hbm>>
      tpu.wait_dma2 semaphore(%dma_wait3A_131 : memref<!tpu.dma_semaphore, #tpu.memory_space<semaphore_mem>>) src(%dma_wait3A_139 : memref<16x8x128xf32, #tpu.memory_space<hbm>>) dst(%dma_wait3A_136 : memref<16x8x128xf32, #tpu.memory_space<vmem>>)
      %add3A_140 = arith.constant 1 : i32
      %add3A_141 = arith.addi %add3A_92, %add3A_140 : i32
      %lt3A = arith.constant 16 : i32
      %lt3A_142 = arith.cmpi slt, %add3A_141, %lt3A : i32
      %convert_element_type3A = arith.extui %lt3A_142 : i1 to i32
      %cond3A = arith.constant 0 : i32
      %cond3A_143 = arith.cmpi ne, %convert_element_type3A, %cond3A : i32
      scf.if %cond3A_143 {
        %add3A_261 = arith.constant 1 : i32
        %add3A_262 = arith.addi %add3A_92, %add3A_261 : i32
        %mul3A_263 = arith.constant 2048 : i32
        %mul3A_264 = arith.muli %add3A_262, %mul3A_263 : i32
        %add3A_265 = arith.addi %mul3A_2, %mul3A_264 : i32
        %jit3A_266 = arith.constant 128 : i32
        %div3A_267 = arith.divsi %add3A_265, %jit3A_266 : i32
        %sign3A_268 = arith.constant 0 : i32
        %sign3A_269 = arith.cmpi sgt, %add3A_265, %sign3A_268 : i32
        %sign3A_270 = arith.extui %sign3A_269 : i1 to i32
        %sign3A_271 = arith.constant 0 : i32
        %sign3A_272 = arith.cmpi slt, %add3A_265, %sign3A_271 : i32
        %sign3A_273 = arith.extui %sign3A_272 : i1 to i32
        %sign3A_274 = arith.subi %sign3A_270, %sign3A_273 : i32
        %sign3A_275 = arith.constant 0 : i32
        %sign3A_276 = arith.cmpi sgt, %jit3A_266, %sign3A_275 : i32
        %sign3A_277 = arith.extui %sign3A_276 : i1 to i32
        %sign3A_278 = arith.constant 0 : i32
        %sign3A_279 = arith.cmpi slt, %jit3A_266, %sign3A_278 : i32
        %sign3A_280 = arith.extui %sign3A_279 : i1 to i32
        %sign3A_281 = arith.subi %sign3A_277, %sign3A_280 : i32
        %ne3A_282 = arith.cmpi ne, %sign3A_274, %sign3A_281 : i32
        %rem3A_283 = arith.remsi %add3A_265, %jit3A_266 : i32
        %ne3A_284 = arith.constant 0 : i32
        %ne3A_285 = arith.cmpi ne, %rem3A_283, %ne3A_284 : i32
        %and3A_286 = arith.andi %ne3A_282, %ne3A_285 : i1
        %sub3A_287 = arith.constant 1 : i32
        %sub3A_288 = arith.subi %div3A_267, %sub3A_287 : i32
        %select_n3A_289 = arith.select %and3A_286, %sub3A_288, %div3A_267 : i32
        %dma_start3A_290 = arith.constant 1 : i32
        %dma_start3A_291 = arith.constant 1 : i32
        %dma_start3A_292 = arith.constant 0 : i32
        %dma_start3A_293 = arith.constant 0 : i32
        %dma_start3A_294 = arith.constant 0 : i32
        %dma_start3A_295 = tpu.memref_slice %arg9[%dma_start3A_290, %dma_start3A_292, %dma_start3A_293, %dma_start3A_294] : memref<2x16x8x128xf32, #tpu.memory_space<vmem>> -> memref<1x16x8x128xf32, #tpu.memory_space<vmem>>
        %dma_start3A_296 = tpu.memref_squeeze %dma_start3A_295 : memref<1x16x8x128xf32, #tpu.memory_space<vmem>> -> memref<16x8x128xf32, #tpu.memory_space<vmem>>
        %dma_start3A_297 = arith.constant 0 : i32
        %dma_start3A_298 = arith.constant 0 : i32
        %dma_start3A_299 = tpu.memref_slice %arg2[%select_n3A_289, %dma_start3A_297, %dma_start3A_298] : memref<8192x8x128xf32, #tpu.memory_space<hbm>> -> memref<16x8x128xf32, #tpu.memory_space<hbm>>
        %dma_start3A_300 = tpu.memref_slice %arg12[%dma_start3A_291] : memref<2x!tpu.dma_semaphore, #tpu.memory_space<semaphore_mem>> -> memref<1x!tpu.dma_semaphore, #tpu.memory_space<semaphore_mem>>
        %dma_start3A_301 = tpu.memref_squeeze %dma_start3A_300 : memref<1x!tpu.dma_semaphore, #tpu.memory_space<semaphore_mem>> -> memref<!tpu.dma_semaphore, #tpu.memory_space<semaphore_mem>>
        %dma_start3A_302 = arith.constant 0 : i32
        %dma_start3A_303 = arith.constant 0 : i32
        %dma_start3A_304 = arith.constant 0 : i32
        %dma_start3A_305 = tpu.memref_slice %arg9[%dma_start3A_290, %dma_start3A_302, %dma_start3A_303, %dma_start3A_304] : memref<2x16x8x128xf32, #tpu.memory_space<vmem>> -> memref<1x16x8x128xf32, #tpu.memory_space<vmem>>
        %dma_start3A_306 = tpu.memref_squeeze %dma_start3A_305 : memref<1x16x8x128xf32, #tpu.memory_space<vmem>> -> memref<16x8x128xf32, #tpu.memory_space<vmem>>
        %dma_start3A_307 = arith.constant 0 : i32
        %dma_start3A_308 = arith.constant 0 : i32
        %dma_start3A_309 = tpu.memref_slice %arg2[%select_n3A_289, %dma_start3A_307, %dma_start3A_308] : memref<8192x8x128xf32, #tpu.memory_space<hbm>> -> memref<16x8x128xf32, #tpu.memory_space<hbm>>
        tpu.enqueue_dma source(%dma_start3A_309 : memref<16x8x128xf32, #tpu.memory_space<hbm>>) target(%dma_start3A_306 : memref<16x8x128xf32, #tpu.memory_space<vmem>>) target_semaphore(%dma_start3A_301 : memref<!tpu.dma_semaphore, #tpu.memory_space<semaphore_mem>>)
      } else {
      }
      %ge3A = arith.constant 2 : i32
      %ge3A_144 = arith.cmpi sge, %add3A_92, %ge3A : i32
      %convert_element_type3A_145 = arith.extui %ge3A_144 : i1 to i32
      %cond3A_146 = arith.constant 0 : i32
      %cond3A_147 = arith.cmpi ne, %convert_element_type3A_145, %cond3A_146 : i32
      scf.if %cond3A_147 {
        %scan3A_261 = arith.constant 0 : i32
        %scan3A_262 = arith.constant 0 : i32
        %scan3A_263 = arith.constant 16 : i32
        %scan3A_264 = arith.addi %scan3A_262, %scan3A_263 : i32
        %scan3A_265 = arith.constant 1 : i32
        %scan3A_266 = scf.for %scan3A_282 = %scan3A_262 to %scan3A_264 step %scan3A_265 iter_args(%scan3A_283 = %scan3A_261) -> (i32)  : i32 {
          %dma_wait3A_284 = arith.constant 0 : i32
          %dma_wait3A_285 = arith.constant 0 : i32
          %dma_wait3A_286 = arith.constant 0 : i32
          %dma_wait3A_287 = arith.constant 0 : i32
          %dma_wait3A_288 = arith.constant 0 : i32
          %dma_wait3A_289 = tpu.memref_slice %arg10[%dma_wait3A_284, %dma_wait3A_287, %dma_wait3A_288] : memref<2x8x2048xf32, #tpu.memory_space<vmem>> -> memref<1x8x128xf32, #tpu.memory_space<vmem>>
          %dma_wait3A_290 = tpu.memref_squeeze %dma_wait3A_289 : memref<1x8x128xf32, #tpu.memory_space<vmem>> -> memref<8x128xf32, #tpu.memory_space<vmem>>
          %dma_wait3A_291 = arith.constant 0 : i32
          %dma_wait3A_292 = arith.constant 0 : i32
          %dma_wait3A_293 = tpu.memref_slice %arg5[%dma_wait3A_285, %dma_wait3A_291, %dma_wait3A_292] : memref<8192x8x128xf32, #tpu.memory_space<hbm>> -> memref<1x8x128xf32, #tpu.memory_space<hbm>>
          %dma_wait3A_294 = tpu.memref_squeeze %dma_wait3A_293 : memref<1x8x128xf32, #tpu.memory_space<hbm>> -> memref<8x128xf32, #tpu.memory_space<hbm>>
          %dma_wait3A_295 = tpu.memref_slice %arg13[%dma_wait3A_286] : memref<2x!tpu.dma_semaphore, #tpu.memory_space<semaphore_mem>> -> memref<1x!tpu.dma_semaphore, #tpu.memory_space<semaphore_mem>>
          %dma_wait3A_296 = tpu.memref_squeeze %dma_wait3A_295 : memref<1x!tpu.dma_semaphore, #tpu.memory_space<semaphore_mem>> -> memref<!tpu.dma_semaphore, #tpu.memory_space<semaphore_mem>>
          %dma_wait3A_297 = arith.constant 0 : i32
          %dma_wait3A_298 = arith.constant 0 : i32
          %dma_wait3A_299 = tpu.memref_slice %arg5[%dma_wait3A_285, %dma_wait3A_297, %dma_wait3A_298] : memref<8192x8x128xf32, #tpu.memory_space<hbm>> -> memref<1x8x128xf32, #tpu.memory_space<hbm>>
          %dma_wait3A_300 = tpu.memref_squeeze %dma_wait3A_299 : memref<1x8x128xf32, #tpu.memory_space<hbm>> -> memref<8x128xf32, #tpu.memory_space<hbm>>
          %dma_wait3A_301 = arith.constant 0 : i32
          %dma_wait3A_302 = arith.constant 0 : i32
          %dma_wait3A_303 = tpu.memref_slice %arg10[%dma_wait3A_284, %dma_wait3A_301, %dma_wait3A_302] : memref<2x8x2048xf32, #tpu.memory_space<vmem>> -> memref<1x8x128xf32, #tpu.memory_space<vmem>>
          %dma_wait3A_304 = tpu.memref_squeeze %dma_wait3A_303 : memref<1x8x128xf32, #tpu.memory_space<vmem>> -> memref<8x128xf32, #tpu.memory_space<vmem>>
          tpu.wait_dma2 semaphore(%dma_wait3A_296 : memref<!tpu.dma_semaphore, #tpu.memory_space<semaphore_mem>>) src(%dma_wait3A_304 : memref<8x128xf32, #tpu.memory_space<vmem>>) dst(%dma_wait3A_300 : memref<8x128xf32, #tpu.memory_space<hbm>>)
          %scan3A_305 = arith.constant 0 : i32
          scf.yield %scan3A_305 : i32
        }
        %scan3A_267 = arith.constant 16 : i32
        %dma_wait3A_268 = arith.constant 0 : i32
        %dma_wait3A_269 = arith.constant 0 : i32
        %dma_wait3A_270 = arith.constant 0 : i32
        %dma_wait3A_271 = tpu.memref_slice %arg11[%dma_wait3A_268, %dma_wait3A_270] : memref<2x2048xf32, #tpu.memory_space<vmem>> -> memref<1x2048xf32, #tpu.memory_space<vmem>>
        %dma_wait3A_272 = tpu.memref_squeeze %dma_wait3A_271 : memref<1x2048xf32, #tpu.memory_space<vmem>> -> memref<2048xf32, #tpu.memory_space<vmem>>
        %dma_wait3A_273 = arith.constant 0 : i32
        %dma_wait3A_274 = tpu.memref_slice %arg6[%dma_wait3A_273] : memref<1048576xf32, #tpu.memory_space<hbm>> -> memref<2048xf32, #tpu.memory_space<hbm>>
        %dma_wait3A_275 = tpu.memref_slice %arg14[%dma_wait3A_269] : memref<2x!tpu.dma_semaphore, #tpu.memory_space<semaphore_mem>> -> memref<1x!tpu.dma_semaphore, #tpu.memory_space<semaphore_mem>>
        %dma_wait3A_276 = tpu.memref_squeeze %dma_wait3A_275 : memref<1x!tpu.dma_semaphore, #tpu.memory_space<semaphore_mem>> -> memref<!tpu.dma_semaphore, #tpu.memory_space<semaphore_mem>>
        %dma_wait3A_277 = arith.constant 0 : i32
        %dma_wait3A_278 = tpu.memref_slice %arg6[%dma_wait3A_277] : memref<1048576xf32, #tpu.memory_space<hbm>> -> memref<2048xf32, #tpu.memory_space<hbm>>
        %dma_wait3A_279 = arith.constant 0 : i32
        %dma_wait3A_280 = tpu.memref_slice %arg11[%dma_wait3A_268, %dma_wait3A_279] : memref<2x2048xf32, #tpu.memory_space<vmem>> -> memref<1x2048xf32, #tpu.memory_space<vmem>>
        %dma_wait3A_281 = tpu.memref_squeeze %dma_wait3A_280 : memref<1x2048xf32, #tpu.memory_space<vmem>> -> memref<2048xf32, #tpu.memory_space<vmem>>
        tpu.wait_dma2 semaphore(%dma_wait3A_276 : memref<!tpu.dma_semaphore, #tpu.memory_space<semaphore_mem>>) src(%dma_wait3A_281 : memref<2048xf32, #tpu.memory_space<vmem>>) dst(%dma_wait3A_278 : memref<2048xf32, #tpu.memory_space<hbm>>)
      } else {
      }
      %parallel_loop3A = arith.constant 0 : i32
      %parallel_loop3A_148 = arith.constant 2048 : i32
      %parallel_loop3A_149 = arith.constant 16 : i32
      scf.for %parallel_loop3A_261 = %parallel_loop3A to %parallel_loop3A_148 step %parallel_loop3A_149  : i32 {
        %parallel_loop3A_262 = arith.constant 7 : i32
        %parallel_loop3A_263 = arith.shrsi %parallel_loop3A_261, %parallel_loop3A_262 : i32
        %parallel_loop3A_264 = arith.constant 127 : i32
        %parallel_loop3A_265 = arith.andi %parallel_loop3A_261, %parallel_loop3A_264 : i32
        %parallel_loop3A_266 = arith.constant 0 : i32
        %parallel_loop3A_267 = arith.constant 0 : i32
        %parallel_loop3A_268 = arith.index_cast %parallel_loop3A_266 : i32 to index
        %parallel_loop3A_269 = arith.index_cast %parallel_loop3A_263 : i32 to index
        %parallel_loop3A_270 = arith.index_cast %parallel_loop3A_267 : i32 to index
        %parallel_loop3A_271 = arith.index_cast %parallel_loop3A_265 : i32 to index
        %parallel_loop3A_272 = tpu.vector_load %arg9[%parallel_loop3A_268, %parallel_loop3A_269, %parallel_loop3A_270, %parallel_loop3A_271] {strides = array<i32>} : memref<2x16x8x128xf32, #tpu.memory_space<vmem>>, vector<16xf32>,
        %parallel_loop3A_273 = arith.constant 1.000000e+03 : f32
        %parallel_loop3A_274 = vector.broadcast %parallel_loop3A_273 : f32 to vector<16xf32>
        %parallel_loop3A_275 = arith.mulf %parallel_loop3A_272, %parallel_loop3A_274 : vector<16xf32>
        %parallel_loop3A_276 = arith.fptosi %parallel_loop3A_275 : vector<16xf32> to vector<16xi32>
        %parallel_loop3A_277 = arith.sitofp %parallel_loop3A_276 : vector<16xi32> to vector<16xf32>
        %parallel_loop3A_278 = arith.subf %parallel_loop3A_275, %parallel_loop3A_277 : vector<16xf32>
        %parallel_loop3A_279 = arith.constant 1000 : i32
        %parallel_loop3A_280 = vector.broadcast %parallel_loop3A_279 : i32 to vector<16xi32>
        %parallel_loop3A_281 = arith.minsi %parallel_loop3A_276, %parallel_loop3A_280 : vector<16xi32>
        %parallel_loop3A_282 = arith.constant 0 : i32
        %parallel_loop3A_283 = vector.broadcast %parallel_loop3A_282 : i32 to vector<16xi32>
        %parallel_loop3A_284 = arith.addi %parallel_loop3A_281, %parallel_loop3A_283 : vector<16xi32>
        %parallel_loop3A_285 = tpu.vector_load_idx %arg7[%parallel_loop3A_284] : memref<8008xf32, #tpu.memory_space<vmem>>[vector<16xi32>], vector<16xf32>,
        %parallel_loop3A_286 = tpu.vector_load_idx %arg8[%parallel_loop3A_284] : memref<8008xf32, #tpu.memory_space<vmem>>[vector<16xi32>], vector<16xf32>,
        %parallel_loop3A_287 = arith.mulf %parallel_loop3A_286, %parallel_loop3A_278 : vector<16xf32>
        %parallel_loop3A_288 = arith.addf %parallel_loop3A_285, %parallel_loop3A_287 : vector<16xf32>
        %parallel_loop3A_289 = arith.constant 0 : i32
        %parallel_loop3A_290 = arith.constant 0 : i32
        %parallel_loop3A_291 = arith.index_cast %parallel_loop3A_289 : i32 to index
        %parallel_loop3A_292 = arith.index_cast %parallel_loop3A_290 : i32 to index
        %parallel_loop3A_293 = arith.index_cast %parallel_loop3A_261 : i32 to index
        %parallel_loop3A_294 = tpu.vector_load %arg10[%parallel_loop3A_291, %parallel_loop3A_292, %parallel_loop3A_293] {strides = array<i32>} : memref<2x8x2048xf32, #tpu.memory_space<vmem>>, vector<16xf32>,
        tpu.vector_store %arg10[%parallel_loop3A_291, %parallel_loop3A_292, %parallel_loop3A_293], %parallel_loop3A_288 {strides = array<i32>} : memref<2x8x2048xf32, #tpu.memory_space<vmem>>, vector<16xf32>,
        %parallel_loop3A_295 = arith.constant 1.000000e+03 : f32
        %parallel_loop3A_296 = vector.broadcast %parallel_loop3A_295 : f32 to vector<16xf32>
        %parallel_loop3A_297 = arith.mulf %parallel_loop3A_286, %parallel_loop3A_296 : vector<16xf32>
        %parallel_loop3A_298 = arith.constant 0 : i32
        %parallel_loop3A_299 = arith.constant 1 : i32
        %parallel_loop3A_300 = arith.index_cast %parallel_loop3A_298 : i32 to index
        %parallel_loop3A_301 = arith.index_cast %parallel_loop3A_263 : i32 to index
        %parallel_loop3A_302 = arith.index_cast %parallel_loop3A_299 : i32 to index
        %parallel_loop3A_303 = arith.index_cast %parallel_loop3A_265 : i32 to index
        %parallel_loop3A_304 = tpu.vector_load %arg9[%parallel_loop3A_300, %parallel_loop3A_301, %parallel_loop3A_302, %parallel_loop3A_303] {strides = array<i32>} : memref<2x16x8x128xf32, #tpu.memory_space<vmem>>, vector<16xf32>,
        %parallel_loop3A_305 = arith.constant 1.000000e+03 : f32
        %parallel_loop3A_306 = vector.broadcast %parallel_loop3A_305 : f32 to vector<16xf32>
        %parallel_loop3A_307 = arith.mulf %parallel_loop3A_304, %parallel_loop3A_306 : vector<16xf32>
        %parallel_loop3A_308 = arith.fptosi %parallel_loop3A_307 : vector<16xf32> to vector<16xi32>
        %parallel_loop3A_309 = arith.sitofp %parallel_loop3A_308 : vector<16xi32> to vector<16xf32>
        %parallel_loop3A_310 = arith.subf %parallel_loop3A_307, %parallel_loop3A_309 : vector<16xf32>
        %parallel_loop3A_311 = arith.constant 1000 : i32
        %parallel_loop3A_312 = vector.broadcast %parallel_loop3A_311 : i32 to vector<16xi32>
        %parallel_loop3A_313 = arith.minsi %parallel_loop3A_308, %parallel_loop3A_312 : vector<16xi32>
        %parallel_loop3A_314 = arith.constant 1001 : i32
        %parallel_loop3A_315 = vector.broadcast %parallel_loop3A_314 : i32 to vector<16xi32>
        %parallel_loop3A_316 = arith.addi %parallel_loop3A_313, %parallel_loop3A_315 : vector<16xi32>
        %parallel_loop3A_317 = tpu.vector_load_idx %arg7[%parallel_loop3A_316] : memref<8008xf32, #tpu.memory_space<vmem>>[vector<16xi32>], vector<16xf32>,
        %parallel_loop3A_318 = tpu.vector_load_idx %arg8[%parallel_loop3A_316] : memref<8008xf32, #tpu.memory_space<vmem>>[vector<16xi32>], vector<16xf32>,
        %parallel_loop3A_319 = arith.mulf %parallel_loop3A_318, %parallel_loop3A_310 : vector<16xf32>
        %parallel_loop3A_320 = arith.addf %parallel_loop3A_317, %parallel_loop3A_319 : vector<16xf32>
        %parallel_loop3A_321 = arith.constant 0 : i32
        %parallel_loop3A_322 = arith.constant 1 : i32
        %parallel_loop3A_323 = arith.index_cast %parallel_loop3A_321 : i32 to index
        %parallel_loop3A_324 = arith.index_cast %parallel_loop3A_322 : i32 to index
        %parallel_loop3A_325 = arith.index_cast %parallel_loop3A_261 : i32 to index
        %parallel_loop3A_326 = tpu.vector_load %arg10[%parallel_loop3A_323, %parallel_loop3A_324, %parallel_loop3A_325] {strides = array<i32>} : memref<2x8x2048xf32, #tpu.memory_space<vmem>>, vector<16xf32>,
        tpu.vector_store %arg10[%parallel_loop3A_323, %parallel_loop3A_324, %parallel_loop3A_325], %parallel_loop3A_320 {strides = array<i32>} : memref<2x8x2048xf32, #tpu.memory_space<vmem>>, vector<16xf32>,
        %parallel_loop3A_327 = arith.constant 1.000000e+03 : f32
        %parallel_loop3A_328 = vector.broadcast %parallel_loop3A_327 : f32 to vector<16xf32>
        %parallel_loop3A_329 = arith.mulf %parallel_loop3A_318, %parallel_loop3A_328 : vector<16xf32>
        %parallel_loop3A_330 = arith.constant 0 : i32
        %parallel_loop3A_331 = arith.constant 2 : i32
        %parallel_loop3A_332 = arith.index_cast %parallel_loop3A_330 : i32 to index
        %parallel_loop3A_333 = arith.index_cast %parallel_loop3A_263 : i32 to index
        %parallel_loop3A_334 = arith.index_cast %parallel_loop3A_331 : i32 to index
        %parallel_loop3A_335 = arith.index_cast %parallel_loop3A_265 : i32 to index
        %parallel_loop3A_336 = tpu.vector_load %arg9[%parallel_loop3A_332, %parallel_loop3A_333, %parallel_loop3A_334, %parallel_loop3A_335] {strides = array<i32>} : memref<2x16x8x128xf32, #tpu.memory_space<vmem>>, vector<16xf32>,
        %parallel_loop3A_337 = arith.constant 1.000000e+03 : f32
        %parallel_loop3A_338 = vector.broadcast %parallel_loop3A_337 : f32 to vector<16xf32>
        %parallel_loop3A_339 = arith.mulf %parallel_loop3A_336, %parallel_loop3A_338 : vector<16xf32>
        %parallel_loop3A_340 = arith.fptosi %parallel_loop3A_339 : vector<16xf32> to vector<16xi32>
        %parallel_loop3A_341 = arith.sitofp %parallel_loop3A_340 : vector<16xi32> to vector<16xf32>
        %parallel_loop3A_342 = arith.subf %parallel_loop3A_339, %parallel_loop3A_341 : vector<16xf32>
        %parallel_loop3A_343 = arith.constant 1000 : i32
        %parallel_loop3A_344 = vector.broadcast %parallel_loop3A_343 : i32 to vector<16xi32>
        %parallel_loop3A_345 = arith.minsi %parallel_loop3A_340, %parallel_loop3A_344 : vector<16xi32>
        %parallel_loop3A_346 = arith.constant 2002 : i32
        %parallel_loop3A_347 = vector.broadcast %parallel_loop3A_346 : i32 to vector<16xi32>
        %parallel_loop3A_348 = arith.addi %parallel_loop3A_345, %parallel_loop3A_347 : vector<16xi32>
        %parallel_loop3A_349 = tpu.vector_load_idx %arg7[%parallel_loop3A_348] : memref<8008xf32, #tpu.memory_space<vmem>>[vector<16xi32>], vector<16xf32>,
        %parallel_loop3A_350 = tpu.vector_load_idx %arg8[%parallel_loop3A_348] : memref<8008xf32, #tpu.memory_space<vmem>>[vector<16xi32>], vector<16xf32>,
        %parallel_loop3A_351 = arith.mulf %parallel_loop3A_350, %parallel_loop3A_342 : vector<16xf32>
        %parallel_loop3A_352 = arith.addf %parallel_loop3A_349, %parallel_loop3A_351 : vector<16xf32>
        %parallel_loop3A_353 = arith.constant 0 : i32
        %parallel_loop3A_354 = arith.constant 2 : i32
        %parallel_loop3A_355 = arith.index_cast %parallel_loop3A_353 : i32 to index
        %parallel_loop3A_356 = arith.index_cast %parallel_loop3A_354 : i32 to index
        %parallel_loop3A_357 = arith.index_cast %parallel_loop3A_261 : i32 to index
        %parallel_loop3A_358 = tpu.vector_load %arg10[%parallel_loop3A_355, %parallel_loop3A_356, %parallel_loop3A_357] {strides = array<i32>} : memref<2x8x2048xf32, #tpu.memory_space<vmem>>, vector<16xf32>,
        tpu.vector_store %arg10[%parallel_loop3A_355, %parallel_loop3A_356, %parallel_loop3A_357], %parallel_loop3A_352 {strides = array<i32>} : memref<2x8x2048xf32, #tpu.memory_space<vmem>>, vector<16xf32>,
        %parallel_loop3A_359 = arith.constant 1.000000e+03 : f32
        %parallel_loop3A_360 = vector.broadcast %parallel_loop3A_359 : f32 to vector<16xf32>
        %parallel_loop3A_361 = arith.mulf %parallel_loop3A_350, %parallel_loop3A_360 : vector<16xf32>
        %parallel_loop3A_362 = arith.constant 0 : i32
        %parallel_loop3A_363 = arith.constant 3 : i32
        %parallel_loop3A_364 = arith.index_cast %parallel_loop3A_362 : i32 to index
        %parallel_loop3A_365 = arith.index_cast %parallel_loop3A_263 : i32 to index
        %parallel_loop3A_366 = arith.index_cast %parallel_loop3A_363 : i32 to index
        %parallel_loop3A_367 = arith.index_cast %parallel_loop3A_265 : i32 to index
        %parallel_loop3A_368 = tpu.vector_load %arg9[%parallel_loop3A_364, %parallel_loop3A_365, %parallel_loop3A_366, %parallel_loop3A_367] {strides = array<i32>} : memref<2x16x8x128xf32, #tpu.memory_space<vmem>>, vector<16xf32>,
        %parallel_loop3A_369 = arith.constant 1.000000e+03 : f32
        %parallel_loop3A_370 = vector.broadcast %parallel_loop3A_369 : f32 to vector<16xf32>
        %parallel_loop3A_371 = arith.mulf %parallel_loop3A_368, %parallel_loop3A_370 : vector<16xf32>
        %parallel_loop3A_372 = arith.fptosi %parallel_loop3A_371 : vector<16xf32> to vector<16xi32>
        %parallel_loop3A_373 = arith.sitofp %parallel_loop3A_372 : vector<16xi32> to vector<16xf32>
        %parallel_loop3A_374 = arith.subf %parallel_loop3A_371, %parallel_loop3A_373 : vector<16xf32>
        %parallel_loop3A_375 = arith.constant 1000 : i32
        %parallel_loop3A_376 = vector.broadcast %parallel_loop3A_375 : i32 to vector<16xi32>
        %parallel_loop3A_377 = arith.minsi %parallel_loop3A_372, %parallel_loop3A_376 : vector<16xi32>
        %parallel_loop3A_378 = arith.constant 3003 : i32
        %parallel_loop3A_379 = vector.broadcast %parallel_loop3A_378 : i32 to vector<16xi32>
        %parallel_loop3A_380 = arith.addi %parallel_loop3A_377, %parallel_loop3A_379 : vector<16xi32>
        %parallel_loop3A_381 = tpu.vector_load_idx %arg7[%parallel_loop3A_380] : memref<8008xf32, #tpu.memory_space<vmem>>[vector<16xi32>], vector<16xf32>,
        %parallel_loop3A_382 = tpu.vector_load_idx %arg8[%parallel_loop3A_380] : memref<8008xf32, #tpu.memory_space<vmem>>[vector<16xi32>], vector<16xf32>,
        %parallel_loop3A_383 = arith.mulf %parallel_loop3A_382, %parallel_loop3A_374 : vector<16xf32>
        %parallel_loop3A_384 = arith.addf %parallel_loop3A_381, %parallel_loop3A_383 : vector<16xf32>
        %parallel_loop3A_385 = arith.constant 0 : i32
        %parallel_loop3A_386 = arith.constant 3 : i32
        %parallel_loop3A_387 = arith.index_cast %parallel_loop3A_385 : i32 to index
        %parallel_loop3A_388 = arith.index_cast %parallel_loop3A_386 : i32 to index
        %parallel_loop3A_389 = arith.index_cast %parallel_loop3A_261 : i32 to index
        %parallel_loop3A_390 = tpu.vector_load %arg10[%parallel_loop3A_387, %parallel_loop3A_388, %parallel_loop3A_389] {strides = array<i32>} : memref<2x8x2048xf32, #tpu.memory_space<vmem>>, vector<16xf32>,
        tpu.vector_store %arg10[%parallel_loop3A_387, %parallel_loop3A_388, %parallel_loop3A_389], %parallel_loop3A_384 {strides = array<i32>} : memref<2x8x2048xf32, #tpu.memory_space<vmem>>, vector<16xf32>,
        %parallel_loop3A_391 = arith.constant 1.000000e+03 : f32
        %parallel_loop3A_392 = vector.broadcast %parallel_loop3A_391 : f32 to vector<16xf32>
        %parallel_loop3A_393 = arith.mulf %parallel_loop3A_382, %parallel_loop3A_392 : vector<16xf32>
        %parallel_loop3A_394 = arith.constant 0 : i32
        %parallel_loop3A_395 = arith.constant 4 : i32
        %parallel_loop3A_396 = arith.index_cast %parallel_loop3A_394 : i32 to index
        %parallel_loop3A_397 = arith.index_cast %parallel_loop3A_263 : i32 to index
        %parallel_loop3A_398 = arith.index_cast %parallel_loop3A_395 : i32 to index
        %parallel_loop3A_399 = arith.index_cast %parallel_loop3A_265 : i32 to index
        %parallel_loop3A_400 = tpu.vector_load %arg9[%parallel_loop3A_396, %parallel_loop3A_397, %parallel_loop3A_398, %parallel_loop3A_399] {strides = array<i32>} : memref<2x16x8x128xf32, #tpu.memory_space<vmem>>, vector<16xf32>,
        %parallel_loop3A_401 = arith.constant 1.000000e+03 : f32
        %parallel_loop3A_402 = vector.broadcast %parallel_loop3A_401 : f32 to vector<16xf32>
        %parallel_loop3A_403 = arith.mulf %parallel_loop3A_400, %parallel_loop3A_402 : vector<16xf32>
        %parallel_loop3A_404 = arith.fptosi %parallel_loop3A_403 : vector<16xf32> to vector<16xi32>
        %parallel_loop3A_405 = arith.sitofp %parallel_loop3A_404 : vector<16xi32> to vector<16xf32>
        %parallel_loop3A_406 = arith.subf %parallel_loop3A_403, %parallel_loop3A_405 : vector<16xf32>
        %parallel_loop3A_407 = arith.constant 1000 : i32
        %parallel_loop3A_408 = vector.broadcast %parallel_loop3A_407 : i32 to vector<16xi32>
        %parallel_loop3A_409 = arith.minsi %parallel_loop3A_404, %parallel_loop3A_408 : vector<16xi32>
        %parallel_loop3A_410 = arith.constant 4004 : i32
        %parallel_loop3A_411 = vector.broadcast %parallel_loop3A_410 : i32 to vector<16xi32>
        %parallel_loop3A_412 = arith.addi %parallel_loop3A_409, %parallel_loop3A_411 : vector<16xi32>
        %parallel_loop3A_413 = tpu.vector_load_idx %arg7[%parallel_loop3A_412] : memref<8008xf32, #tpu.memory_space<vmem>>[vector<16xi32>], vector<16xf32>,
        %parallel_loop3A_414 = tpu.vector_load_idx %arg8[%parallel_loop3A_412] : memref<8008xf32, #tpu.memory_space<vmem>>[vector<16xi32>], vector<16xf32>,
        %parallel_loop3A_415 = arith.mulf %parallel_loop3A_414, %parallel_loop3A_406 : vector<16xf32>
        %parallel_loop3A_416 = arith.addf %parallel_loop3A_413, %parallel_loop3A_415 : vector<16xf32>
        %parallel_loop3A_417 = arith.constant 0 : i32
        %parallel_loop3A_418 = arith.constant 4 : i32
        %parallel_loop3A_419 = arith.index_cast %parallel_loop3A_417 : i32 to index
        %parallel_loop3A_420 = arith.index_cast %parallel_loop3A_418 : i32 to index
        %parallel_loop3A_421 = arith.index_cast %parallel_loop3A_261 : i32 to index
        %parallel_loop3A_422 = tpu.vector_load %arg10[%parallel_loop3A_419, %parallel_loop3A_420, %parallel_loop3A_421] {strides = array<i32>} : memref<2x8x2048xf32, #tpu.memory_space<vmem>>, vector<16xf32>,
        tpu.vector_store %arg10[%parallel_loop3A_419, %parallel_loop3A_420, %parallel_loop3A_421], %parallel_loop3A_416 {strides = array<i32>} : memref<2x8x2048xf32, #tpu.memory_space<vmem>>, vector<16xf32>,
        %parallel_loop3A_423 = arith.constant 1.000000e+03 : f32
        %parallel_loop3A_424 = vector.broadcast %parallel_loop3A_423 : f32 to vector<16xf32>
        %parallel_loop3A_425 = arith.mulf %parallel_loop3A_414, %parallel_loop3A_424 : vector<16xf32>
        %parallel_loop3A_426 = arith.constant 0 : i32
        %parallel_loop3A_427 = arith.constant 5 : i32
        %parallel_loop3A_428 = arith.index_cast %parallel_loop3A_426 : i32 to index
        %parallel_loop3A_429 = arith.index_cast %parallel_loop3A_263 : i32 to index
        %parallel_loop3A_430 = arith.index_cast %parallel_loop3A_427 : i32 to index
        %parallel_loop3A_431 = arith.index_cast %parallel_loop3A_265 : i32 to index
        %parallel_loop3A_432 = tpu.vector_load %arg9[%parallel_loop3A_428, %parallel_loop3A_429, %parallel_loop3A_430, %parallel_loop3A_431] {strides = array<i32>} : memref<2x16x8x128xf32, #tpu.memory_space<vmem>>, vector<16xf32>,
        %parallel_loop3A_433 = arith.constant 1.000000e+03 : f32
        %parallel_loop3A_434 = vector.broadcast %parallel_loop3A_433 : f32 to vector<16xf32>
        %parallel_loop3A_435 = arith.mulf %parallel_loop3A_432, %parallel_loop3A_434 : vector<16xf32>
        %parallel_loop3A_436 = arith.fptosi %parallel_loop3A_435 : vector<16xf32> to vector<16xi32>
        %parallel_loop3A_437 = arith.sitofp %parallel_loop3A_436 : vector<16xi32> to vector<16xf32>
        %parallel_loop3A_438 = arith.subf %parallel_loop3A_435, %parallel_loop3A_437 : vector<16xf32>
        %parallel_loop3A_439 = arith.constant 1000 : i32
        %parallel_loop3A_440 = vector.broadcast %parallel_loop3A_439 : i32 to vector<16xi32>
        %parallel_loop3A_441 = arith.minsi %parallel_loop3A_436, %parallel_loop3A_440 : vector<16xi32>
        %parallel_loop3A_442 = arith.constant 5005 : i32
        %parallel_loop3A_443 = vector.broadcast %parallel_loop3A_442 : i32 to vector<16xi32>
        %parallel_loop3A_444 = arith.addi %parallel_loop3A_441, %parallel_loop3A_443 : vector<16xi32>
        %parallel_loop3A_445 = tpu.vector_load_idx %arg7[%parallel_loop3A_444] : memref<8008xf32, #tpu.memory_space<vmem>>[vector<16xi32>], vector<16xf32>,
        %parallel_loop3A_446 = tpu.vector_load_idx %arg8[%parallel_loop3A_444] : memref<8008xf32, #tpu.memory_space<vmem>>[vector<16xi32>], vector<16xf32>,
        %parallel_loop3A_447 = arith.mulf %parallel_loop3A_446, %parallel_loop3A_438 : vector<16xf32>
        %parallel_loop3A_448 = arith.addf %parallel_loop3A_445, %parallel_loop3A_447 : vector<16xf32>
        %parallel_loop3A_449 = arith.constant 0 : i32
        %parallel_loop3A_450 = arith.constant 5 : i32
        %parallel_loop3A_451 = arith.index_cast %parallel_loop3A_449 : i32 to index
        %parallel_loop3A_452 = arith.index_cast %parallel_loop3A_450 : i32 to index
        %parallel_loop3A_453 = arith.index_cast %parallel_loop3A_261 : i32 to index
        %parallel_loop3A_454 = tpu.vector_load %arg10[%parallel_loop3A_451, %parallel_loop3A_452, %parallel_loop3A_453] {strides = array<i32>} : memref<2x8x2048xf32, #tpu.memory_space<vmem>>, vector<16xf32>,
        tpu.vector_store %arg10[%parallel_loop3A_451, %parallel_loop3A_452, %parallel_loop3A_453], %parallel_loop3A_448 {strides = array<i32>} : memref<2x8x2048xf32, #tpu.memory_space<vmem>>, vector<16xf32>,
        %parallel_loop3A_455 = arith.constant 1.000000e+03 : f32
        %parallel_loop3A_456 = vector.broadcast %parallel_loop3A_455 : f32 to vector<16xf32>
        %parallel_loop3A_457 = arith.mulf %parallel_loop3A_446, %parallel_loop3A_456 : vector<16xf32>
        %parallel_loop3A_458 = arith.constant 0 : i32
        %parallel_loop3A_459 = arith.constant 6 : i32
        %parallel_loop3A_460 = arith.index_cast %parallel_loop3A_458 : i32 to index
        %parallel_loop3A_461 = arith.index_cast %parallel_loop3A_263 : i32 to index
        %parallel_loop3A_462 = arith.index_cast %parallel_loop3A_459 : i32 to index
        %parallel_loop3A_463 = arith.index_cast %parallel_loop3A_265 : i32 to index
        %parallel_loop3A_464 = tpu.vector_load %arg9[%parallel_loop3A_460, %parallel_loop3A_461, %parallel_loop3A_462, %parallel_loop3A_463] {strides = array<i32>} : memref<2x16x8x128xf32, #tpu.memory_space<vmem>>, vector<16xf32>,
        %parallel_loop3A_465 = arith.constant 1.000000e+03 : f32
        %parallel_loop3A_466 = vector.broadcast %parallel_loop3A_465 : f32 to vector<16xf32>
        %parallel_loop3A_467 = arith.mulf %parallel_loop3A_464, %parallel_loop3A_466 : vector<16xf32>
        %parallel_loop3A_468 = arith.fptosi %parallel_loop3A_467 : vector<16xf32> to vector<16xi32>
        %parallel_loop3A_469 = arith.sitofp %parallel_loop3A_468 : vector<16xi32> to vector<16xf32>
        %parallel_loop3A_470 = arith.subf %parallel_loop3A_467, %parallel_loop3A_469 : vector<16xf32>
        %parallel_loop3A_471 = arith.constant 1000 : i32
        %parallel_loop3A_472 = vector.broadcast %parallel_loop3A_471 : i32 to vector<16xi32>
        %parallel_loop3A_473 = arith.minsi %parallel_loop3A_468, %parallel_loop3A_472 : vector<16xi32>
        %parallel_loop3A_474 = arith.constant 6006 : i32
        %parallel_loop3A_475 = vector.broadcast %parallel_loop3A_474 : i32 to vector<16xi32>
        %parallel_loop3A_476 = arith.addi %parallel_loop3A_473, %parallel_loop3A_475 : vector<16xi32>
        %parallel_loop3A_477 = tpu.vector_load_idx %arg7[%parallel_loop3A_476] : memref<8008xf32, #tpu.memory_space<vmem>>[vector<16xi32>], vector<16xf32>,
        %parallel_loop3A_478 = tpu.vector_load_idx %arg8[%parallel_loop3A_476] : memref<8008xf32, #tpu.memory_space<vmem>>[vector<16xi32>], vector<16xf32>,
        %parallel_loop3A_479 = arith.mulf %parallel_loop3A_478, %parallel_loop3A_470 : vector<16xf32>
        %parallel_loop3A_480 = arith.addf %parallel_loop3A_477, %parallel_loop3A_479 : vector<16xf32>
        %parallel_loop3A_481 = arith.constant 0 : i32
        %parallel_loop3A_482 = arith.constant 6 : i32
        %parallel_loop3A_483 = arith.index_cast %parallel_loop3A_481 : i32 to index
        %parallel_loop3A_484 = arith.index_cast %parallel_loop3A_482 : i32 to index
        %parallel_loop3A_485 = arith.index_cast %parallel_loop3A_261 : i32 to index
        %parallel_loop3A_486 = tpu.vector_load %arg10[%parallel_loop3A_483, %parallel_loop3A_484, %parallel_loop3A_485] {strides = array<i32>} : memref<2x8x2048xf32, #tpu.memory_space<vmem>>, vector<16xf32>,
        tpu.vector_store %arg10[%parallel_loop3A_483, %parallel_loop3A_484, %parallel_loop3A_485], %parallel_loop3A_480 {strides = array<i32>} : memref<2x8x2048xf32, #tpu.memory_space<vmem>>, vector<16xf32>,
        %parallel_loop3A_487 = arith.constant 1.000000e+03 : f32
        %parallel_loop3A_488 = vector.broadcast %parallel_loop3A_487 : f32 to vector<16xf32>
        %parallel_loop3A_489 = arith.mulf %parallel_loop3A_478, %parallel_loop3A_488 : vector<16xf32>
        %parallel_loop3A_490 = arith.constant 0 : i32
        %parallel_loop3A_491 = arith.constant 7 : i32
        %parallel_loop3A_492 = arith.index_cast %parallel_loop3A_490 : i32 to index
        %parallel_loop3A_493 = arith.index_cast %parallel_loop3A_263 : i32 to index
        %parallel_loop3A_494 = arith.index_cast %parallel_loop3A_491 : i32 to index
        %parallel_loop3A_495 = arith.index_cast %parallel_loop3A_265 : i32 to index
        %parallel_loop3A_496 = tpu.vector_load %arg9[%parallel_loop3A_492, %parallel_loop3A_493, %parallel_loop3A_494, %parallel_loop3A_495] {strides = array<i32>} : memref<2x16x8x128xf32, #tpu.memory_space<vmem>>, vector<16xf32>,
        %parallel_loop3A_497 = arith.constant 1.000000e+03 : f32
        %parallel_loop3A_498 = vector.broadcast %parallel_loop3A_497 : f32 to vector<16xf32>
        %parallel_loop3A_499 = arith.mulf %parallel_loop3A_496, %parallel_loop3A_498 : vector<16xf32>
        %parallel_loop3A_500 = arith.fptosi %parallel_loop3A_499 : vector<16xf32> to vector<16xi32>
        %parallel_loop3A_501 = arith.sitofp %parallel_loop3A_500 : vector<16xi32> to vector<16xf32>
        %parallel_loop3A_502 = arith.subf %parallel_loop3A_499, %parallel_loop3A_501 : vector<16xf32>
        %parallel_loop3A_503 = arith.constant 1000 : i32
        %parallel_loop3A_504 = vector.broadcast %parallel_loop3A_503 : i32 to vector<16xi32>
        %parallel_loop3A_505 = arith.minsi %parallel_loop3A_500, %parallel_loop3A_504 : vector<16xi32>
        %parallel_loop3A_506 = arith.constant 7007 : i32
        %parallel_loop3A_507 = vector.broadcast %parallel_loop3A_506 : i32 to vector<16xi32>
        %parallel_loop3A_508 = arith.addi %parallel_loop3A_505, %parallel_loop3A_507 : vector<16xi32>
        %parallel_loop3A_509 = tpu.vector_load_idx %arg7[%parallel_loop3A_508] : memref<8008xf32, #tpu.memory_space<vmem>>[vector<16xi32>], vector<16xf32>,
        %parallel_loop3A_510 = tpu.vector_load_idx %arg8[%parallel_loop3A_508] : memref<8008xf32, #tpu.memory_space<vmem>>[vector<16xi32>], vector<16xf32>,
        %parallel_loop3A_511 = arith.mulf %parallel_loop3A_510, %parallel_loop3A_502 : vector<16xf32>
        %parallel_loop3A_512 = arith.addf %parallel_loop3A_509, %parallel_loop3A_511 : vector<16xf32>
        %parallel_loop3A_513 = arith.constant 0 : i32
        %parallel_loop3A_514 = arith.constant 7 : i32
        %parallel_loop3A_515 = arith.index_cast %parallel_loop3A_513 : i32 to index
        %parallel_loop3A_516 = arith.index_cast %parallel_loop3A_514 : i32 to index
        %parallel_loop3A_517 = arith.index_cast %parallel_loop3A_261 : i32 to index
        %parallel_loop3A_518 = tpu.vector_load %arg10[%parallel_loop3A_515, %parallel_loop3A_516, %parallel_loop3A_517] {strides = array<i32>} : memref<2x8x2048xf32, #tpu.memory_space<vmem>>, vector<16xf32>,
        tpu.vector_store %arg10[%parallel_loop3A_515, %parallel_loop3A_516, %parallel_loop3A_517], %parallel_loop3A_512 {strides = array<i32>} : memref<2x8x2048xf32, #tpu.memory_space<vmem>>, vector<16xf32>,
        %parallel_loop3A_519 = arith.constant 1.000000e+03 : f32
        %parallel_loop3A_520 = vector.broadcast %parallel_loop3A_519 : f32 to vector<16xf32>
        %parallel_loop3A_521 = arith.mulf %parallel_loop3A_510, %parallel_loop3A_520 : vector<16xf32>
        %parallel_loop3A_522 = arith.mulf %parallel_loop3A_297, %parallel_loop3A_329 : vector<16xf32>
        %parallel_loop3A_523 = arith.mulf %parallel_loop3A_361, %parallel_loop3A_393 : vector<16xf32>
        %parallel_loop3A_524 = arith.mulf %parallel_loop3A_425, %parallel_loop3A_457 : vector<16xf32>
        %parallel_loop3A_525 = arith.mulf %parallel_loop3A_489, %parallel_loop3A_521 : vector<16xf32>
        %parallel_loop3A_526 = arith.mulf %parallel_loop3A_522, %parallel_loop3A_523 : vector<16xf32>
        %parallel_loop3A_527 = arith.mulf %parallel_loop3A_524, %parallel_loop3A_525 : vector<16xf32>
        %parallel_loop3A_528 = arith.mulf %parallel_loop3A_526, %parallel_loop3A_527 : vector<16xf32>
        %parallel_loop3A_529 = arith.constant 0 : i32
        %parallel_loop3A_530 = arith.index_cast %parallel_loop3A_529 : i32 to index
        %parallel_loop3A_531 = arith.index_cast %parallel_loop3A_261 : i32 to index
        %parallel_loop3A_532 = tpu.vector_load %arg11[%parallel_loop3A_530, %parallel_loop3A_531] {strides = array<i32>} : memref<2x2048xf32, #tpu.memory_space<vmem>>, vector<16xf32>,
        tpu.vector_store %arg11[%parallel_loop3A_530, %parallel_loop3A_531], %parallel_loop3A_528 {strides = array<i32>} : memref<2x2048xf32, #tpu.memory_space<vmem>>, vector<16xf32>,
      } {sc.loop_unroll_factor = 4 : i64, sc.parallel_access}
      %mul3A_150 = arith.constant 2048 : i32
      %mul3A_151 = arith.muli %add3A_92, %mul3A_150 : i32
      %add3A_152 = arith.addi %mul3A_2, %mul3A_151 : i32
      %scan3A_153 = arith.constant 0 : i32
      %scan3A_154 = arith.constant 0 : i32
      %scan3A_155 = arith.constant 16 : i32
      %scan3A_156 = arith.addi %scan3A_154, %scan3A_155 : i32
      %scan3A_157 = arith.constant 1 : i32
      %scan3A_158 = scf.for %scan3A_261 = %scan3A_154 to %scan3A_156 step %scan3A_157 iter_args(%scan3A_262 = %scan3A_153) -> (i32)  : i32 {
        %mul3A_263 = arith.constant 128 : i32
        %mul3A_264 = arith.muli %scan3A_261, %mul3A_263 : i32
        %jit3A_265 = arith.constant 128 : i32
        %div3A_266 = arith.divsi %add3A_152, %jit3A_265 : i32
        %sign3A_267 = arith.constant 0 : i32
        %sign3A_268 = arith.cmpi sgt, %add3A_152, %sign3A_267 : i32
        %sign3A_269 = arith.extui %sign3A_268 : i1 to i32
        %sign3A_270 = arith.constant 0 : i32
        %sign3A_271 = arith.cmpi slt, %add3A_152, %sign3A_270 : i32
        %sign3A_272 = arith.extui %sign3A_271 : i1 to i32
        %sign3A_273 = arith.subi %sign3A_269, %sign3A_272 : i32
        %sign3A_274 = arith.constant 0 : i32
        %sign3A_275 = arith.cmpi sgt, %jit3A_265, %sign3A_274 : i32
        %sign3A_276 = arith.extui %sign3A_275 : i1 to i32
        %sign3A_277 = arith.constant 0 : i32
        %sign3A_278 = arith.cmpi slt, %jit3A_265, %sign3A_277 : i32
        %sign3A_279 = arith.extui %sign3A_278 : i1 to i32
        %sign3A_280 = arith.subi %sign3A_276, %sign3A_279 : i32
        %ne3A_281 = arith.cmpi ne, %sign3A_273, %sign3A_280 : i32
        %rem3A_282 = arith.remsi %add3A_152, %jit3A_265 : i32
        %ne3A_283 = arith.constant 0 : i32
        %ne3A_284 = arith.cmpi ne, %rem3A_282, %ne3A_283 : i32
        %and3A_285 = arith.andi %ne3A_281, %ne3A_284 : i1
        %sub3A_286 = arith.constant 1 : i32
        %sub3A_287 = arith.subi %div3A_266, %sub3A_286 : i32
        %select_n3A_288 = arith.select %and3A_285, %sub3A_287, %div3A_266 : i32
        %add3A_289 = arith.addi %select_n3A_288, %scan3A_261 : i32
        %dma_start3A_290 = arith.constant 0 : i32
        %dma_start3A_291 = arith.constant 0 : i32
        %dma_start3A_292 = arith.constant 0 : i32
        %dma_start3A_293 = tpu.memref_slice %arg10[%dma_start3A_290, %dma_start3A_292, %mul3A_264] : memref<2x8x2048xf32, #tpu.memory_space<vmem>> -> memref<1x8x128xf32, #tpu.memory_space<vmem>>
        %dma_start3A_294 = tpu.memref_squeeze %dma_start3A_293 : memref<1x8x128xf32, #tpu.memory_space<vmem>> -> memref<8x128xf32, #tpu.memory_space<vmem>>
        %dma_start3A_295 = arith.constant 0 : i32
        %dma_start3A_296 = arith.constant 0 : i32
        %dma_start3A_297 = tpu.memref_slice %arg5[%add3A_289, %dma_start3A_295, %dma_start3A_296] : memref<8192x8x128xf32, #tpu.memory_space<hbm>> -> memref<1x8x128xf32, #tpu.memory_space<hbm>>
        %dma_start3A_298 = tpu.memref_squeeze %dma_start3A_297 : memref<1x8x128xf32, #tpu.memory_space<hbm>> -> memref<8x128xf32, #tpu.memory_space<hbm>>
        %dma_start3A_299 = tpu.memref_slice %arg13[%dma_start3A_291] : memref<2x!tpu.dma_semaphore, #tpu.memory_space<semaphore_mem>> -> memref<1x!tpu.dma_semaphore, #tpu.memory_space<semaphore_mem>>
        %dma_start3A_300 = tpu.memref_squeeze %dma_start3A_299 : memref<1x!tpu.dma_semaphore, #tpu.memory_space<semaphore_mem>> -> memref<!tpu.dma_semaphore, #tpu.memory_space<semaphore_mem>>
        %dma_start3A_301 = arith.constant 0 : i32
        %dma_start3A_302 = arith.constant 0 : i32
        %dma_start3A_303 = tpu.memref_slice %arg5[%add3A_289, %dma_start3A_301, %dma_start3A_302] : memref<8192x8x128xf32, #tpu.memory_space<hbm>> -> memref<1x8x128xf32, #tpu.memory_space<hbm>>
        %dma_start3A_304 = tpu.memref_squeeze %dma_start3A_303 : memref<1x8x128xf32, #tpu.memory_space<hbm>> -> memref<8x128xf32, #tpu.memory_space<hbm>>
        %dma_start3A_305 = arith.constant 0 : i32
        %dma_start3A_306 = tpu.memref_slice %arg10[%dma_start3A_290, %dma_start3A_305, %mul3A_264] : memref<2x8x2048xf32, #tpu.memory_space<vmem>> -> memref<1x8x128xf32, #tpu.memory_space<vmem>>
        %dma_start3A_307 = tpu.memref_squeeze %dma_start3A_306 : memref<1x8x128xf32, #tpu.memory_space<vmem>> -> memref<8x128xf32, #tpu.memory_space<vmem>>
        tpu.enqueue_dma source(%dma_start3A_307 : memref<8x128xf32, #tpu.memory_space<vmem>>) target(%dma_start3A_304 : memref<8x128xf32, #tpu.memory_space<hbm>>) target_semaphore(%dma_start3A_300 : memref<!tpu.dma_semaphore, #tpu.memory_space<semaphore_mem>>)
        %scan3A_308 = arith.constant 0 : i32
        scf.yield %scan3A_308 : i32
      }
      %scan3A_159 = arith.constant 16 : i32
      %dma_start3A_160 = arith.constant 0 : i32
      %dma_start3A_161 = arith.constant 0 : i32
      %dma_start3A_162 = arith.constant 0 : i32
      %dma_start3A_163 = tpu.memref_slice %arg11[%dma_start3A_160, %dma_start3A_162] : memref<2x2048xf32, #tpu.memory_space<vmem>> -> memref<1x2048xf32, #tpu.memory_space<vmem>>
      %dma_start3A_164 = tpu.memref_squeeze %dma_start3A_163 : memref<1x2048xf32, #tpu.memory_space<vmem>> -> memref<2048xf32, #tpu.memory_space<vmem>>
      %dma_start3A_165 = tpu.memref_slice %arg6[%add3A_152] : memref<1048576xf32, #tpu.memory_space<hbm>> -> memref<2048xf32, #tpu.memory_space<hbm>>
      %dma_start3A_166 = tpu.memref_slice %arg14[%dma_start3A_161] : memref<2x!tpu.dma_semaphore, #tpu.memory_space<semaphore_mem>> -> memref<1x!tpu.dma_semaphore, #tpu.memory_space<semaphore_mem>>
      %dma_start3A_167 = tpu.memref_squeeze %dma_start3A_166 : memref<1x!tpu.dma_semaphore, #tpu.memory_space<semaphore_mem>> -> memref<!tpu.dma_semaphore, #tpu.memory_space<semaphore_mem>>
      %dma_start3A_168 = tpu.memref_slice %arg6[%add3A_152] : memref<1048576xf32, #tpu.memory_space<hbm>> -> memref<2048xf32, #tpu.memory_space<hbm>>
      %dma_start3A_169 = arith.constant 0 : i32
      %dma_start3A_170 = tpu.memref_slice %arg11[%dma_start3A_160, %dma_start3A_169] : memref<2x2048xf32, #tpu.memory_space<vmem>> -> memref<1x2048xf32, #tpu.memory_space<vmem>>
      %dma_start3A_171 = tpu.memref_squeeze %dma_start3A_170 : memref<1x2048xf32, #tpu.memory_space<vmem>> -> memref<2048xf32, #tpu.memory_space<vmem>>
      tpu.enqueue_dma source(%dma_start3A_171 : memref<2048xf32, #tpu.memory_space<vmem>>) target(%dma_start3A_168 : memref<2048xf32, #tpu.memory_space<hbm>>) target_semaphore(%dma_start3A_167 : memref<!tpu.dma_semaphore, #tpu.memory_space<semaphore_mem>>)
      %mul3A_172 = arith.constant 2 : i32
      %mul3A_173 = arith.muli %scan3A_87, %mul3A_172 : i32
      %add3A_174 = arith.constant 1 : i32
      %add3A_175 = arith.addi %mul3A_173, %add3A_174 : i32
      %mul3A_176 = arith.constant 2048 : i32
      %mul3A_177 = arith.muli %add3A_175, %mul3A_176 : i32
      %add3A_178 = arith.addi %mul3A_2, %mul3A_177 : i32
      %jit3A_179 = arith.constant 128 : i32
      %div3A_180 = arith.divsi %add3A_178, %jit3A_179 : i32
      %sign3A_181 = arith.constant 0 : i32
      %sign3A_182 = arith.cmpi sgt, %add3A_178, %sign3A_181 : i32
      %sign3A_183 = arith.extui %sign3A_182 : i1 to i32
      %sign3A_184 = arith.constant 0 : i32
      %sign3A_185 = arith.cmpi slt, %add3A_178, %sign3A_184 : i32
      %sign3A_186 = arith.extui %sign3A_185 : i1 to i32
      %sign3A_187 = arith.subi %sign3A_183, %sign3A_186 : i32
      %sign3A_188 = arith.constant 0 : i32
      %sign3A_189 = arith.cmpi sgt, %jit3A_179, %sign3A_188 : i32
      %sign3A_190 = arith.extui %sign3A_189 : i1 to i32
      %sign3A_191 = arith.constant 0 : i32
      %sign3A_192 = arith.cmpi slt, %jit3A_179, %sign3A_191 : i32
      %sign3A_193 = arith.extui %sign3A_192 : i1 to i32
      %sign3A_194 = arith.subi %sign3A_190, %sign3A_193 : i32
      %ne3A_195 = arith.cmpi ne, %sign3A_187, %sign3A_194 : i32
      %rem3A_196 = arith.remsi %add3A_178, %jit3A_179 : i32
      %ne3A_197 = arith.constant 0 : i32
      %ne3A_198 = arith.cmpi ne, %rem3A_196, %ne3A_197 : i32
      %and3A_199 = arith.andi %ne3A_195, %ne3A_198 : i1
      %sub3A_200 = arith.constant 1 : i32
      %sub3A_201 = arith.subi %div3A_180, %sub3A_200 : i32
      %select_n3A_202 = arith.select %and3A_199, %sub3A_201, %div3A_180 : i32
      %dma_wait3A_203 = arith.constant 1 : i32
      %dma_wait3A_204 = arith.constant 1 : i32
      %dma_wait3A_205 = arith.constant 0 : i32
      %dma_wait3A_206 = arith.constant 0 : i32
      %dma_wait3A_207 = arith.constant 0 : i32
      %dma_wait3A_208 = tpu.memref_slice %arg9[%dma_wait3A_203, %dma_wait3A_205, %dma_wait3A_206, %dma_wait3A_207] : memref<2x16x8x128xf32, #tpu.memory_space<vmem>> -> memref<1x16x8x128xf32, #tpu.memory_space<vmem>>
      %dma_wait3A_209 = tpu.memref_squeeze %dma_wait3A_208 : memref<1x16x8x128xf32, #tpu.memory_space<vmem>> -> memref<16x8x128xf32, #tpu.memory_space<vmem>>
      %dma_wait3A_210 = arith.constant 0 : i32
      %dma_wait3A_211 = arith.constant 0 : i32
      %dma_wait3A_212 = tpu.memref_slice %arg2[%select_n3A_202, %dma_wait3A_210, %dma_wait3A_211] : memref<8192x8x128xf32, #tpu.memory_space<hbm>> -> memref<16x8x128xf32, #tpu.memory_space<hbm>>
      %dma_wait3A_213 = tpu.memref_slice %arg12[%dma_wait3A_204] : memref<2x!tpu.dma_semaphore, #tpu.memory_space<semaphore_mem>> -> memref<1x!tpu.dma_semaphore, #tpu.memory_space<semaphore_mem>>
      %dma_wait3A_214 = tpu.memref_squeeze %dma_wait3A_213 : memref<1x!tpu.dma_semaphore, #tpu.memory_space<semaphore_mem>> -> memref<!tpu.dma_semaphore, #tpu.memory_space<semaphore_mem>>
      %dma_wait3A_215 = arith.constant 0 : i32
      %dma_wait3A_216 = arith.constant 0 : i32
      %dma_wait3A_217 = arith.constant 0 : i32
      %dma_wait3A_218 = tpu.memref_slice %arg9[%dma_wait3A_203, %dma_wait3A_215, %dma_wait3A_216, %dma_wait3A_217] : memref<2x16x8x128xf32, #tpu.memory_space<vmem>> -> memref<1x16x8x128xf32, #tpu.memory_space<vmem>>
      %dma_wait3A_219 = tpu.memref_squeeze %dma_wait3A_218 : memref<1x16x8x128xf32, #tpu.memory_space<vmem>> -> memref<16x8x128xf32, #tpu.memory_space<vmem>>
      %dma_wait3A_220 = arith.constant 0 : i32
      %dma_wait3A_221 = arith.constant 0 : i32
      %dma_wait3A_222 = tpu.memref_slice %arg2[%select_n3A_202, %dma_wait3A_220, %dma_wait3A_221] : memref<8192x8x128xf32, #tpu.memory_space<hbm>> -> memref<16x8x128xf32, #tpu.memory_space<hbm>>
      tpu.wait_dma2 semaphore(%dma_wait3A_214 : memref<!tpu.dma_semaphore, #tpu.memory_space<semaphore_mem>>) src(%dma_wait3A_222 : memref<16x8x128xf32, #tpu.memory_space<hbm>>) dst(%dma_wait3A_219 : memref<16x8x128xf32, #tpu.memory_space<vmem>>)
      %add3A_223 = arith.constant 1 : i32
      %add3A_224 = arith.addi %add3A_175, %add3A_223 : i32
      %lt3A_225 = arith.constant 16 : i32
      %lt3A_226 = arith.cmpi slt, %add3A_224, %lt3A_225 : i32
      %convert_element_type3A_227 = arith.extui %lt3A_226 : i1 to i32
      %cond3A_228 = arith.constant 0 : i32
      %cond3A_229 = arith.cmpi ne, %convert_element_type3A_227, %cond3A_228 : i32
      scf.if %cond3A_229 {
        %add3A_261 = arith.constant 1 : i32
        %add3A_262 = arith.addi %add3A_175, %add3A_261 : i32
        %mul3A_263 = arith.constant 2048 : i32
        %mul3A_264 = arith.muli %add3A_262, %mul3A_263 : i32
        %add3A_265 = arith.addi %mul3A_2, %mul3A_264 : i32
        %jit3A_266 = arith.constant 128 : i32
        %div3A_267 = arith.divsi %add3A_265, %jit3A_266 : i32
        %sign3A_268 = arith.constant 0 : i32
        %sign3A_269 = arith.cmpi sgt, %add3A_265, %sign3A_268 : i32
        %sign3A_270 = arith.extui %sign3A_269 : i1 to i32
        %sign3A_271 = arith.constant 0 : i32
        %sign3A_272 = arith.cmpi slt, %add3A_265, %sign3A_271 : i32
        %sign3A_273 = arith.extui %sign3A_272 : i1 to i32
        %sign3A_274 = arith.subi %sign3A_270, %sign3A_273 : i32
        %sign3A_275 = arith.constant 0 : i32
        %sign3A_276 = arith.cmpi sgt, %jit3A_266, %sign3A_275 : i32
        %sign3A_277 = arith.extui %sign3A_276 : i1 to i32
        %sign3A_278 = arith.constant 0 : i32
        %sign3A_279 = arith.cmpi slt, %jit3A_266, %sign3A_278 : i32
        %sign3A_280 = arith.extui %sign3A_279 : i1 to i32
        %sign3A_281 = arith.subi %sign3A_277, %sign3A_280 : i32
        %ne3A_282 = arith.cmpi ne, %sign3A_274, %sign3A_281 : i32
        %rem3A_283 = arith.remsi %add3A_265, %jit3A_266 : i32
        %ne3A_284 = arith.constant 0 : i32
        %ne3A_285 = arith.cmpi ne, %rem3A_283, %ne3A_284 : i32
        %and3A_286 = arith.andi %ne3A_282, %ne3A_285 : i1
        %sub3A_287 = arith.constant 1 : i32
        %sub3A_288 = arith.subi %div3A_267, %sub3A_287 : i32
        %select_n3A_289 = arith.select %and3A_286, %sub3A_288, %div3A_267 : i32
        %dma_start3A_290 = arith.constant 0 : i32
        %dma_start3A_291 = arith.constant 0 : i32
        %dma_start3A_292 = arith.constant 0 : i32
        %dma_start3A_293 = arith.constant 0 : i32
        %dma_start3A_294 = arith.constant 0 : i32
        %dma_start3A_295 = tpu.memref_slice %arg9[%dma_start3A_290, %dma_start3A_292, %dma_start3A_293, %dma_start3A_294] : memref<2x16x8x128xf32, #tpu.memory_space<vmem>> -> memref<1x16x8x128xf32, #tpu.memory_space<vmem>>
        %dma_start3A_296 = tpu.memref_squeeze %dma_start3A_295 : memref<1x16x8x128xf32, #tpu.memory_space<vmem>> -> memref<16x8x128xf32, #tpu.memory_space<vmem>>
        %dma_start3A_297 = arith.constant 0 : i32
        %dma_start3A_298 = arith.constant 0 : i32
        %dma_start3A_299 = tpu.memref_slice %arg2[%select_n3A_289, %dma_start3A_297, %dma_start3A_298] : memref<8192x8x128xf32, #tpu.memory_space<hbm>> -> memref<16x8x128xf32, #tpu.memory_space<hbm>>
        %dma_start3A_300 = tpu.memref_slice %arg12[%dma_start3A_291] : memref<2x!tpu.dma_semaphore, #tpu.memory_space<semaphore_mem>> -> memref<1x!tpu.dma_semaphore, #tpu.memory_space<semaphore_mem>>
        %dma_start3A_301 = tpu.memref_squeeze %dma_start3A_300 : memref<1x!tpu.dma_semaphore, #tpu.memory_space<semaphore_mem>> -> memref<!tpu.dma_semaphore, #tpu.memory_space<semaphore_mem>>
        %dma_start3A_302 = arith.constant 0 : i32
        %dma_start3A_303 = arith.constant 0 : i32
        %dma_start3A_304 = arith.constant 0 : i32
        %dma_start3A_305 = tpu.memref_slice %arg9[%dma_start3A_290, %dma_start3A_302, %dma_start3A_303, %dma_start3A_304] : memref<2x16x8x128xf32, #tpu.memory_space<vmem>> -> memref<1x16x8x128xf32, #tpu.memory_space<vmem>>
        %dma_start3A_306 = tpu.memref_squeeze %dma_start3A_305 : memref<1x16x8x128xf32, #tpu.memory_space<vmem>> -> memref<16x8x128xf32, #tpu.memory_space<vmem>>
        %dma_start3A_307 = arith.constant 0 : i32
        %dma_start3A_308 = arith.constant 0 : i32
        %dma_start3A_309 = tpu.memref_slice %arg2[%select_n3A_289, %dma_start3A_307, %dma_start3A_308] : memref<8192x8x128xf32, #tpu.memory_space<hbm>> -> memref<16x8x128xf32, #tpu.memory_space<hbm>>
        tpu.enqueue_dma source(%dma_start3A_309 : memref<16x8x128xf32, #tpu.memory_space<hbm>>) target(%dma_start3A_306 : memref<16x8x128xf32, #tpu.memory_space<vmem>>) target_semaphore(%dma_start3A_301 : memref<!tpu.dma_semaphore, #tpu.memory_space<semaphore_mem>>)
      } else {
      }
      %ge3A_230 = arith.constant 2 : i32
      %ge3A_231 = arith.cmpi sge, %add3A_175, %ge3A_230 : i32
      %convert_element_type3A_232 = arith.extui %ge3A_231 : i1 to i32
      %cond3A_233 = arith.constant 0 : i32
      %cond3A_234 = arith.cmpi ne, %convert_element_type3A_232, %cond3A_233 : i32
      scf.if %cond3A_234 {
        %scan3A_261 = arith.constant 0 : i32
        %scan3A_262 = arith.constant 0 : i32
        %scan3A_263 = arith.constant 16 : i32
        %scan3A_264 = arith.addi %scan3A_262, %scan3A_263 : i32
        %scan3A_265 = arith.constant 1 : i32
        %scan3A_266 = scf.for %scan3A_282 = %scan3A_262 to %scan3A_264 step %scan3A_265 iter_args(%scan3A_283 = %scan3A_261) -> (i32)  : i32 {
          %dma_wait3A_284 = arith.constant 1 : i32
          %dma_wait3A_285 = arith.constant 0 : i32
          %dma_wait3A_286 = arith.constant 1 : i32
          %dma_wait3A_287 = arith.constant 0 : i32
          %dma_wait3A_288 = arith.constant 0 : i32
          %dma_wait3A_289 = tpu.memref_slice %arg10[%dma_wait3A_284, %dma_wait3A_287, %dma_wait3A_288] : memref<2x8x2048xf32, #tpu.memory_space<vmem>> -> memref<1x8x128xf32, #tpu.memory_space<vmem>>
          %dma_wait3A_290 = tpu.memref_squeeze %dma_wait3A_289 : memref<1x8x128xf32, #tpu.memory_space<vmem>> -> memref<8x128xf32, #tpu.memory_space<vmem>>
          %dma_wait3A_291 = arith.constant 0 : i32
          %dma_wait3A_292 = arith.constant 0 : i32
          %dma_wait3A_293 = tpu.memref_slice %arg5[%dma_wait3A_285, %dma_wait3A_291, %dma_wait3A_292] : memref<8192x8x128xf32, #tpu.memory_space<hbm>> -> memref<1x8x128xf32, #tpu.memory_space<hbm>>
          %dma_wait3A_294 = tpu.memref_squeeze %dma_wait3A_293 : memref<1x8x128xf32, #tpu.memory_space<hbm>> -> memref<8x128xf32, #tpu.memory_space<hbm>>
          %dma_wait3A_295 = tpu.memref_slice %arg13[%dma_wait3A_286] : memref<2x!tpu.dma_semaphore, #tpu.memory_space<semaphore_mem>> -> memref<1x!tpu.dma_semaphore, #tpu.memory_space<semaphore_mem>>
          %dma_wait3A_296 = tpu.memref_squeeze %dma_wait3A_295 : memref<1x!tpu.dma_semaphore, #tpu.memory_space<semaphore_mem>> -> memref<!tpu.dma_semaphore, #tpu.memory_space<semaphore_mem>>
          %dma_wait3A_297 = arith.constant 0 : i32
          %dma_wait3A_298 = arith.constant 0 : i32
          %dma_wait3A_299 = tpu.memref_slice %arg5[%dma_wait3A_285, %dma_wait3A_297, %dma_wait3A_298] : memref<8192x8x128xf32, #tpu.memory_space<hbm>> -> memref<1x8x128xf32, #tpu.memory_space<hbm>>
          %dma_wait3A_300 = tpu.memref_squeeze %dma_wait3A_299 : memref<1x8x128xf32, #tpu.memory_space<hbm>> -> memref<8x128xf32, #tpu.memory_space<hbm>>
          %dma_wait3A_301 = arith.constant 0 : i32
          %dma_wait3A_302 = arith.constant 0 : i32
          %dma_wait3A_303 = tpu.memref_slice %arg10[%dma_wait3A_284, %dma_wait3A_301, %dma_wait3A_302] : memref<2x8x2048xf32, #tpu.memory_space<vmem>> -> memref<1x8x128xf32, #tpu.memory_space<vmem>>
          %dma_wait3A_304 = tpu.memref_squeeze %dma_wait3A_303 : memref<1x8x128xf32, #tpu.memory_space<vmem>> -> memref<8x128xf32, #tpu.memory_space<vmem>>
          tpu.wait_dma2 semaphore(%dma_wait3A_296 : memref<!tpu.dma_semaphore, #tpu.memory_space<semaphore_mem>>) src(%dma_wait3A_304 : memref<8x128xf32, #tpu.memory_space<vmem>>) dst(%dma_wait3A_300 : memref<8x128xf32, #tpu.memory_space<hbm>>)
          %scan3A_305 = arith.constant 0 : i32
          scf.yield %scan3A_305 : i32
        }
        %scan3A_267 = arith.constant 16 : i32
        %dma_wait3A_268 = arith.constant 1 : i32
        %dma_wait3A_269 = arith.constant 1 : i32
        %dma_wait3A_270 = arith.constant 0 : i32
        %dma_wait3A_271 = tpu.memref_slice %arg11[%dma_wait3A_268, %dma_wait3A_270] : memref<2x2048xf32, #tpu.memory_space<vmem>> -> memref<1x2048xf32, #tpu.memory_space<vmem>>
        %dma_wait3A_272 = tpu.memref_squeeze %dma_wait3A_271 : memref<1x2048xf32, #tpu.memory_space<vmem>> -> memref<2048xf32, #tpu.memory_space<vmem>>
        %dma_wait3A_273 = arith.constant 0 : i32
        %dma_wait3A_274 = tpu.memref_slice %arg6[%dma_wait3A_273] : memref<1048576xf32, #tpu.memory_space<hbm>> -> memref<2048xf32, #tpu.memory_space<hbm>>
        %dma_wait3A_275 = tpu.memref_slice %arg14[%dma_wait3A_269] : memref<2x!tpu.dma_semaphore, #tpu.memory_space<semaphore_mem>> -> memref<1x!tpu.dma_semaphore, #tpu.memory_space<semaphore_mem>>
        %dma_wait3A_276 = tpu.memref_squeeze %dma_wait3A_275 : memref<1x!tpu.dma_semaphore, #tpu.memory_space<semaphore_mem>> -> memref<!tpu.dma_semaphore, #tpu.memory_space<semaphore_mem>>
        %dma_wait3A_277 = arith.constant 0 : i32
        %dma_wait3A_278 = tpu.memref_slice %arg6[%dma_wait3A_277] : memref<1048576xf32, #tpu.memory_space<hbm>> -> memref<2048xf32, #tpu.memory_space<hbm>>
        %dma_wait3A_279 = arith.constant 0 : i32
        %dma_wait3A_280 = tpu.memref_slice %arg11[%dma_wait3A_268, %dma_wait3A_279] : memref<2x2048xf32, #tpu.memory_space<vmem>> -> memref<1x2048xf32, #tpu.memory_space<vmem>>
        %dma_wait3A_281 = tpu.memref_squeeze %dma_wait3A_280 : memref<1x2048xf32, #tpu.memory_space<vmem>> -> memref<2048xf32, #tpu.memory_space<vmem>>
        tpu.wait_dma2 semaphore(%dma_wait3A_276 : memref<!tpu.dma_semaphore, #tpu.memory_space<semaphore_mem>>) src(%dma_wait3A_281 : memref<2048xf32, #tpu.memory_space<vmem>>) dst(%dma_wait3A_278 : memref<2048xf32, #tpu.memory_space<hbm>>)
      } else {
      }
      %parallel_loop3A_235 = arith.constant 0 : i32
      %parallel_loop3A_236 = arith.constant 2048 : i32
      %parallel_loop3A_237 = arith.constant 16 : i32
      scf.for %parallel_loop3A_261 = %parallel_loop3A_235 to %parallel_loop3A_236 step %parallel_loop3A_237  : i32 {
        %parallel_loop3A_262 = arith.constant 7 : i32
        %parallel_loop3A_263 = arith.shrsi %parallel_loop3A_261, %parallel_loop3A_262 : i32
        %parallel_loop3A_264 = arith.constant 127 : i32
        %parallel_loop3A_265 = arith.andi %parallel_loop3A_261, %parallel_loop3A_264 : i32
        %parallel_loop3A_266 = arith.constant 1 : i32
        %parallel_loop3A_267 = arith.constant 0 : i32
        %parallel_loop3A_268 = arith.index_cast %parallel_loop3A_266 : i32 to index
        %parallel_loop3A_269 = arith.index_cast %parallel_loop3A_263 : i32 to index
        %parallel_loop3A_270 = arith.index_cast %parallel_loop3A_267 : i32 to index
        %parallel_loop3A_271 = arith.index_cast %parallel_loop3A_265 : i32 to index
        %parallel_loop3A_272 = tpu.vector_load %arg9[%parallel_loop3A_268, %parallel_loop3A_269, %parallel_loop3A_270, %parallel_loop3A_271] {strides = array<i32>} : memref<2x16x8x128xf32, #tpu.memory_space<vmem>>, vector<16xf32>,
        %parallel_loop3A_273 = arith.constant 1.000000e+03 : f32
        %parallel_loop3A_274 = vector.broadcast %parallel_loop3A_273 : f32 to vector<16xf32>
        %parallel_loop3A_275 = arith.mulf %parallel_loop3A_272, %parallel_loop3A_274 : vector<16xf32>
        %parallel_loop3A_276 = arith.fptosi %parallel_loop3A_275 : vector<16xf32> to vector<16xi32>
        %parallel_loop3A_277 = arith.sitofp %parallel_loop3A_276 : vector<16xi32> to vector<16xf32>
        %parallel_loop3A_278 = arith.subf %parallel_loop3A_275, %parallel_loop3A_277 : vector<16xf32>
        %parallel_loop3A_279 = arith.constant 1000 : i32
        %parallel_loop3A_280 = vector.broadcast %parallel_loop3A_279 : i32 to vector<16xi32>
        %parallel_loop3A_281 = arith.minsi %parallel_loop3A_276, %parallel_loop3A_280 : vector<16xi32>
        %parallel_loop3A_282 = arith.constant 0 : i32
        %parallel_loop3A_283 = vector.broadcast %parallel_loop3A_282 : i32 to vector<16xi32>
        %parallel_loop3A_284 = arith.addi %parallel_loop3A_281, %parallel_loop3A_283 : vector<16xi32>
        %parallel_loop3A_285 = tpu.vector_load_idx %arg7[%parallel_loop3A_284] : memref<8008xf32, #tpu.memory_space<vmem>>[vector<16xi32>], vector<16xf32>,
        %parallel_loop3A_286 = tpu.vector_load_idx %arg8[%parallel_loop3A_284] : memref<8008xf32, #tpu.memory_space<vmem>>[vector<16xi32>], vector<16xf32>,
        %parallel_loop3A_287 = arith.mulf %parallel_loop3A_286, %parallel_loop3A_278 : vector<16xf32>
        %parallel_loop3A_288 = arith.addf %parallel_loop3A_285, %parallel_loop3A_287 : vector<16xf32>
        %parallel_loop3A_289 = arith.constant 1 : i32
        %parallel_loop3A_290 = arith.constant 0 : i32
        %parallel_loop3A_291 = arith.index_cast %parallel_loop3A_289 : i32 to index
        %parallel_loop3A_292 = arith.index_cast %parallel_loop3A_290 : i32 to index
        %parallel_loop3A_293 = arith.index_cast %parallel_loop3A_261 : i32 to index
        %parallel_loop3A_294 = tpu.vector_load %arg10[%parallel_loop3A_291, %parallel_loop3A_292, %parallel_loop3A_293] {strides = array<i32>} : memref<2x8x2048xf32, #tpu.memory_space<vmem>>, vector<16xf32>,
        tpu.vector_store %arg10[%parallel_loop3A_291, %parallel_loop3A_292, %parallel_loop3A_293], %parallel_loop3A_288 {strides = array<i32>} : memref<2x8x2048xf32, #tpu.memory_space<vmem>>, vector<16xf32>,
        %parallel_loop3A_295 = arith.constant 1.000000e+03 : f32
        %parallel_loop3A_296 = vector.broadcast %parallel_loop3A_295 : f32 to vector<16xf32>
        %parallel_loop3A_297 = arith.mulf %parallel_loop3A_286, %parallel_loop3A_296 : vector<16xf32>
        %parallel_loop3A_298 = arith.constant 1 : i32
        %parallel_loop3A_299 = arith.constant 1 : i32
        %parallel_loop3A_300 = arith.index_cast %parallel_loop3A_298 : i32 to index
        %parallel_loop3A_301 = arith.index_cast %parallel_loop3A_263 : i32 to index
        %parallel_loop3A_302 = arith.index_cast %parallel_loop3A_299 : i32 to index
        %parallel_loop3A_303 = arith.index_cast %parallel_loop3A_265 : i32 to index
        %parallel_loop3A_304 = tpu.vector_load %arg9[%parallel_loop3A_300, %parallel_loop3A_301, %parallel_loop3A_302, %parallel_loop3A_303] {strides = array<i32>} : memref<2x16x8x128xf32, #tpu.memory_space<vmem>>, vector<16xf32>,
        %parallel_loop3A_305 = arith.constant 1.000000e+03 : f32
        %parallel_loop3A_306 = vector.broadcast %parallel_loop3A_305 : f32 to vector<16xf32>
        %parallel_loop3A_307 = arith.mulf %parallel_loop3A_304, %parallel_loop3A_306 : vector<16xf32>
        %parallel_loop3A_308 = arith.fptosi %parallel_loop3A_307 : vector<16xf32> to vector<16xi32>
        %parallel_loop3A_309 = arith.sitofp %parallel_loop3A_308 : vector<16xi32> to vector<16xf32>
        %parallel_loop3A_310 = arith.subf %parallel_loop3A_307, %parallel_loop3A_309 : vector<16xf32>
        %parallel_loop3A_311 = arith.constant 1000 : i32
        %parallel_loop3A_312 = vector.broadcast %parallel_loop3A_311 : i32 to vector<16xi32>
        %parallel_loop3A_313 = arith.minsi %parallel_loop3A_308, %parallel_loop3A_312 : vector<16xi32>
        %parallel_loop3A_314 = arith.constant 1001 : i32
        %parallel_loop3A_315 = vector.broadcast %parallel_loop3A_314 : i32 to vector<16xi32>
        %parallel_loop3A_316 = arith.addi %parallel_loop3A_313, %parallel_loop3A_315 : vector<16xi32>
        %parallel_loop3A_317 = tpu.vector_load_idx %arg7[%parallel_loop3A_316] : memref<8008xf32, #tpu.memory_space<vmem>>[vector<16xi32>], vector<16xf32>,
        %parallel_loop3A_318 = tpu.vector_load_idx %arg8[%parallel_loop3A_316] : memref<8008xf32, #tpu.memory_space<vmem>>[vector<16xi32>], vector<16xf32>,
        %parallel_loop3A_319 = arith.mulf %parallel_loop3A_318, %parallel_loop3A_310 : vector<16xf32>
        %parallel_loop3A_320 = arith.addf %parallel_loop3A_317, %parallel_loop3A_319 : vector<16xf32>
        %parallel_loop3A_321 = arith.constant 1 : i32
        %parallel_loop3A_322 = arith.constant 1 : i32
        %parallel_loop3A_323 = arith.index_cast %parallel_loop3A_321 : i32 to index
        %parallel_loop3A_324 = arith.index_cast %parallel_loop3A_322 : i32 to index
        %parallel_loop3A_325 = arith.index_cast %parallel_loop3A_261 : i32 to index
        %parallel_loop3A_326 = tpu.vector_load %arg10[%parallel_loop3A_323, %parallel_loop3A_324, %parallel_loop3A_325] {strides = array<i32>} : memref<2x8x2048xf32, #tpu.memory_space<vmem>>, vector<16xf32>,
        tpu.vector_store %arg10[%parallel_loop3A_323, %parallel_loop3A_324, %parallel_loop3A_325], %parallel_loop3A_320 {strides = array<i32>} : memref<2x8x2048xf32, #tpu.memory_space<vmem>>, vector<16xf32>,
        %parallel_loop3A_327 = arith.constant 1.000000e+03 : f32
        %parallel_loop3A_328 = vector.broadcast %parallel_loop3A_327 : f32 to vector<16xf32>
        %parallel_loop3A_329 = arith.mulf %parallel_loop3A_318, %parallel_loop3A_328 : vector<16xf32>
        %parallel_loop3A_330 = arith.constant 1 : i32
        %parallel_loop3A_331 = arith.constant 2 : i32
        %parallel_loop3A_332 = arith.index_cast %parallel_loop3A_330 : i32 to index
        %parallel_loop3A_333 = arith.index_cast %parallel_loop3A_263 : i32 to index
        %parallel_loop3A_334 = arith.index_cast %parallel_loop3A_331 : i32 to index
        %parallel_loop3A_335 = arith.index_cast %parallel_loop3A_265 : i32 to index
        %parallel_loop3A_336 = tpu.vector_load %arg9[%parallel_loop3A_332, %parallel_loop3A_333, %parallel_loop3A_334, %parallel_loop3A_335] {strides = array<i32>} : memref<2x16x8x128xf32, #tpu.memory_space<vmem>>, vector<16xf32>,
        %parallel_loop3A_337 = arith.constant 1.000000e+03 : f32
        %parallel_loop3A_338 = vector.broadcast %parallel_loop3A_337 : f32 to vector<16xf32>
        %parallel_loop3A_339 = arith.mulf %parallel_loop3A_336, %parallel_loop3A_338 : vector<16xf32>
        %parallel_loop3A_340 = arith.fptosi %parallel_loop3A_339 : vector<16xf32> to vector<16xi32>
        %parallel_loop3A_341 = arith.sitofp %parallel_loop3A_340 : vector<16xi32> to vector<16xf32>
        %parallel_loop3A_342 = arith.subf %parallel_loop3A_339, %parallel_loop3A_341 : vector<16xf32>
        %parallel_loop3A_343 = arith.constant 1000 : i32
        %parallel_loop3A_344 = vector.broadcast %parallel_loop3A_343 : i32 to vector<16xi32>
        %parallel_loop3A_345 = arith.minsi %parallel_loop3A_340, %parallel_loop3A_344 : vector<16xi32>
        %parallel_loop3A_346 = arith.constant 2002 : i32
        %parallel_loop3A_347 = vector.broadcast %parallel_loop3A_346 : i32 to vector<16xi32>
        %parallel_loop3A_348 = arith.addi %parallel_loop3A_345, %parallel_loop3A_347 : vector<16xi32>
        %parallel_loop3A_349 = tpu.vector_load_idx %arg7[%parallel_loop3A_348] : memref<8008xf32, #tpu.memory_space<vmem>>[vector<16xi32>], vector<16xf32>,
        %parallel_loop3A_350 = tpu.vector_load_idx %arg8[%parallel_loop3A_348] : memref<8008xf32, #tpu.memory_space<vmem>>[vector<16xi32>], vector<16xf32>,
        %parallel_loop3A_351 = arith.mulf %parallel_loop3A_350, %parallel_loop3A_342 : vector<16xf32>
        %parallel_loop3A_352 = arith.addf %parallel_loop3A_349, %parallel_loop3A_351 : vector<16xf32>
        %parallel_loop3A_353 = arith.constant 1 : i32
        %parallel_loop3A_354 = arith.constant 2 : i32
        %parallel_loop3A_355 = arith.index_cast %parallel_loop3A_353 : i32 to index
        %parallel_loop3A_356 = arith.index_cast %parallel_loop3A_354 : i32 to index
        %parallel_loop3A_357 = arith.index_cast %parallel_loop3A_261 : i32 to index
        %parallel_loop3A_358 = tpu.vector_load %arg10[%parallel_loop3A_355, %parallel_loop3A_356, %parallel_loop3A_357] {strides = array<i32>} : memref<2x8x2048xf32, #tpu.memory_space<vmem>>, vector<16xf32>,
        tpu.vector_store %arg10[%parallel_loop3A_355, %parallel_loop3A_356, %parallel_loop3A_357], %parallel_loop3A_352 {strides = array<i32>} : memref<2x8x2048xf32, #tpu.memory_space<vmem>>, vector<16xf32>,
        %parallel_loop3A_359 = arith.constant 1.000000e+03 : f32
        %parallel_loop3A_360 = vector.broadcast %parallel_loop3A_359 : f32 to vector<16xf32>
        %parallel_loop3A_361 = arith.mulf %parallel_loop3A_350, %parallel_loop3A_360 : vector<16xf32>
        %parallel_loop3A_362 = arith.constant 1 : i32
        %parallel_loop3A_363 = arith.constant 3 : i32
        %parallel_loop3A_364 = arith.index_cast %parallel_loop3A_362 : i32 to index
        %parallel_loop3A_365 = arith.index_cast %parallel_loop3A_263 : i32 to index
        %parallel_loop3A_366 = arith.index_cast %parallel_loop3A_363 : i32 to index
        %parallel_loop3A_367 = arith.index_cast %parallel_loop3A_265 : i32 to index
        %parallel_loop3A_368 = tpu.vector_load %arg9[%parallel_loop3A_364, %parallel_loop3A_365, %parallel_loop3A_366, %parallel_loop3A_367] {strides = array<i32>} : memref<2x16x8x128xf32, #tpu.memory_space<vmem>>, vector<16xf32>,
        %parallel_loop3A_369 = arith.constant 1.000000e+03 : f32
        %parallel_loop3A_370 = vector.broadcast %parallel_loop3A_369 : f32 to vector<16xf32>
        %parallel_loop3A_371 = arith.mulf %parallel_loop3A_368, %parallel_loop3A_370 : vector<16xf32>
        %parallel_loop3A_372 = arith.fptosi %parallel_loop3A_371 : vector<16xf32> to vector<16xi32>
        %parallel_loop3A_373 = arith.sitofp %parallel_loop3A_372 : vector<16xi32> to vector<16xf32>
        %parallel_loop3A_374 = arith.subf %parallel_loop3A_371, %parallel_loop3A_373 : vector<16xf32>
        %parallel_loop3A_375 = arith.constant 1000 : i32
        %parallel_loop3A_376 = vector.broadcast %parallel_loop3A_375 : i32 to vector<16xi32>
        %parallel_loop3A_377 = arith.minsi %parallel_loop3A_372, %parallel_loop3A_376 : vector<16xi32>
        %parallel_loop3A_378 = arith.constant 3003 : i32
        %parallel_loop3A_379 = vector.broadcast %parallel_loop3A_378 : i32 to vector<16xi32>
        %parallel_loop3A_380 = arith.addi %parallel_loop3A_377, %parallel_loop3A_379 : vector<16xi32>
        %parallel_loop3A_381 = tpu.vector_load_idx %arg7[%parallel_loop3A_380] : memref<8008xf32, #tpu.memory_space<vmem>>[vector<16xi32>], vector<16xf32>,
        %parallel_loop3A_382 = tpu.vector_load_idx %arg8[%parallel_loop3A_380] : memref<8008xf32, #tpu.memory_space<vmem>>[vector<16xi32>], vector<16xf32>,
        %parallel_loop3A_383 = arith.mulf %parallel_loop3A_382, %parallel_loop3A_374 : vector<16xf32>
        %parallel_loop3A_384 = arith.addf %parallel_loop3A_381, %parallel_loop3A_383 : vector<16xf32>
        %parallel_loop3A_385 = arith.constant 1 : i32
        %parallel_loop3A_386 = arith.constant 3 : i32
        %parallel_loop3A_387 = arith.index_cast %parallel_loop3A_385 : i32 to index
        %parallel_loop3A_388 = arith.index_cast %parallel_loop3A_386 : i32 to index
        %parallel_loop3A_389 = arith.index_cast %parallel_loop3A_261 : i32 to index
        %parallel_loop3A_390 = tpu.vector_load %arg10[%parallel_loop3A_387, %parallel_loop3A_388, %parallel_loop3A_389] {strides = array<i32>} : memref<2x8x2048xf32, #tpu.memory_space<vmem>>, vector<16xf32>,
        tpu.vector_store %arg10[%parallel_loop3A_387, %parallel_loop3A_388, %parallel_loop3A_389], %parallel_loop3A_384 {strides = array<i32>} : memref<2x8x2048xf32, #tpu.memory_space<vmem>>, vector<16xf32>,
        %parallel_loop3A_391 = arith.constant 1.000000e+03 : f32
        %parallel_loop3A_392 = vector.broadcast %parallel_loop3A_391 : f32 to vector<16xf32>
        %parallel_loop3A_393 = arith.mulf %parallel_loop3A_382, %parallel_loop3A_392 : vector<16xf32>
        %parallel_loop3A_394 = arith.constant 1 : i32
        %parallel_loop3A_395 = arith.constant 4 : i32
        %parallel_loop3A_396 = arith.index_cast %parallel_loop3A_394 : i32 to index
        %parallel_loop3A_397 = arith.index_cast %parallel_loop3A_263 : i32 to index
        %parallel_loop3A_398 = arith.index_cast %parallel_loop3A_395 : i32 to index
        %parallel_loop3A_399 = arith.index_cast %parallel_loop3A_265 : i32 to index
        %parallel_loop3A_400 = tpu.vector_load %arg9[%parallel_loop3A_396, %parallel_loop3A_397, %parallel_loop3A_398, %parallel_loop3A_399] {strides = array<i32>} : memref<2x16x8x128xf32, #tpu.memory_space<vmem>>, vector<16xf32>,
        %parallel_loop3A_401 = arith.constant 1.000000e+03 : f32
        %parallel_loop3A_402 = vector.broadcast %parallel_loop3A_401 : f32 to vector<16xf32>
        %parallel_loop3A_403 = arith.mulf %parallel_loop3A_400, %parallel_loop3A_402 : vector<16xf32>
        %parallel_loop3A_404 = arith.fptosi %parallel_loop3A_403 : vector<16xf32> to vector<16xi32>
        %parallel_loop3A_405 = arith.sitofp %parallel_loop3A_404 : vector<16xi32> to vector<16xf32>
        %parallel_loop3A_406 = arith.subf %parallel_loop3A_403, %parallel_loop3A_405 : vector<16xf32>
        %parallel_loop3A_407 = arith.constant 1000 : i32
        %parallel_loop3A_408 = vector.broadcast %parallel_loop3A_407 : i32 to vector<16xi32>
        %parallel_loop3A_409 = arith.minsi %parallel_loop3A_404, %parallel_loop3A_408 : vector<16xi32>
        %parallel_loop3A_410 = arith.constant 4004 : i32
        %parallel_loop3A_411 = vector.broadcast %parallel_loop3A_410 : i32 to vector<16xi32>
        %parallel_loop3A_412 = arith.addi %parallel_loop3A_409, %parallel_loop3A_411 : vector<16xi32>
        %parallel_loop3A_413 = tpu.vector_load_idx %arg7[%parallel_loop3A_412] : memref<8008xf32, #tpu.memory_space<vmem>>[vector<16xi32>], vector<16xf32>,
        %parallel_loop3A_414 = tpu.vector_load_idx %arg8[%parallel_loop3A_412] : memref<8008xf32, #tpu.memory_space<vmem>>[vector<16xi32>], vector<16xf32>,
        %parallel_loop3A_415 = arith.mulf %parallel_loop3A_414, %parallel_loop3A_406 : vector<16xf32>
        %parallel_loop3A_416 = arith.addf %parallel_loop3A_413, %parallel_loop3A_415 : vector<16xf32>
        %parallel_loop3A_417 = arith.constant 1 : i32
        %parallel_loop3A_418 = arith.constant 4 : i32
        %parallel_loop3A_419 = arith.index_cast %parallel_loop3A_417 : i32 to index
        %parallel_loop3A_420 = arith.index_cast %parallel_loop3A_418 : i32 to index
        %parallel_loop3A_421 = arith.index_cast %parallel_loop3A_261 : i32 to index
        %parallel_loop3A_422 = tpu.vector_load %arg10[%parallel_loop3A_419, %parallel_loop3A_420, %parallel_loop3A_421] {strides = array<i32>} : memref<2x8x2048xf32, #tpu.memory_space<vmem>>, vector<16xf32>,
        tpu.vector_store %arg10[%parallel_loop3A_419, %parallel_loop3A_420, %parallel_loop3A_421], %parallel_loop3A_416 {strides = array<i32>} : memref<2x8x2048xf32, #tpu.memory_space<vmem>>, vector<16xf32>,
        %parallel_loop3A_423 = arith.constant 1.000000e+03 : f32
        %parallel_loop3A_424 = vector.broadcast %parallel_loop3A_423 : f32 to vector<16xf32>
        %parallel_loop3A_425 = arith.mulf %parallel_loop3A_414, %parallel_loop3A_424 : vector<16xf32>
        %parallel_loop3A_426 = arith.constant 1 : i32
        %parallel_loop3A_427 = arith.constant 5 : i32
        %parallel_loop3A_428 = arith.index_cast %parallel_loop3A_426 : i32 to index
        %parallel_loop3A_429 = arith.index_cast %parallel_loop3A_263 : i32 to index
        %parallel_loop3A_430 = arith.index_cast %parallel_loop3A_427 : i32 to index
        %parallel_loop3A_431 = arith.index_cast %parallel_loop3A_265 : i32 to index
        %parallel_loop3A_432 = tpu.vector_load %arg9[%parallel_loop3A_428, %parallel_loop3A_429, %parallel_loop3A_430, %parallel_loop3A_431] {strides = array<i32>} : memref<2x16x8x128xf32, #tpu.memory_space<vmem>>, vector<16xf32>,
        %parallel_loop3A_433 = arith.constant 1.000000e+03 : f32
        %parallel_loop3A_434 = vector.broadcast %parallel_loop3A_433 : f32 to vector<16xf32>
        %parallel_loop3A_435 = arith.mulf %parallel_loop3A_432, %parallel_loop3A_434 : vector<16xf32>
        %parallel_loop3A_436 = arith.fptosi %parallel_loop3A_435 : vector<16xf32> to vector<16xi32>
        %parallel_loop3A_437 = arith.sitofp %parallel_loop3A_436 : vector<16xi32> to vector<16xf32>
        %parallel_loop3A_438 = arith.subf %parallel_loop3A_435, %parallel_loop3A_437 : vector<16xf32>
        %parallel_loop3A_439 = arith.constant 1000 : i32
        %parallel_loop3A_440 = vector.broadcast %parallel_loop3A_439 : i32 to vector<16xi32>
        %parallel_loop3A_441 = arith.minsi %parallel_loop3A_436, %parallel_loop3A_440 : vector<16xi32>
        %parallel_loop3A_442 = arith.constant 5005 : i32
        %parallel_loop3A_443 = vector.broadcast %parallel_loop3A_442 : i32 to vector<16xi32>
        %parallel_loop3A_444 = arith.addi %parallel_loop3A_441, %parallel_loop3A_443 : vector<16xi32>
        %parallel_loop3A_445 = tpu.vector_load_idx %arg7[%parallel_loop3A_444] : memref<8008xf32, #tpu.memory_space<vmem>>[vector<16xi32>], vector<16xf32>,
        %parallel_loop3A_446 = tpu.vector_load_idx %arg8[%parallel_loop3A_444] : memref<8008xf32, #tpu.memory_space<vmem>>[vector<16xi32>], vector<16xf32>,
        %parallel_loop3A_447 = arith.mulf %parallel_loop3A_446, %parallel_loop3A_438 : vector<16xf32>
        %parallel_loop3A_448 = arith.addf %parallel_loop3A_445, %parallel_loop3A_447 : vector<16xf32>
        %parallel_loop3A_449 = arith.constant 1 : i32
        %parallel_loop3A_450 = arith.constant 5 : i32
        %parallel_loop3A_451 = arith.index_cast %parallel_loop3A_449 : i32 to index
        %parallel_loop3A_452 = arith.index_cast %parallel_loop3A_450 : i32 to index
        %parallel_loop3A_453 = arith.index_cast %parallel_loop3A_261 : i32 to index
        %parallel_loop3A_454 = tpu.vector_load %arg10[%parallel_loop3A_451, %parallel_loop3A_452, %parallel_loop3A_453] {strides = array<i32>} : memref<2x8x2048xf32, #tpu.memory_space<vmem>>, vector<16xf32>,
        tpu.vector_store %arg10[%parallel_loop3A_451, %parallel_loop3A_452, %parallel_loop3A_453], %parallel_loop3A_448 {strides = array<i32>} : memref<2x8x2048xf32, #tpu.memory_space<vmem>>, vector<16xf32>,
        %parallel_loop3A_455 = arith.constant 1.000000e+03 : f32
        %parallel_loop3A_456 = vector.broadcast %parallel_loop3A_455 : f32 to vector<16xf32>
        %parallel_loop3A_457 = arith.mulf %parallel_loop3A_446, %parallel_loop3A_456 : vector<16xf32>
        %parallel_loop3A_458 = arith.constant 1 : i32
        %parallel_loop3A_459 = arith.constant 6 : i32
        %parallel_loop3A_460 = arith.index_cast %parallel_loop3A_458 : i32 to index
        %parallel_loop3A_461 = arith.index_cast %parallel_loop3A_263 : i32 to index
        %parallel_loop3A_462 = arith.index_cast %parallel_loop3A_459 : i32 to index
        %parallel_loop3A_463 = arith.index_cast %parallel_loop3A_265 : i32 to index
        %parallel_loop3A_464 = tpu.vector_load %arg9[%parallel_loop3A_460, %parallel_loop3A_461, %parallel_loop3A_462, %parallel_loop3A_463] {strides = array<i32>} : memref<2x16x8x128xf32, #tpu.memory_space<vmem>>, vector<16xf32>,
        %parallel_loop3A_465 = arith.constant 1.000000e+03 : f32
        %parallel_loop3A_466 = vector.broadcast %parallel_loop3A_465 : f32 to vector<16xf32>
        %parallel_loop3A_467 = arith.mulf %parallel_loop3A_464, %parallel_loop3A_466 : vector<16xf32>
        %parallel_loop3A_468 = arith.fptosi %parallel_loop3A_467 : vector<16xf32> to vector<16xi32>
        %parallel_loop3A_469 = arith.sitofp %parallel_loop3A_468 : vector<16xi32> to vector<16xf32>
        %parallel_loop3A_470 = arith.subf %parallel_loop3A_467, %parallel_loop3A_469 : vector<16xf32>
        %parallel_loop3A_471 = arith.constant 1000 : i32
        %parallel_loop3A_472 = vector.broadcast %parallel_loop3A_471 : i32 to vector<16xi32>
        %parallel_loop3A_473 = arith.minsi %parallel_loop3A_468, %parallel_loop3A_472 : vector<16xi32>
        %parallel_loop3A_474 = arith.constant 6006 : i32
        %parallel_loop3A_475 = vector.broadcast %parallel_loop3A_474 : i32 to vector<16xi32>
        %parallel_loop3A_476 = arith.addi %parallel_loop3A_473, %parallel_loop3A_475 : vector<16xi32>
        %parallel_loop3A_477 = tpu.vector_load_idx %arg7[%parallel_loop3A_476] : memref<8008xf32, #tpu.memory_space<vmem>>[vector<16xi32>], vector<16xf32>,
        %parallel_loop3A_478 = tpu.vector_load_idx %arg8[%parallel_loop3A_476] : memref<8008xf32, #tpu.memory_space<vmem>>[vector<16xi32>], vector<16xf32>,
        %parallel_loop3A_479 = arith.mulf %parallel_loop3A_478, %parallel_loop3A_470 : vector<16xf32>
        %parallel_loop3A_480 = arith.addf %parallel_loop3A_477, %parallel_loop3A_479 : vector<16xf32>
        %parallel_loop3A_481 = arith.constant 1 : i32
        %parallel_loop3A_482 = arith.constant 6 : i32
        %parallel_loop3A_483 = arith.index_cast %parallel_loop3A_481 : i32 to index
        %parallel_loop3A_484 = arith.index_cast %parallel_loop3A_482 : i32 to index
        %parallel_loop3A_485 = arith.index_cast %parallel_loop3A_261 : i32 to index
        %parallel_loop3A_486 = tpu.vector_load %arg10[%parallel_loop3A_483, %parallel_loop3A_484, %parallel_loop3A_485] {strides = array<i32>} : memref<2x8x2048xf32, #tpu.memory_space<vmem>>, vector<16xf32>,
        tpu.vector_store %arg10[%parallel_loop3A_483, %parallel_loop3A_484, %parallel_loop3A_485], %parallel_loop3A_480 {strides = array<i32>} : memref<2x8x2048xf32, #tpu.memory_space<vmem>>, vector<16xf32>,
        %parallel_loop3A_487 = arith.constant 1.000000e+03 : f32
        %parallel_loop3A_488 = vector.broadcast %parallel_loop3A_487 : f32 to vector<16xf32>
        %parallel_loop3A_489 = arith.mulf %parallel_loop3A_478, %parallel_loop3A_488 : vector<16xf32>
        %parallel_loop3A_490 = arith.constant 1 : i32
        %parallel_loop3A_491 = arith.constant 7 : i32
        %parallel_loop3A_492 = arith.index_cast %parallel_loop3A_490 : i32 to index
        %parallel_loop3A_493 = arith.index_cast %parallel_loop3A_263 : i32 to index
        %parallel_loop3A_494 = arith.index_cast %parallel_loop3A_491 : i32 to index
        %parallel_loop3A_495 = arith.index_cast %parallel_loop3A_265 : i32 to index
        %parallel_loop3A_496 = tpu.vector_load %arg9[%parallel_loop3A_492, %parallel_loop3A_493, %parallel_loop3A_494, %parallel_loop3A_495] {strides = array<i32>} : memref<2x16x8x128xf32, #tpu.memory_space<vmem>>, vector<16xf32>,
        %parallel_loop3A_497 = arith.constant 1.000000e+03 : f32
        %parallel_loop3A_498 = vector.broadcast %parallel_loop3A_497 : f32 to vector<16xf32>
        %parallel_loop3A_499 = arith.mulf %parallel_loop3A_496, %parallel_loop3A_498 : vector<16xf32>
        %parallel_loop3A_500 = arith.fptosi %parallel_loop3A_499 : vector<16xf32> to vector<16xi32>
        %parallel_loop3A_501 = arith.sitofp %parallel_loop3A_500 : vector<16xi32> to vector<16xf32>
        %parallel_loop3A_502 = arith.subf %parallel_loop3A_499, %parallel_loop3A_501 : vector<16xf32>
        %parallel_loop3A_503 = arith.constant 1000 : i32
        %parallel_loop3A_504 = vector.broadcast %parallel_loop3A_503 : i32 to vector<16xi32>
        %parallel_loop3A_505 = arith.minsi %parallel_loop3A_500, %parallel_loop3A_504 : vector<16xi32>
        %parallel_loop3A_506 = arith.constant 7007 : i32
        %parallel_loop3A_507 = vector.broadcast %parallel_loop3A_506 : i32 to vector<16xi32>
        %parallel_loop3A_508 = arith.addi %parallel_loop3A_505, %parallel_loop3A_507 : vector<16xi32>
        %parallel_loop3A_509 = tpu.vector_load_idx %arg7[%parallel_loop3A_508] : memref<8008xf32, #tpu.memory_space<vmem>>[vector<16xi32>], vector<16xf32>,
        %parallel_loop3A_510 = tpu.vector_load_idx %arg8[%parallel_loop3A_508] : memref<8008xf32, #tpu.memory_space<vmem>>[vector<16xi32>], vector<16xf32>,
        %parallel_loop3A_511 = arith.mulf %parallel_loop3A_510, %parallel_loop3A_502 : vector<16xf32>
        %parallel_loop3A_512 = arith.addf %parallel_loop3A_509, %parallel_loop3A_511 : vector<16xf32>
        %parallel_loop3A_513 = arith.constant 1 : i32
        %parallel_loop3A_514 = arith.constant 7 : i32
        %parallel_loop3A_515 = arith.index_cast %parallel_loop3A_513 : i32 to index
        %parallel_loop3A_516 = arith.index_cast %parallel_loop3A_514 : i32 to index
        %parallel_loop3A_517 = arith.index_cast %parallel_loop3A_261 : i32 to index
        %parallel_loop3A_518 = tpu.vector_load %arg10[%parallel_loop3A_515, %parallel_loop3A_516, %parallel_loop3A_517] {strides = array<i32>} : memref<2x8x2048xf32, #tpu.memory_space<vmem>>, vector<16xf32>,
        tpu.vector_store %arg10[%parallel_loop3A_515, %parallel_loop3A_516, %parallel_loop3A_517], %parallel_loop3A_512 {strides = array<i32>} : memref<2x8x2048xf32, #tpu.memory_space<vmem>>, vector<16xf32>,
        %parallel_loop3A_519 = arith.constant 1.000000e+03 : f32
        %parallel_loop3A_520 = vector.broadcast %parallel_loop3A_519 : f32 to vector<16xf32>
        %parallel_loop3A_521 = arith.mulf %parallel_loop3A_510, %parallel_loop3A_520 : vector<16xf32>
        %parallel_loop3A_522 = arith.mulf %parallel_loop3A_297, %parallel_loop3A_329 : vector<16xf32>
        %parallel_loop3A_523 = arith.mulf %parallel_loop3A_361, %parallel_loop3A_393 : vector<16xf32>
        %parallel_loop3A_524 = arith.mulf %parallel_loop3A_425, %parallel_loop3A_457 : vector<16xf32>
        %parallel_loop3A_525 = arith.mulf %parallel_loop3A_489, %parallel_loop3A_521 : vector<16xf32>
        %parallel_loop3A_526 = arith.mulf %parallel_loop3A_522, %parallel_loop3A_523 : vector<16xf32>
        %parallel_loop3A_527 = arith.mulf %parallel_loop3A_524, %parallel_loop3A_525 : vector<16xf32>
        %parallel_loop3A_528 = arith.mulf %parallel_loop3A_526, %parallel_loop3A_527 : vector<16xf32>
        %parallel_loop3A_529 = arith.constant 1 : i32
        %parallel_loop3A_530 = arith.index_cast %parallel_loop3A_529 : i32 to index
        %parallel_loop3A_531 = arith.index_cast %parallel_loop3A_261 : i32 to index
        %parallel_loop3A_532 = tpu.vector_load %arg11[%parallel_loop3A_530, %parallel_loop3A_531] {strides = array<i32>} : memref<2x2048xf32, #tpu.memory_space<vmem>>, vector<16xf32>,
        tpu.vector_store %arg11[%parallel_loop3A_530, %parallel_loop3A_531], %parallel_loop3A_528 {strides = array<i32>} : memref<2x2048xf32, #tpu.memory_space<vmem>>, vector<16xf32>,
      } {sc.loop_unroll_factor = 4 : i64, sc.parallel_access}
      %mul3A_238 = arith.constant 2048 : i32
      %mul3A_239 = arith.muli %add3A_175, %mul3A_238 : i32
      %add3A_240 = arith.addi %mul3A_2, %mul3A_239 : i32
      %scan3A_241 = arith.constant 0 : i32
      %scan3A_242 = arith.constant 0 : i32
      %scan3A_243 = arith.constant 16 : i32
      %scan3A_244 = arith.addi %scan3A_242, %scan3A_243 : i32
      %scan3A_245 = arith.constant 1 : i32
      %scan3A_246 = scf.for %scan3A_261 = %scan3A_242 to %scan3A_244 step %scan3A_245 iter_args(%scan3A_262 = %scan3A_241) -> (i32)  : i32 {
        %mul3A_263 = arith.constant 128 : i32
        %mul3A_264 = arith.muli %scan3A_261, %mul3A_263 : i32
        %jit3A_265 = arith.constant 128 : i32
        %div3A_266 = arith.divsi %add3A_240, %jit3A_265 : i32
        %sign3A_267 = arith.constant 0 : i32
        %sign3A_268 = arith.cmpi sgt, %add3A_240, %sign3A_267 : i32
        %sign3A_269 = arith.extui %sign3A_268 : i1 to i32
        %sign3A_270 = arith.constant 0 : i32
        %sign3A_271 = arith.cmpi slt, %add3A_240, %sign3A_270 : i32
        %sign3A_272 = arith.extui %sign3A_271 : i1 to i32
        %sign3A_273 = arith.subi %sign3A_269, %sign3A_272 : i32
        %sign3A_274 = arith.constant 0 : i32
        %sign3A_275 = arith.cmpi sgt, %jit3A_265, %sign3A_274 : i32
        %sign3A_276 = arith.extui %sign3A_275 : i1 to i32
        %sign3A_277 = arith.constant 0 : i32
        %sign3A_278 = arith.cmpi slt, %jit3A_265, %sign3A_277 : i32
        %sign3A_279 = arith.extui %sign3A_278 : i1 to i32
        %sign3A_280 = arith.subi %sign3A_276, %sign3A_279 : i32
        %ne3A_281 = arith.cmpi ne, %sign3A_273, %sign3A_280 : i32
        %rem3A_282 = arith.remsi %add3A_240, %jit3A_265 : i32
        %ne3A_283 = arith.constant 0 : i32
        %ne3A_284 = arith.cmpi ne, %rem3A_282, %ne3A_283 : i32
        %and3A_285 = arith.andi %ne3A_281, %ne3A_284 : i1
        %sub3A_286 = arith.constant 1 : i32
        %sub3A_287 = arith.subi %div3A_266, %sub3A_286 : i32
        %select_n3A_288 = arith.select %and3A_285, %sub3A_287, %div3A_266 : i32
        %add3A_289 = arith.addi %select_n3A_288, %scan3A_261 : i32
        %dma_start3A_290 = arith.constant 1 : i32
        %dma_start3A_291 = arith.constant 1 : i32
        %dma_start3A_292 = arith.constant 0 : i32
        %dma_start3A_293 = tpu.memref_slice %arg10[%dma_start3A_290, %dma_start3A_292, %mul3A_264] : memref<2x8x2048xf32, #tpu.memory_space<vmem>> -> memref<1x8x128xf32, #tpu.memory_space<vmem>>
        %dma_start3A_294 = tpu.memref_squeeze %dma_start3A_293 : memref<1x8x128xf32, #tpu.memory_space<vmem>> -> memref<8x128xf32, #tpu.memory_space<vmem>>
        %dma_start3A_295 = arith.constant 0 : i32
        %dma_start3A_296 = arith.constant 0 : i32
        %dma_start3A_297 = tpu.memref_slice %arg5[%add3A_289, %dma_start3A_295, %dma_start3A_296] : memref<8192x8x128xf32, #tpu.memory_space<hbm>> -> memref<1x8x128xf32, #tpu.memory_space<hbm>>
        %dma_start3A_298 = tpu.memref_squeeze %dma_start3A_297 : memref<1x8x128xf32, #tpu.memory_space<hbm>> -> memref<8x128xf32, #tpu.memory_space<hbm>>
        %dma_start3A_299 = tpu.memref_slice %arg13[%dma_start3A_291] : memref<2x!tpu.dma_semaphore, #tpu.memory_space<semaphore_mem>> -> memref<1x!tpu.dma_semaphore, #tpu.memory_space<semaphore_mem>>
        %dma_start3A_300 = tpu.memref_squeeze %dma_start3A_299 : memref<1x!tpu.dma_semaphore, #tpu.memory_space<semaphore_mem>> -> memref<!tpu.dma_semaphore, #tpu.memory_space<semaphore_mem>>
        %dma_start3A_301 = arith.constant 0 : i32
        %dma_start3A_302 = arith.constant 0 : i32
        %dma_start3A_303 = tpu.memref_slice %arg5[%add3A_289, %dma_start3A_301, %dma_start3A_302] : memref<8192x8x128xf32, #tpu.memory_space<hbm>> -> memref<1x8x128xf32, #tpu.memory_space<hbm>>
        %dma_start3A_304 = tpu.memref_squeeze %dma_start3A_303 : memref<1x8x128xf32, #tpu.memory_space<hbm>> -> memref<8x128xf32, #tpu.memory_space<hbm>>
        %dma_start3A_305 = arith.constant 0 : i32
        %dma_start3A_306 = tpu.memref_slice %arg10[%dma_start3A_290, %dma_start3A_305, %mul3A_264] : memref<2x8x2048xf32, #tpu.memory_space<vmem>> -> memref<1x8x128xf32, #tpu.memory_space<vmem>>
        %dma_start3A_307 = tpu.memref_squeeze %dma_start3A_306 : memref<1x8x128xf32, #tpu.memory_space<vmem>> -> memref<8x128xf32, #tpu.memory_space<vmem>>
        tpu.enqueue_dma source(%dma_start3A_307 : memref<8x128xf32, #tpu.memory_space<vmem>>) target(%dma_start3A_304 : memref<8x128xf32, #tpu.memory_space<hbm>>) target_semaphore(%dma_start3A_300 : memref<!tpu.dma_semaphore, #tpu.memory_space<semaphore_mem>>)
        %scan3A_308 = arith.constant 0 : i32
        scf.yield %scan3A_308 : i32
      }
      %scan3A_247 = arith.constant 16 : i32
      %dma_start3A_248 = arith.constant 1 : i32
      %dma_start3A_249 = arith.constant 1 : i32
      %dma_start3A_250 = arith.constant 0 : i32
      %dma_start3A_251 = tpu.memref_slice %arg11[%dma_start3A_248, %dma_start3A_250] : memref<2x2048xf32, #tpu.memory_space<vmem>> -> memref<1x2048xf32, #tpu.memory_space<vmem>>
      %dma_start3A_252 = tpu.memref_squeeze %dma_start3A_251 : memref<1x2048xf32, #tpu.memory_space<vmem>> -> memref<2048xf32, #tpu.memory_space<vmem>>
      %dma_start3A_253 = tpu.memref_slice %arg6[%add3A_240] : memref<1048576xf32, #tpu.memory_space<hbm>> -> memref<2048xf32, #tpu.memory_space<hbm>>
      %dma_start3A_254 = tpu.memref_slice %arg14[%dma_start3A_249] : memref<2x!tpu.dma_semaphore, #tpu.memory_space<semaphore_mem>> -> memref<1x!tpu.dma_semaphore, #tpu.memory_space<semaphore_mem>>
      %dma_start3A_255 = tpu.memref_squeeze %dma_start3A_254 : memref<1x!tpu.dma_semaphore, #tpu.memory_space<semaphore_mem>> -> memref<!tpu.dma_semaphore, #tpu.memory_space<semaphore_mem>>
      %dma_start3A_256 = tpu.memref_slice %arg6[%add3A_240] : memref<1048576xf32, #tpu.memory_space<hbm>> -> memref<2048xf32, #tpu.memory_space<hbm>>
      %dma_start3A_257 = arith.constant 0 : i32
      %dma_start3A_258 = tpu.memref_slice %arg11[%dma_start3A_248, %dma_start3A_257] : memref<2x2048xf32, #tpu.memory_space<vmem>> -> memref<1x2048xf32, #tpu.memory_space<vmem>>
      %dma_start3A_259 = tpu.memref_squeeze %dma_start3A_258 : memref<1x2048xf32, #tpu.memory_space<vmem>> -> memref<2048xf32, #tpu.memory_space<vmem>>
      tpu.enqueue_dma source(%dma_start3A_259 : memref<2048xf32, #tpu.memory_space<vmem>>) target(%dma_start3A_256 : memref<2048xf32, #tpu.memory_space<hbm>>) target_semaphore(%dma_start3A_255 : memref<!tpu.dma_semaphore, #tpu.memory_space<semaphore_mem>>)
      %scan3A_260 = arith.constant 0 : i32
      scf.yield %scan3A_260 : i32
    }
    %scan3A_45 = arith.constant 8 : i32
    %scan3A_46 = arith.constant 0 : i32
    %scan3A_47 = arith.constant 0 : i32
    %scan3A_48 = arith.constant 16 : i32
    %scan3A_49 = arith.addi %scan3A_47, %scan3A_48 : i32
    %scan3A_50 = arith.constant 1 : i32
    %scan3A_51 = scf.for %scan3A_87 = %scan3A_47 to %scan3A_49 step %scan3A_50 iter_args(%scan3A_88 = %scan3A_46) -> (i32)  : i32 {
      %dma_wait3A_89 = arith.constant 0 : i32
      %dma_wait3A_90 = arith.constant 0 : i32
      %dma_wait3A_91 = arith.constant 0 : i32
      %dma_wait3A_92 = arith.constant 0 : i32
      %dma_wait3A_93 = arith.constant 0 : i32
      %dma_wait3A_94 = tpu.memref_slice %arg10[%dma_wait3A_89, %dma_wait3A_92, %dma_wait3A_93] : memref<2x8x2048xf32, #tpu.memory_space<vmem>> -> memref<1x8x128xf32, #tpu.memory_space<vmem>>
      %dma_wait3A_95 = tpu.memref_squeeze %dma_wait3A_94 : memref<1x8x128xf32, #tpu.memory_space<vmem>> -> memref<8x128xf32, #tpu.memory_space<vmem>>
      %dma_wait3A_96 = arith.constant 0 : i32
      %dma_wait3A_97 = arith.constant 0 : i32
      %dma_wait3A_98 = tpu.memref_slice %arg5[%dma_wait3A_90, %dma_wait3A_96, %dma_wait3A_97] : memref<8192x8x128xf32, #tpu.memory_space<hbm>> -> memref<1x8x128xf32, #tpu.memory_space<hbm>>
      %dma_wait3A_99 = tpu.memref_squeeze %dma_wait3A_98 : memref<1x8x128xf32, #tpu.memory_space<hbm>> -> memref<8x128xf32, #tpu.memory_space<hbm>>
      %dma_wait3A_100 = tpu.memref_slice %arg13[%dma_wait3A_91] : memref<2x!tpu.dma_semaphore, #tpu.memory_space<semaphore_mem>> -> memref<1x!tpu.dma_semaphore, #tpu.memory_space<semaphore_mem>>
      %dma_wait3A_101 = tpu.memref_squeeze %dma_wait3A_100 : memref<1x!tpu.dma_semaphore, #tpu.memory_space<semaphore_mem>> -> memref<!tpu.dma_semaphore, #tpu.memory_space<semaphore_mem>>
      %dma_wait3A_102 = arith.constant 0 : i32
      %dma_wait3A_103 = arith.constant 0 : i32
      %dma_wait3A_104 = tpu.memref_slice %arg5[%dma_wait3A_90, %dma_wait3A_102, %dma_wait3A_103] : memref<8192x8x128xf32, #tpu.memory_space<hbm>> -> memref<1x8x128xf32, #tpu.memory_space<hbm>>
      %dma_wait3A_105 = tpu.memref_squeeze %dma_wait3A_104 : memref<1x8x128xf32, #tpu.memory_space<hbm>> -> memref<8x128xf32, #tpu.memory_space<hbm>>
      %dma_wait3A_106 = arith.constant 0 : i32
      %dma_wait3A_107 = arith.constant 0 : i32
      %dma_wait3A_108 = tpu.memref_slice %arg10[%dma_wait3A_89, %dma_wait3A_106, %dma_wait3A_107] : memref<2x8x2048xf32, #tpu.memory_space<vmem>> -> memref<1x8x128xf32, #tpu.memory_space<vmem>>
      %dma_wait3A_109 = tpu.memref_squeeze %dma_wait3A_108 : memref<1x8x128xf32, #tpu.memory_space<vmem>> -> memref<8x128xf32, #tpu.memory_space<vmem>>
      tpu.wait_dma2 semaphore(%dma_wait3A_101 : memref<!tpu.dma_semaphore, #tpu.memory_space<semaphore_mem>>) src(%dma_wait3A_109 : memref<8x128xf32, #tpu.memory_space<vmem>>) dst(%dma_wait3A_105 : memref<8x128xf32, #tpu.memory_space<hbm>>)
      %scan3A_110 = arith.constant 0 : i32
      scf.yield %scan3A_110 : i32
    }
    %scan3A_52 = arith.constant 16 : i32
    %dma_wait3A = arith.constant 0 : i32
    %dma_wait3A_53 = arith.constant 0 : i32
    %dma_wait3A_54 = arith.constant 0 : i32
    %dma_wait3A_55 = tpu.memref_slice %arg11[%dma_wait3A, %dma_wait3A_54] : memref<2x2048xf32, #tpu.memory_space<vmem>> -> memref<1x2048xf32, #tpu.memory_space<vmem>>
    %dma_wait3A_56 = tpu.memref_squeeze %dma_wait3A_55 : memref<1x2048xf32, #tpu.memory_space<vmem>> -> memref<2048xf32, #tpu.memory_space<vmem>>
    %dma_wait3A_57 = arith.constant 0 : i32
    %dma_wait3A_58 = tpu.memref_slice %arg6[%dma_wait3A_57] : memref<1048576xf32, #tpu.memory_space<hbm>> -> memref<2048xf32, #tpu.memory_space<hbm>>
    %dma_wait3A_59 = tpu.memref_slice %arg14[%dma_wait3A_53] : memref<2x!tpu.dma_semaphore, #tpu.memory_space<semaphore_mem>> -> memref<1x!tpu.dma_semaphore, #tpu.memory_space<semaphore_mem>>
    %dma_wait3A_60 = tpu.memref_squeeze %dma_wait3A_59 : memref<1x!tpu.dma_semaphore, #tpu.memory_space<semaphore_mem>> -> memref<!tpu.dma_semaphore, #tpu.memory_space<semaphore_mem>>
    %dma_wait3A_61 = arith.constant 0 : i32
    %dma_wait3A_62 = tpu.memref_slice %arg6[%dma_wait3A_61] : memref<1048576xf32, #tpu.memory_space<hbm>> -> memref<2048xf32, #tpu.memory_space<hbm>>
    %dma_wait3A_63 = arith.constant 0 : i32
    %dma_wait3A_64 = tpu.memref_slice %arg11[%dma_wait3A, %dma_wait3A_63] : memref<2x2048xf32, #tpu.memory_space<vmem>> -> memref<1x2048xf32, #tpu.memory_space<vmem>>
    %dma_wait3A_65 = tpu.memref_squeeze %dma_wait3A_64 : memref<1x2048xf32, #tpu.memory_space<vmem>> -> memref<2048xf32, #tpu.memory_space<vmem>>
    tpu.wait_dma2 semaphore(%dma_wait3A_60 : memref<!tpu.dma_semaphore, #tpu.memory_space<semaphore_mem>>) src(%dma_wait3A_65 : memref<2048xf32, #tpu.memory_space<vmem>>) dst(%dma_wait3A_62 : memref<2048xf32, #tpu.memory_space<hbm>>)
    %scan3A_66 = arith.constant 0 : i32
    %scan3A_67 = arith.constant 0 : i32
    %scan3A_68 = arith.constant 16 : i32
    %scan3A_69 = arith.addi %scan3A_67, %scan3A_68 : i32
    %scan3A_70 = arith.constant 1 : i32
    %scan3A_71 = scf.for %scan3A_87 = %scan3A_67 to %scan3A_69 step %scan3A_70 iter_args(%scan3A_88 = %scan3A_66) -> (i32)  : i32 {
      %dma_wait3A_89 = arith.constant 1 : i32
      %dma_wait3A_90 = arith.constant 0 : i32
      %dma_wait3A_91 = arith.constant 1 : i32
      %dma_wait3A_92 = arith.constant 0 : i32
      %dma_wait3A_93 = arith.constant 0 : i32
      %dma_wait3A_94 = tpu.memref_slice %arg10[%dma_wait3A_89, %dma_wait3A_92, %dma_wait3A_93] : memref<2x8x2048xf32, #tpu.memory_space<vmem>> -> memref<1x8x128xf32, #tpu.memory_space<vmem>>
      %dma_wait3A_95 = tpu.memref_squeeze %dma_wait3A_94 : memref<1x8x128xf32, #tpu.memory_space<vmem>> -> memref<8x128xf32, #tpu.memory_space<vmem>>
      %dma_wait3A_96 = arith.constant 0 : i32
      %dma_wait3A_97 = arith.constant 0 : i32
      %dma_wait3A_98 = tpu.memref_slice %arg5[%dma_wait3A_90, %dma_wait3A_96, %dma_wait3A_97] : memref<8192x8x128xf32, #tpu.memory_space<hbm>> -> memref<1x8x128xf32, #tpu.memory_space<hbm>>
      %dma_wait3A_99 = tpu.memref_squeeze %dma_wait3A_98 : memref<1x8x128xf32, #tpu.memory_space<hbm>> -> memref<8x128xf32, #tpu.memory_space<hbm>>
      %dma_wait3A_100 = tpu.memref_slice %arg13[%dma_wait3A_91] : memref<2x!tpu.dma_semaphore, #tpu.memory_space<semaphore_mem>> -> memref<1x!tpu.dma_semaphore, #tpu.memory_space<semaphore_mem>>
      %dma_wait3A_101 = tpu.memref_squeeze %dma_wait3A_100 : memref<1x!tpu.dma_semaphore, #tpu.memory_space<semaphore_mem>> -> memref<!tpu.dma_semaphore, #tpu.memory_space<semaphore_mem>>
      %dma_wait3A_102 = arith.constant 0 : i32
      %dma_wait3A_103 = arith.constant 0 : i32
      %dma_wait3A_104 = tpu.memref_slice %arg5[%dma_wait3A_90, %dma_wait3A_102, %dma_wait3A_103] : memref<8192x8x128xf32, #tpu.memory_space<hbm>> -> memref<1x8x128xf32, #tpu.memory_space<hbm>>
      %dma_wait3A_105 = tpu.memref_squeeze %dma_wait3A_104 : memref<1x8x128xf32, #tpu.memory_space<hbm>> -> memref<8x128xf32, #tpu.memory_space<hbm>>
      %dma_wait3A_106 = arith.constant 0 : i32
      %dma_wait3A_107 = arith.constant 0 : i32
      %dma_wait3A_108 = tpu.memref_slice %arg10[%dma_wait3A_89, %dma_wait3A_106, %dma_wait3A_107] : memref<2x8x2048xf32, #tpu.memory_space<vmem>> -> memref<1x8x128xf32, #tpu.memory_space<vmem>>
      %dma_wait3A_109 = tpu.memref_squeeze %dma_wait3A_108 : memref<1x8x128xf32, #tpu.memory_space<vmem>> -> memref<8x128xf32, #tpu.memory_space<vmem>>
      tpu.wait_dma2 semaphore(%dma_wait3A_101 : memref<!tpu.dma_semaphore, #tpu.memory_space<semaphore_mem>>) src(%dma_wait3A_109 : memref<8x128xf32, #tpu.memory_space<vmem>>) dst(%dma_wait3A_105 : memref<8x128xf32, #tpu.memory_space<hbm>>)
      %scan3A_110 = arith.constant 0 : i32
      scf.yield %scan3A_110 : i32
    }
    %scan3A_72 = arith.constant 16 : i32
    %dma_wait3A_73 = arith.constant 1 : i32
    %dma_wait3A_74 = arith.constant 1 : i32
    %dma_wait3A_75 = arith.constant 0 : i32
    %dma_wait3A_76 = tpu.memref_slice %arg11[%dma_wait3A_73, %dma_wait3A_75] : memref<2x2048xf32, #tpu.memory_space<vmem>> -> memref<1x2048xf32, #tpu.memory_space<vmem>>
    %dma_wait3A_77 = tpu.memref_squeeze %dma_wait3A_76 : memref<1x2048xf32, #tpu.memory_space<vmem>> -> memref<2048xf32, #tpu.memory_space<vmem>>
    %dma_wait3A_78 = arith.constant 0 : i32
    %dma_wait3A_79 = tpu.memref_slice %arg6[%dma_wait3A_78] : memref<1048576xf32, #tpu.memory_space<hbm>> -> memref<2048xf32, #tpu.memory_space<hbm>>
    %dma_wait3A_80 = tpu.memref_slice %arg14[%dma_wait3A_74] : memref<2x!tpu.dma_semaphore, #tpu.memory_space<semaphore_mem>> -> memref<1x!tpu.dma_semaphore, #tpu.memory_space<semaphore_mem>>
    %dma_wait3A_81 = tpu.memref_squeeze %dma_wait3A_80 : memref<1x!tpu.dma_semaphore, #tpu.memory_space<semaphore_mem>> -> memref<!tpu.dma_semaphore, #tpu.memory_space<semaphore_mem>>
    %dma_wait3A_82 = arith.constant 0 : i32
    %dma_wait3A_83 = tpu.memref_slice %arg6[%dma_wait3A_82] : memref<1048576xf32, #tpu.memory_space<hbm>> -> memref<2048xf32, #tpu.memory_space<hbm>>
    %dma_wait3A_84 = arith.constant 0 : i32
    %dma_wait3A_85 = tpu.memref_slice %arg11[%dma_wait3A_73, %dma_wait3A_84] : memref<2x2048xf32, #tpu.memory_space<vmem>> -> memref<1x2048xf32, #tpu.memory_space<vmem>>
    %dma_wait3A_86 = tpu.memref_squeeze %dma_wait3A_85 : memref<1x2048xf32, #tpu.memory_space<vmem>> -> memref<2048xf32, #tpu.memory_space<vmem>>
    tpu.wait_dma2 semaphore(%dma_wait3A_81 : memref<!tpu.dma_semaphore, #tpu.memory_space<semaphore_mem>>) src(%dma_wait3A_86 : memref<2048xf32, #tpu.memory_space<vmem>>) dst(%dma_wait3A_83 : memref<2048xf32, #tpu.memory_space<hbm>>)
    return
  }
}

module attributes {stable_mosaic.version = 14 : i64} {
  func.func @_log_body(%arg0: i32, %arg1: memref<2048x128xf32, #tpu.memory_space<vmem>>, %arg2: memref<2048x128xf32, #tpu.memory_space<vmem>>) attributes {dimension_semantics = [#tpu.dimension_semantics<arbitrary>], iteration_bounds = array<i64: 4>, scalar_prefetch = 0 : i64, scratch_operands = 0 : i64, tpu.core_type = #tpu.core_type<tc>, window_params = [{transform_indices = @transform_0, window_bounds = array<i64: 2048, 128>}, {transform_indices = @transform_1, window_bounds = array<i64: 2048, 128>}]} {
    %get3A = arith.constant 0 : index
    %get3A_0 = arith.constant 0 : index
    %get3A_1 = vector.load %arg1[%get3A, %get3A_0] : memref<2048x128xf32, #tpu.memory_space<vmem>>, vector<2048x128xf32>
    %log3A = math.log %get3A_1 : vector<2048x128xf32>
    %swap3A = arith.constant 0 : index
    %swap3A_2 = arith.constant 0 : index
    %swap3A_3 = vector.load %arg2[%swap3A, %swap3A_2] : memref<2048x128xf32, #tpu.memory_space<vmem>>, vector<2048x128xf32>
    tpu.vector_store %arg2[%swap3A, %swap3A_2], %log3A {strides = array<i32>} : memref<2048x128xf32, #tpu.memory_space<vmem>>, vector<2048x128xf32>,
    return
  }
  func.func @transform_0(%arg0: i32) -> (i32, i32) {
    %c0_i32 = arith.constant 0 : i32
    %c0_i32_0 = arith.constant 0 : i32
    return %arg0, %c0_i32 : i32, i32
  }
  func.func @transform_1(%arg0: i32) -> (i32, i32) {
    %c0_i32 = arith.constant 0 : i32
    %c0_i32_0 = arith.constant 0 : i32
    return %arg0, %c0_i32 : i32, i32
  }
}

</mosaic_0001>

<sc_bundles>
// kernel: kernel.4.cloned.1.call-start
scs
__scs_entry_jumppad:
0x0: {  	(pc) =	sbr.rel $0x88, $3  }
0x1: {  	(tag) =	ssettag $0x0;
	lr =	simm.s32 $0x1  }
0x2: {  	[smem:$0x3F9E] =	sst lr;
	_ =	strace $0xD0000000  }
0x3: {  	_ = 	snop  }
0x4: {  	_ = 	snop  }
0x5: {  	_ = 	snop  }
0x6: {  	_ = 	snop  }
0x7: {  	_ = 	snop  }
__scs_overlays_trampoline_lowered:
0x8: {  	[smem:$0x3FAD] =	sst s0  }
0x9: {  	[smem:$0x3FAE] =	sst s1  }
0xa: {  	[smem:$0x3FAF] =	sst s2  }
0xb: {  	[smem:$0x3FB0] =	sst s3  }
0xc: {  	[smem:$0x3FB1] =	sst s4  }
0xd: {  	[smem:$0x3FB2] =	sst s5  }
0xe: {  	[smem:$0x3FB3] =	sst s6  }
0xf: {  	[smem:$0x3FB4] =	sst s7  }
0x10: {  	[smem:$0x3FB5] =	sst s8  }
0x11: {  	[smem:$0x3FB6] =	sst s9;
	s0 =	simm.s32 @!p0 $0x0  }
0x12: {  	s1 =	sld [smem:$0x3F9C];
	s0 =	simm.s32 @p0 $0x1  }
0x13: {  	[smem:$0x3FB7] =	sst s0;
	s0 =	simm.s32 @!p1 $0x0  }
0x14: {  	s2 =	sld [smem:$0x3F9B];
	s0 =	simm.s32 @p1 $0x1  }
0x15: {  	[smem:$0x3FB8] =	sst s0;
	s0 =	simm.s32 @!p2 $0x0  }
0x16: {  	s3 =	sld [smem:$0x3FDB];
	s0 =	simm.s32 @p2 $0x1  }
0x17: {  	s4 =	simm.s32 $0x1BF5;
	[smem:$0x3FBA] =	sst s0  }
0x18: {  	s0 =	sld [smem:$0x3F9D];
	_ =	swait.ge [sflag:s4], $0x0  }
0x19: {  	s7 =	sld [smem:$0x3F9E]  }
0x1a: {  	s8 =	sadd.s32 $0xFFFFE003, lr  }
0x1b: {  	s9 =	sadd.s32 $0xFFFFFEF7, lr;
	s5 =	simm.s32 $0xFFFFFFFF;
	p2 =	slt.u32 s8, $0xFFFFF086  }
0x1c: {  	p1 =	slt.u32 s9, $0xF7A;
	s5 =	simm.s32 @!p2 $0x0  }
0x1d: {  	s5 =	simm.s32 @p1 $0x1;
	p0 =	seq.s32 s7, s2  }
0x1e: {  	s7 =	smul.u32 @!p0 $0xF7A, s2;
	p2 =	seq.s32 @!p0 s5, $0x0  }
0x1f: {  	s9 =	smul.u32 $0xF7A, s1;
	s8 =	simm.s32 @!p0 $0x1BF5;
	p2 =	por !p2, p0  }
0x20: {  	[sflag:s8] =	ssyncset.s32 @!p0 $0xFFFFF086;
	s6 =	sadd.s32 @!p0 s3, s7;
	s7 =	simm.s32 @!p0 $0x108  }
0x21: {  	s3 =	sadd.s32 s3, s9;
	s6 =	sadd.s32 @!p0 $0x88, s6;
	s7 =	simm.s32 @p2 $0x1082  }
0x22: {  	[simem:s7], [sflag:s8] =	dma.local @!p0 [hbm:s6], $0xF7A  }
0x23: {  	s9 =	sor.u32 $0xD0000000, s2;
	s6 =	simm.s32 $0x108;
	_ =	swait.ge @!p0 [sflag:s8], $0x0  }
0x24: {  	s3 =	sadd.s32 $0x88, s3;
	s6 =	simm.s32 @!p1 $0x1082;
	[sflag:s4] =	ssyncset.s32 $0xFFFFF086  }
0x25: {  	[simem:s6], [sflag:s4] =	dma.local [hbm:s3], $0xF7A  }
0x26: {  	[smem:$0x3F9E] =	sst s1;
	(tag) =	ssettag s2;
	_ =	strace s9  }
0x27: {  	s1 =	sld [smem:$0x3FAE]  }
0x28: {  	s2 =	sld [smem:$0x3FAF]  }
0x29: {  	s4 =	sld [smem:$0x3FB1]  }
0x2a: {  	p0 =	seq.s32 s5, $0x0;
	s5 =	sld [smem:$0x3FB2]  }
0x2b: {  	s6 =	sld [smem:$0x3FB3]  }
0x2c: {  	s7 =	sld [smem:$0x3FB4]  }
0x2d: {  	s3 =	simm.s32 $0x108;
	s8 =	sld [smem:$0x3FB5]  }
0x2e: {  	s3 =	simm.s32 @!p0 $0x1082;
	s9 =	sld [smem:$0x3FB6]  }
0x2f: {  	lr =	sadd.s32 s0, s3;
	s0 =	sld [smem:$0x3FAD]  }
0x30: {  	s3 =	sld [smem:$0x3FB0]  }
0x31: {  	[smem:$0x3FB9] =	sst s10  }
0x32: {  	s10 =	sld [smem:$0x3FB7];
	_ =	sdelay $0x3  }
0x33: {  	p0 =	seq.s32 s10, $0x1;
	s10 =	sld [smem:$0x3FB9];
	_ =	sdelay $0x3  }
0x34: {  	[smem:$0x3FB9] =	sst s10  }
0x35: {  	s10 =	sld [smem:$0x3FB8];
	_ =	sdelay $0x3  }
0x36: {  	p1 =	seq.s32 s10, $0x1;
	s10 =	sld [smem:$0x3FB9];
	_ =	sdelay $0x3  }
0x37: {  	[smem:$0x3FB9] =	sst s10  }
0x38: {  	s10 =	sld [smem:$0x3FBA]  }
0x39: {  	_ = 	snop;
	(pc) =	sbr.ind lr, $3  }
0x3a: {  	_ = 	snop  }
0x3b: {  	_ = 	snop  }
0x3c: {  	p2 =	seq.s32 s10, $0x1;
	s10 =	sld [smem:$0x3FB9]  }
0x3d: {  	_ =	shalt  }
0x3e: {  	_ =	shalt  }
0x3f: {  	_ =	shalt  }
0x40: {  	_ =	shalt  }
0x41: {  	_ =	shalt  }
0x42: {  	_ =	shalt  }
0x43: {  	_ =	shalt  }
0x44: {  	_ =	shalt  }
0x45: {  	_ =	shalt  }
0x46: {  	_ =	shalt  }
0x47: {  	_ =	shalt  }
0x48: {  	_ =	shalt  }
0x49: {  	_ =	shalt  }
0x4a: {  	_ =	shalt  }
0x4b: {  	_ =	shalt  }
0x4c: {  	_ =	shalt  }
0x4d: {  	_ =	shalt  }
0x4e: {  	_ =	shalt  }
0x4f: {  	_ =	shalt  }
0x50: {  	_ =	shalt  }
0x51: {  	_ =	shalt  }
0x52: {  	_ =	shalt  }
0x53: {  	_ =	shalt  }
0x54: {  	_ =	shalt  }
0x55: {  	_ =	shalt  }
0x56: {  	_ =	shalt  }
0x57: {  	_ =	shalt  }
0x58: {  	_ =	shalt  }
0x59: {  	_ =	shalt  }
0x5a: {  	_ =	shalt  }
0x5b: {  	_ =	shalt  }
0x5c: {  	_ =	shalt  }
0x5d: {  	_ =	shalt  }
0x5e: {  	_ =	shalt  }
0x5f: {  	_ =	shalt  }
0x60: {  	_ =	shalt  }
0x61: {  	_ =	shalt  }
0x62: {  	_ =	shalt  }
0x63: {  	_ =	shalt  }
0x64: {  	_ =	shalt  }
0x65: {  	_ =	shalt  }
0x66: {  	_ =	shalt  }
0x67: {  	_ =	shalt  }
0x68: {  	_ =	shalt  }
0x69: {  	_ =	shalt  }
0x6a: {  	_ =	shalt  }
0x6b: {  	_ =	shalt  }
0x6c: {  	_ =	shalt  }
0x6d: {  	_ =	shalt  }
0x6e: {  	_ =	shalt  }
0x6f: {  	_ =	shalt  }
0x70: {  	_ =	shalt  }
0x71: {  	_ =	shalt  }
0x72: {  	_ =	shalt  }
0x73: {  	_ =	shalt  }
0x74: {  	_ =	shalt  }
0x75: {  	_ =	shalt  }
0x76: {  	_ =	shalt  }
0x77: {  	_ =	shalt  }
0x78: {  	_ =	shalt  }
0x79: {  	_ =	shalt  }
0x7a: {  	_ =	shalt  }
0x7b: {  	_ =	shalt  }
0x7c: {  	_ =	shalt  }
0x7d: {  	_ =	shalt  }
0x7e: {  	_ =	shalt  }
0x7f: {  	_ =	shalt  }
0x80: {  	_ =	shalt  }
0x81: {  	_ =	shalt  }
0x82: {  	_ =	shalt  }
0x83: {  	_ =	shalt  }
0x84: {  	_ =	shalt  }
0x85: {  	_ =	shalt  }
0x86: {  	_ =	shalt  }
0x87: {  	_ =	shalt  }
.Lfunc_end0:
.L_simem_size_0:
called_computation_lowered:
.L_overlay_start_0:
0x88: {  	s2 =	sld [smem:$0x3FD9]  }
0x89: {  	s3 =	sld [smem:$0x3FFE];
	_ =	sdelay $0x1  }
0x8a: {  	s1 =	srdreg.scid  }
0x8b: {  	s0 =	sand.u32 $0x1, s1  }
0x8c: {  	s14 =	sshll.u32 s0, $0xA;
	s2 =	sadd.s32 s3, s2  }
0x8d: {  	s2 =	sadd.s32 s2, s14  }
0x8e: {  	[smem:$0x3FC5] =	sst s2  }
0x8f: {  	_ = 	snop  }
0x90: {  	s2 =	sld [smem:$0x3FD0];
	_ =	sdelay $0x2  }
0x91: {  	s4 =	simm.s32 $0xA;
	s5 =	simm.s32 $0x10;
	s15 =	sld [smem:$0x3FC9]  }
0x92: {  	[smem:s5], [sflag:s4] =	dma.local [hbm:s2], $0x1  }
0x93: {  	_ =	swait.eq [sflag:s4], $0x1  }
0x94: {  	[sflag:s4] =	ssyncset.done $0x0  }
0x95: {  	s16 =	sld [smem:$0x10];
	[sflag:s4] =	ssyncadd.s32 $0xFFFFFFFF  }
0x96: {  	s17 =	sld [smem:$0x11];
	(tm) =	ssettm $0x1  }
0x97: {  	s18 =	sld [smem:$0x3FFB];
	_ =	sdelay $0x3  }
0x98: {  	_ =	strace s18  }
0x99: {  	s5 =	sld [smem:$0x3FFC];
	_ =	sdelay $0x3  }
0x9a: {  	_ =	strace s5  }
0x9b: {  	s5 =	sld [smem:$0x3FFD];
	_ =	sdelay $0x3  }
0x9c: {  	_ =	strace s5  }
0x9d: {  	_ =	strace $0x8FFFFFFF  }
0x9e: {  	s19 =	sld [smem:$0x3FDB];
	_ =	sdelay $0x1  }
0x9f: {  	s6 =	simm.s32 $_scs_section_size  }
0xa0: {  	s7 =	simm.s32 $_size__tile_overlayer_lowered;
	s8 =	simm.s32 $_tile_overlayer_lowered  }
0xa1: {  	s22 =	simm.s32 $0x1BFF;
	s21 =	sshll.u32 s8, $0x1;
	s5 =	sadd.s32 s6, s19  }
0xa2: {  	s9 =	simm.s32 $0x0;
	s20 =	sshll.u32 s7, $0x1;
	s7 =	sadd.s32 s21, s5  }
0xa3: {  	[timem:s9], [sflag:s22] =	dma.local [hbm:s7], s20  }
0xa4: {  	_ =	swait.ge [sflag:s22], s20  }
0xa5: {  	s6 =	ssub.s32 $0x0, s20;
	[sflag:s22] =	ssyncset.done $0x0  }
0xa6: {  	[sflag:s22] =	ssyncadd.s32 s6;
	_ =	sdelay $0x1  }
0xa7: {  	s23 =	simm.s32 $0x1B8B  }
0xa8: {  	_ =	swait.ge [sflag:s23], $0x1  }
0xa9: {  	[sflag:s23] =	ssyncset.done $0x0  }
0xaa: {  	s25 =	simm.s32 $0x1B8E;
	s24 =	sld [smem:$0x3FFE];
	[sflag:s23] =	ssyncadd.s32 $0xFFFFFFFF  }
0xab: {  	s26 =	simm.s32 $execute0_lowered;
	[smem:$0x3FD2] =	sst s25  }
0xac: {  	s7 =	sshll.u32 s26, $0x1;
	_ =	strace $0x80000046;
	[dreg:$0x1] =	wrdreg $0xFFFFFFFF  }
0xad: {  	s28 =	simm.s32 $_size_execute0_lowered;
	s5 =	sadd.s32 s5, s7;
	[dreg:$0x0] =	wrdreg $0x0  }
0xae: {  	s7 =	sshll.u32 s28, $0x1;
	[dreg:$0x2] =	wrdreg s5  }
0xaf: {  	[dreg:$0x3] =	wrdreg s7  }
0xb0: {  	[dreg:$0x4] =	wrdreg $0xC0  }
0xb1: {  	_ =	task [dreg:s9], $0x5FFFF  }
0xb2: {  	[dreg:$0x1] =	wrdreg $0xFFFFFFFF  }
0xb3: {  	[dreg:$0x0] =	wrdreg $0x60  }
0xb4: {  	[dreg:$0x2] =	wrdreg s15  }
0xb5: {  	[dreg:$0x3] =	wrdreg s24  }
0xb6: {  	[dreg:$0x4] =	wrdreg s16  }
0xb7: {  	[dreg:$0x5] =	wrdreg s17  }
0xb8: {  	[dreg:$0x6] =	wrdreg $0x9  }
0xb9: {  	_ =	task.clear_ibuf [dreg:s9], $0x7FFFF;
	_ =	strace $0x90000046  }
0xba: {  	s29 =	simm.s32 $0x9;
	_ =	strace $0x80000048  }
0xbb: {  	_ =	swait.ge [sflag:s29], $0x1  }
0xbc: {  	[sflag:s29] =	ssyncadd.s32 $0xFFFFFFFF  }
0xbd: {  	_ =	strace $0x90000048  }
0xbe: {  	_ =	sfence  }
0xbf: {  	s30 =	sld [smem:$0x0];
	_ =	sdelay $0x2  }
0xc0: {  	s31 =	sshll.u32 s1, $0xD;
	s1 =	sshrl.u32 s1, $0x2  }
0xc1: {  	s3 =	sand.u32 $0x4000, s31;
	s1 =	sadd.s32 s1, s30  }
0xc2: {  	s0 =	sor.u32 s3, s0;
	s1 =	sshll.u32 s1, $0x11  }
0xc3: {  	s0 =	sor.u32 s1, s0  }
0xc4: {  	s0 =	sadd.s32 $0x8F2B, s0  }
0xc5: {  	[sflag:s0] =	ssyncadd.remote.s32 $0x1  }
0xc6: {  	_ =	sfence.sel $0xFFFF  }
0xc7: {  	[dreg:$0x0] =	wrdreg $0xFFFFFFFF;
	(pc) =	sbr.abs _section_cstart, $3  }
0xc8: {  	[dreg:$0x1] =	wrdreg $0xFFFFFFFF  }
0xc9: {  	_ =	task.clear_ibuf [dreg:s9], $0x2FFFF;
	_ =	strace $0x9FFFFFFF  }
0xca: {  	(tm) =	ssettm $0x7FFFFFFF  }
0xcb: {  	_ =	shalt  }
tec
execute0_lowered:
.L_overlay_start_1:
0x0: {  	(tag) =	ssettag $0x1  }
0x1: {  	s5 =	rddreg [dreg:$0x0]  }
0x2: {  	s0 =	rddreg [dreg:$0x1]  }
0x3: {  	s1 =	rddreg [dreg:$0x2]  }
0x4: {  	s29 =	simm.s32 $0x0;
	s2 =	srdreg.scid;
	s4 =	stileid.u32  }
0x5: {  	[smem:$0x7FF] =	sst s29;
	s3 =	sadd.s32 $0xE00, s0;
	s2 =	sand.u32 $0x1, s2  }
0x6: {  	s4 =	sshll.u32 s4, $0x10;
	s0 =	sadd.s32 $0xA00, s0;
	_ =	strace $0x80000047  }
0x7: {  	[dreg:$0x8] =	wrdreg s3;
	s25 =	ssub.s32 $0x2, s2;
	s2 =	sshll.u32 s2, $0xF  }
0x8: {  	[dreg:$0x9] =	wrdreg s0;
	s1 =	sadd.s32 s4, s1;
	s6 =	sor.u32 s2, s4  }
0x9: {  	s1 =	sadd.s32 s2, s1;
	[dreg:$0xa] =	wrdreg s6  }
0xa: {  	s30 =	sor.u32 $0x800, s6;
	[dreg:$0xe] =	wrdreg s1  }
0xb: {  	s28 =	sadd.s32 s5, s6;
	[dreg:$0xc] =	wrdreg s30  }
0xc: {  	s26 =	sshrl.u32 s25, $0x1;
	s31 =	sadd.s32 $0x800, s1;
	[dreg:$0xb] =	wrdreg s28  }
0xd: {  	s0 =	ssub.s32 s25, s26;
	s3 =	sadd.s32 $0x1000, s28;
	[dreg:$0x10] =	wrdreg s31  }
0xe: {  	s0 =	smax.u32 s0, $0x1;
	[dreg:$0xd] =	wrdreg s3  }
0xf: {  	s15 =	simm.s32 $0x1F48;
	s2 =	simm.s32 $0x0;
	[dreg:$0xf] =	wrdreg s0  }
.LBB2_1:
0x10: {  	[dreg:$0x11] =	wrdreg s2  }
0x11: {  	s0 =	rddreg [dreg:$0x8];
	s1 =	simm.s32 $0x7  }
0x12: {  	[tilespmem:s29], [sflag:$0x7] =	stream.linear.gather [hbm4b:s0+s29], $0x1F48, $0x38;
	[tilespmem:$0x14E90] =	vst v63  }
0x13: {  	_ =	swait.ge [sflag:s1], $0x1F48  }
0x14: {  	[sflag:s1] =	ssyncset.done $0x0  }
0x15: {  	s25 =	rddreg [dreg:$0x9];
	[sflag:s1] =	ssyncadd.s32 $0xFFFFE0B8  }
0x16: {  	[tilespmem:s15], [sflag:$0x7] =	stream.linear.gather [hbm4b:s25+s29], $0x1F48, $0x38;
	[tilespmem:$0x14E90] =	vst v63  }
0x17: {  	_ =	swait.ge [sflag:s1], $0x1F48  }
0x18: {  	s26 =	rddreg [dreg:$0xb]  }
0x19: {  	s28 =	simm.s32 $0x3E90;
	[sflag:s1] =	ssyncset.done $0x0;
	s6 =	rddreg [dreg:$0x10]  }
0x1a: {  	s31 =	simm.s32 $0x0;
	s30 =	rddreg [dreg:$0xe];
	[sflag:s1] =	ssyncadd.s32 $0xFFFFE0B8  }
0x1b: {  	[tilespmem:s28], [sflag:$0x1] =	stream.linear.gather [hbm4b:s26+s29], $0x4000, $0x38;
	[tilespmem:$0x14E90] =	vst v63  }
.LBB2_2:
0x1c: {  	[dreg:$0x13] =	wrdreg s30  }
0x1d: {  	[dreg:$0x12] =	wrdreg s6;
	s1 =	simm.s32 $0x1  }
0x1e: {  	_ =	swait.ge [sflag:s1], $0x4000  }
0x1f: {  	[sflag:s1] =	ssyncset.done $0x0  }
0x20: {  	s14 =	sshll.u32 s31, $0xC;
	s0 =	rddreg [dreg:$0xc];
	[sflag:s1] =	ssyncadd.s32 $0xFFFFC000  }
0x21: {  	s6 =	simm.s32 $0x7E90;
	s2 =	sadd.s32 s0, s14;
	s5 =	rddreg [dreg:$0x0]  }
0x22: {  	p0 =	sne.s32 s31, $0x0;
	[dreg:$0x14] =	wrdreg s31;
	s0 =	sadd.s32 s5, s2  }
0x23: {  	[tilespmem:s6], [sflag:$0x2] =	stream.linear.gather [hbm4b:s0+s29], $0x4000, $0x38;
	[tilespmem:$0x14E90] =	vst v63  }
0x24: {  	[dreg:$0x15] =	wrdreg s2;
	s0 =	simm.s32 @p0 $0x3  }
0x25: {  	_ =	swait.ge @p0 [sflag:s0], $0x400  }
0x26: {  	[sflag:s0] =	ssyncset.done @p0 $0x0  }
0x27: {  	[sflag:s0] =	ssyncadd.s32 @p0 $0xFFFFFC00  }
0x28: {  	_ =	swait.ge @p0 [sflag:s0], $0x400  }
0x29: {  	[sflag:s0] =	ssyncset.done @p0 $0x0  }
0x2a: {  	[sflag:s0] =	ssyncadd.s32 @p0 $0xFFFFFC00  }
0x2b: {  	_ =	swait.ge @p0 [sflag:s0], $0x400  }
0x2c: {  	[sflag:s0] =	ssyncset.done @p0 $0x0  }
0x2d: {  	[sflag:s0] =	ssyncadd.s32 @p0 $0xFFFFFC00  }
0x2e: {  	_ =	swait.ge @p0 [sflag:s0], $0x400  }
0x2f: {  	[sflag:s0] =	ssyncset.done @p0 $0x0  }
0x30: {  	[sflag:s0] =	ssyncadd.s32 @p0 $0xFFFFFC00  }
0x31: {  	_ =	swait.ge @p0 [sflag:s0], $0x400  }
0x32: {  	[sflag:s0] =	ssyncset.done @p0 $0x0  }
0x33: {  	[sflag:s0] =	ssyncadd.s32 @p0 $0xFFFFFC00  }
0x34: {  	_ =	swait.ge @p0 [sflag:s0], $0x400  }
0x35: {  	[sflag:s0] =	ssyncset.done @p0 $0x0  }
0x36: {  	[sflag:s0] =	ssyncadd.s32 @p0 $0xFFFFFC00  }
0x37: {  	_ =	swait.ge @p0 [sflag:s0], $0x400  }
0x38: {  	[sflag:s0] =	ssyncset.done @p0 $0x0  }
0x39: {  	[sflag:s0] =	ssyncadd.s32 @p0 $0xFFFFFC00  }
0x3a: {  	_ =	swait.ge @p0 [sflag:s0], $0x400  }
0x3b: {  	[sflag:s0] =	ssyncset.done @p0 $0x0  }
0x3c: {  	[sflag:s0] =	ssyncadd.s32 @p0 $0xFFFFFC00  }
0x3d: {  	_ =	swait.ge @p0 [sflag:s0], $0x400  }
0x3e: {  	[sflag:s0] =	ssyncset.done @p0 $0x0  }
0x3f: {  	[sflag:s0] =	ssyncadd.s32 @p0 $0xFFFFFC00  }
0x40: {  	_ =	swait.ge @p0 [sflag:s0], $0x400  }
0x41: {  	[sflag:s0] =	ssyncset.done @p0 $0x0  }
0x42: {  	[sflag:s0] =	ssyncadd.s32 @p0 $0xFFFFFC00  }
0x43: {  	_ =	swait.ge @p0 [sflag:s0], $0x400  }
0x44: {  	[sflag:s0] =	ssyncset.done @p0 $0x0  }
0x45: {  	[sflag:s0] =	ssyncadd.s32 @p0 $0xFFFFFC00  }
0x46: {  	_ =	swait.ge @p0 [sflag:s0], $0x400  }
0x47: {  	[sflag:s0] =	ssyncset.done @p0 $0x0  }
0x48: {  	[sflag:s0] =	ssyncadd.s32 @p0 $0xFFFFFC00  }
0x49: {  	_ =	swait.ge @p0 [sflag:s0], $0x400  }
0x4a: {  	[sflag:s0] =	ssyncset.done @p0 $0x0  }
0x4b: {  	[sflag:s0] =	ssyncadd.s32 @p0 $0xFFFFFC00  }
0x4c: {  	_ =	swait.ge @p0 [sflag:s0], $0x400  }
0x4d: {  	[sflag:s0] =	ssyncset.done @p0 $0x0  }
0x4e: {  	[sflag:s0] =	ssyncadd.s32 @p0 $0xFFFFFC00  }
0x4f: {  	_ =	swait.ge @p0 [sflag:s0], $0x400  }
0x50: {  	[sflag:s0] =	ssyncset.done @p0 $0x0  }
0x51: {  	[sflag:s0] =	ssyncadd.s32 @p0 $0xFFFFFC00  }
0x52: {  	_ =	swait.ge @p0 [sflag:s0], $0x400  }
0x53: {  	[sflag:s0] =	ssyncset.done @p0 $0x0  }
0x54: {  	s4 =	simm.s32 $0x0;
	[sflag:s0] =	ssyncadd.s32 @p0 $0xFFFFFC00;
	s0 =	simm.s32 @p0 $0x5  }
0x55: {  	s8 =	simm.s32 $0x30;
	s7 =	sand.u32 $0x3C00, s4;
	_ =	swait.ge @p0 [sflag:s0], $0x800  }
0x56: {  	s9 =	sand.u32 $0x70, s8;
	s5 =	sadd.s32 $0x3E90, s7;
	[sflag:s0] =	ssyncset.done @p0 $0x0  }
0x57: {  	s3 =	sadd.s32 s9, s5;
	[sflag:s0] =	ssyncadd.s32 @p0 $0xFFFFF800  }
0x58: {  	v0 =	vld [tilespmem:s3+$0x0];
	_ =	sdelay $0x4  }
0x59: {  	v0 =	vmul.f32 $1.000000000e+03, v0;
	_ =	sdelay $0x1  }
0x5a: {  	v1 =	vtrunc.f32 v0  }
0x5b: {  	v1 =	vcvt.f32.s32 v1;
	_ =	sdelay $0x1  }
0x5c: {  	vm0 =	vlt.s32 v1, $0x3E8  }
0x5d: {  	v2 =	vnsel vm0, $0x3E8, v1;
	_ =	sdelay $0x2  }
0x5e: {  	s10 =	simm.s32 $0x0  }
0x5f: {  	s0 =	sand.u32 $0x40, s10  }
0x60: {  	s16 =	simm.s32 $0x20;
	s12 =	sor.u32 s0, s5;
	v9 =	vld.idx.msk [tilespmem:v2+s15+$0x0], $0xffff  }
0x61: {  	s11 =	simm.s32 $0x10;
	s2 =	sand.u32 $0x60, s16;
	v3 =	vld [tilespmem:s12+$0x0];
	v1 =	vcvt.s32.f32 v1  }
0x62: {  	s13 =	sand.u32 $0x50, s11;
	s2 =	sor.u32 s2, s5;
	v2 =	vld.idx.msk [tilespmem:v2+s4+$0x0], $0xffff  }
0x63: {  	s0 =	sadd.s32 s13, s5;
	v0 =	vsub.f32 v0, v1;
	v1 =	vld [tilespmem:s2+$0x0]  }
0x64: {  	v4 =	vld [tilespmem:s0+$0x0]  }
0x65: {  	v0 =	vmul.f32 v0, v9  }
0x66: {  	v3 =	vmul.f32 $1.000000000e+03, v3  }
0x67: {  	v0 =	vadd.f32 v0, v2  }
0x68: {  	s16 =	simm.s32 $0xDE90;
	v5 =	vtrunc.f32 v3;
	v6 =	vmul.f32 $1.000000000e+03, v1  }
0x69: {  	v4 =	vmul.f32 $1.000000000e+03, v4;
	v5 =	vcvt.f32.s32 v5;
	[tilespmem:s16+$0xFFFFE030] =	vst v0  }
0x6a: {  	v1 =	vtrunc.f32 v6;
	v0 =	vld [tilespmem:s3+$0x80]  }
0x6b: {  	vm0 =	vlt.s32 v5, $0x3E8;
	v10 =	vcvt.f32.s32 v1;
	v2 =	vtrunc.f32 v4  }
0x6c: {  	v7 =	vnsel vm0, $0x3E8, v5;
	v2 =	vcvt.f32.s32 v2  }
0x6d: {  	vm0 =	vlt.s32 v10, $0x3E8  }
0x6e: {  	v12 =	vnsel vm0, $0x3E8, v10;
	vm1 =	vlt.s32 v2, $0x3E8  }
0x6f: {  	v8 =	vnsel vm1, $0x3E8, v2;
	v11 =	vmul.f32 $1.000000000e+03, v0;
	_ =	sdelay $0x1  }
0x70: {  	v1 =	vld.idx.msk [tilespmem:v7+s15+$0x0], $0xffff;
	v2 =	vcvt.s32.f32 v2;
	v13 =	vtrunc.f32 v11  }
0x71: {  	v5 =	vcvt.s32.f32 v5;
	v7 =	vld.idx.msk [tilespmem:v7+s4+$0x0], $0xffff;
	v13 =	vcvt.f32.s32 v13  }
0x72: {  	v4 =	vsub.f32 v4, v2;
	v2 =	vld.idx.msk [tilespmem:v12+s15+$0x0], $0xffff  }
0x73: {  	v3 =	vsub.f32 v3, v5;
	v0 =	vld.idx.msk [tilespmem:v8+s15+$0x0], $0xffff;
	vm0 =	vlt.s32 v13, $0x3E8  }
0x74: {  	v5 =	vld.idx.msk [tilespmem:v8+s4+$0x0], $0xffff;
	v8 =	vnsel vm0, $0x3E8, v13  }
0x75: {  	v10 =	vcvt.s32.f32 v10;
	v3 =	vmul.f32 v3, v1;
	v8 =	vadd.s32 $0x3E9, v8  }
0x76: {  	v12 =	vld.idx.msk [tilespmem:v12+s4+$0x0], $0xffff  }
0x77: {  	v6 =	vsub.f32 v6, v10;
	v3 =	vadd.f32 v3, v7  }
0x78: {  	v4 =	vmul.f32 v4, v0  }
0x79: {  	[tilespmem:s16+$0xFFFFE000] =	vst v3;
	v3 =	vmul.f32 v6, v2  }
0x7a: {  	v4 =	vadd.f32 v4, v5;
	v10 =	vld.idx.msk [tilespmem:v8+s15+$0x0], $0xffff  }
0x7b: {  	v3 =	vadd.f32 v3, v12;
	v6 =	vcvt.s32.f32 v13;
	v5 =	vld [tilespmem:s12+$0x80]  }
0x7c: {  	[tilespmem:s16+$0xFFFFE010] =	vst v4;
	v7 =	vld.idx.msk [tilespmem:v8+s4+$0x0], $0xffff  }
0x7d: {  	[tilespmem:s16+$0xFFFFE020] =	vst v3;
	v3 =	vsub.f32 v11, v6;
	v4 =	vld [tilespmem:s0+$0x80]  }
0x7e: {  	v6 =	vld [tilespmem:s2+$0x80]  }
0x7f: {  	v3 =	vmul.f32 v3, v10  }
0x80: {  	v5 =	vmul.f32 $1.000000000e+03, v5  }
0x81: {  	v3 =	vadd.f32 v3, v7  }
0x82: {  	v4 =	vmul.f32 $1.000000000e+03, v4;
	v7 =	vtrunc.f32 v5  }
0x83: {  	v11 =	vmul.f32 $1.000000000e+03, v6;
	v7 =	vcvt.f32.s32 v7;
	[tilespmem:s16+$0xFFFFE830] =	vst v3  }
0x84: {  	v8 =	vtrunc.f32 v4;
	v6 =	vld [tilespmem:s3+$0x100]  }
0x85: {  	v3 =	vcvt.f32.s32 v8;
	v8 =	vtrunc.f32 v11;
	vm0 =	vlt.s32 v7, $0x3E8  }
0x86: {  	v12 =	vcvt.f32.s32 v8;
	v8 =	vnsel vm0, $0x3E8, v7  }
0x87: {  	vm1 =	vlt.s32 v3, $0x3E8;
	v14 =	vadd.s32 $0x3E9, v8  }
0x88: {  	v13 =	vnsel vm1, $0x3E8, v3;
	vm0 =	vlt.s32 v12, $0x3E8  }
0x89: {  	v13 =	vadd.s32 $0x3E9, v13;
	v8 =	vnsel vm0, $0x3E8, v12;
	v15 =	vmul.f32 $1.000000000e+03, v6  }
0x8a: {  	v16 =	vadd.s32 $0x3E9, v8  }
0x8b: {  	v8 =	vtrunc.f32 v15  }
0x8c: {  	v6 =	vld.idx.msk [tilespmem:v14+s15+$0x0], $0xffff;
	v17 =	vcvt.f32.s32 v8  }
0x8d: {  	v7 =	vcvt.s32.f32 v7;
	v14 =	vld.idx.msk [tilespmem:v14+s4+$0x0], $0xffff  }
0x8e: {  	v8 =	vld.idx.msk [tilespmem:v13+s15+$0x0], $0xffff;
	vm0 =	vlt.s32 v17, $0x3E8  }
0x8f: {  	v18 =	vcvt.s32.f32 v3;
	v5 =	vsub.f32 v5, v7;
	v3 =	vld.idx.msk [tilespmem:v16+s15+$0x0], $0xffff;
	v7 =	vnsel vm0, $0x3E8, v17  }
0x90: {  	v12 =	vcvt.s32.f32 v12;
	v13 =	vld.idx.msk [tilespmem:v13+s4+$0x0], $0xffff;
	v7 =	vadd.s32 $0x7D2, v7  }
0x91: {  	v4 =	vsub.f32 v4, v18;
	v16 =	vld.idx.msk [tilespmem:v16+s4+$0x0], $0xffff;
	v5 =	vmul.f32 v5, v6  }
0x92: {  	v11 =	vsub.f32 v11, v12  }
0x93: {  	v4 =	vmul.f32 v4, v8;
	v5 =	vadd.f32 v5, v14  }
0x94: {  	v12 =	vmul.f32 v11, v3  }
0x95: {  	v4 =	vadd.f32 v4, v13;
	[tilespmem:s16+$0xFFFFE800] =	vst v5;
	v11 =	vld.idx.msk [tilespmem:v7+s15+$0x0], $0xffff  }
0x96: {  	v13 =	vcvt.s32.f32 v17;
	v5 =	vadd.f32 v12, v16;
	v12 =	vld [tilespmem:s12+$0x100]  }
0x97: {  	[tilespmem:s16+$0xFFFFE810] =	vst v4;
	v4 =	vld.idx.msk [tilespmem:v7+s4+$0x0], $0xffff  }
0x98: {  	v7 =	vld [tilespmem:s0+$0x100];
	[tilespmem:s16+$0xFFFFE820] =	vst v5;
	v5 =	vsub.f32 v15, v13  }
0x99: {  	v13 =	vld [tilespmem:s2+$0x100]  }
0x9a: {  	v5 =	vmul.f32 v5, v11  }
0x9b: {  	v12 =	vmul.f32 $1.000000000e+03, v12  }
0x9c: {  	v4 =	vadd.f32 v5, v4  }
0x9d: {  	v14 =	vmul.f32 $1.000000000e+03, v7;
	v5 =	vtrunc.f32 v12  }
0x9e: {  	v13 =	vmul.f32 $1.000000000e+03, v13;
	v5 =	vcvt.f32.s32 v5;
	[tilespmem:s16+$0xFFFFF030] =	vst v4  }
0x9f: {  	v4 =	vtrunc.f32 v14;
	v7 =	vld [tilespmem:s3+$0x180]  }
0xa0: {  	v15 =	vtrunc.f32 v13;
	vm0 =	vlt.s32 v5, $0x3E8;
	v16 =	vcvt.f32.s32 v4  }
0xa1: {  	v15 =	vcvt.f32.s32 v15;
	v4 =	vnsel vm0, $0x3E8, v5  }
0xa2: {  	v17 =	vadd.s32 $0x7D2, v4;
	vm0 =	vlt.s32 v16, $0x3E8  }
0xa3: {  	vm1 =	vlt.s32 v15, $0x3E8;
	v4 =	vnsel vm0, $0x3E8, v16  }
0xa4: {  	v18 =	vnsel vm1, $0x3E8, v15;
	v19 =	vadd.s32 $0x7D2, v4;
	v20 =	vmul.f32 $1.000000000e+03, v7  }
0xa5: {  	v18 =	vadd.s32 $0x7D2, v18  }
0xa6: {  	v7 =	vtrunc.f32 v20  }
0xa7: {  	v4 =	vld.idx.msk [tilespmem:v17+s15+$0x0], $0xffff;
	v21 =	vcvt.f32.s32 v7  }
0xa8: {  	v5 =	vcvt.s32.f32 v5;
	v17 =	vld.idx.msk [tilespmem:v17+s4+$0x0], $0xffff  }
0xa9: {  	v7 =	vld.idx.msk [tilespmem:v19+s15+$0x0], $0xffff;
	vm0 =	vlt.s32 v21, $0x3E8  }
0xaa: {  	v12 =	vsub.f32 v12, v5;
	v16 =	vcvt.s32.f32 v16;
	v5 =	vld.idx.msk [tilespmem:v18+s15+$0x0], $0xffff;
	v22 =	vnsel vm0, $0x3E8, v21  }
0xab: {  	v15 =	vcvt.s32.f32 v15;
	v19 =	vld.idx.msk [tilespmem:v19+s4+$0x0], $0xffff;
	v22 =	vadd.s32 $0xBBB, v22  }
0xac: {  	v14 =	vsub.f32 v14, v16;
	v16 =	vld.idx.msk [tilespmem:v18+s4+$0x0], $0xffff;
	v12 =	vmul.f32 v12, v4  }
0xad: {  	v13 =	vsub.f32 v13, v15  }
0xae: {  	v12 =	vadd.f32 v12, v17;
	v14 =	vmul.f32 v14, v7  }
0xaf: {  	v13 =	vmul.f32 v13, v5  }
0xb0: {  	[tilespmem:s16+$0xFFFFF000] =	vst v12;
	v14 =	vadd.f32 v14, v19;
	v12 =	vld.idx.msk [tilespmem:v22+s15+$0x0], $0xffff  }
0xb1: {  	v13 =	vadd.f32 v13, v16;
	v16 =	vcvt.s32.f32 v21;
	v15 =	vld [tilespmem:s12+$0x180]  }
0xb2: {  	[tilespmem:s16+$0xFFFFF010] =	vst v14;
	v14 =	vld.idx.msk [tilespmem:v22+s4+$0x0], $0xffff  }
0xb3: {  	[tilespmem:s16+$0xFFFFF020] =	vst v13;
	v13 =	vsub.f32 v20, v16;
	v17 =	vld [tilespmem:s0+$0x180]  }
0xb4: {  	v16 =	vld [tilespmem:s2+$0x180]  }
0xb5: {  	s17 =	sand.u32 $0x7, s4;
	v13 =	vmul.f32 v13, v12  }
0xb6: {  	s0 =	sshll.u32 s17, $0x4;
	v18 =	vmul.f32 $1.000000000e+03, v15  }
0xb7: {  	s0 =	sadd.s32 $0x0, s0;
	v13 =	vadd.f32 v13, v14  }
0xb8: {  	s11 =	sadd.s32 $0x30, s0;
	v14 =	vtrunc.f32 v18;
	v19 =	vmul.f32 $1.000000000e+03, v17  }
0xb9: {  	s18 =	sor.u32 $0x200, s11;
	v16 =	vmul.f32 $1.000000000e+03, v16;
	v15 =	vcvt.f32.s32 v14;
	[tilespmem:s16+$0xFFFFF830] =	vst v13  }
0xba: {  	v13 =	vtrunc.f32 v19;
	v14 =	vld [tilespmem:s18+$0x3E90]  }
0xbb: {  	v17 =	vtrunc.f32 v16;
	vm0 =	vlt.s32 v15, $0x3E8;
	v13 =	vcvt.f32.s32 v13  }
0xbc: {  	v21 =	vcvt.f32.s32 v17;
	v20 =	vnsel vm0, $0x3E8, v15  }
0xbd: {  	v17 =	vadd.s32 $0xBBB, v20;
	vm0 =	vlt.s32 v13, $0x3E8  }
0xbe: {  	v20 =	vnsel vm0, $0x3E8, v13;
	vm0 =	vlt.s32 v21, $0x3E8  }
0xbf: {  	v20 =	vadd.s32 $0xBBB, v20;
	v22 =	vnsel vm0, $0x3E8, v21;
	v23 =	vmul.f32 $1.000000000e+03, v14  }
0xc0: {  	v22 =	vadd.s32 $0xBBB, v22  }
0xc1: {  	v24 =	vtrunc.f32 v23  }
0xc2: {  	v14 =	vld.idx.msk [tilespmem:v17+s15+$0x0], $0xffff;
	v24 =	vcvt.f32.s32 v24  }
0xc3: {  	v25 =	vcvt.s32.f32 v15;
	v26 =	vld.idx.msk [tilespmem:v17+s4+$0x0], $0xffff  }
0xc4: {  	v15 =	vld.idx.msk [tilespmem:v20+s15+$0x0], $0xffff;
	vm0 =	vlt.s32 v24, $0x3E8  }
0xc5: {  	v18 =	vsub.f32 v18, v25;
	v13 =	vcvt.s32.f32 v13;
	v17 =	vld.idx.msk [tilespmem:v22+s15+$0x0], $0xffff;
	v25 =	vnsel vm0, $0x3E8, v24  }
0xc6: {  	v21 =	vcvt.s32.f32 v21;
	v20 =	vld.idx.msk [tilespmem:v20+s4+$0x0], $0xffff;
	v25 =	vadd.s32 $0xFA4, v25  }
0xc7: {  	s1 =	simm.s32 $0x1;
	p0 =	por $0x0, $0x0;
	v13 =	vsub.f32 v19, v13;
	v19 =	vld.idx.msk [tilespmem:v22+s4+$0x0], $0xffff;
	v18 =	vmul.f32 v18, v14  }
0xc8: {  	s1 =	simm.s32 @!p0 $0x0;
	v16 =	vsub.f32 v16, v21  }
0xc9: {  	s1 =	sshll.u32 s1, $0x6;
	v18 =	vadd.f32 v18, v26;
	v13 =	vmul.f32 v13, v15  }
0xca: {  	s19 =	sand.u32 $0x3, s4;
	s1 =	sadd.s32 $0x0, s1;
	v16 =	vmul.f32 v16, v17  }
0xcb: {  	s20 =	sor.u32 $0x200, s1;
	s2 =	sshll.u32 s19, $0x5;
	[tilespmem:s16+$0xFFFFF800] =	vst v18;
	v18 =	vadd.f32 v13, v20;
	v13 =	vld.idx.msk [tilespmem:v25+s15+$0x0], $0xffff  }
0xcc: {  	s21 =	sadd.s32 $0x0, s2;
	s2 =	sadd.s32 $0x10, s0;
	v20 =	vld [tilespmem:s20+$0x3E90];
	v16 =	vadd.f32 v16, v19;
	v19 =	vcvt.s32.f32 v24  }
0xcd: {  	s0 =	sadd.s32 $0x20, s21;
	s22 =	sor.u32 $0x200, s2;
	[tilespmem:s16+$0xFFFFF810] =	vst v18;
	v18 =	vld.idx.msk [tilespmem:v25+s4+$0x0], $0xffff  }
0xce: {  	v9 =	vmul.f32 $1.000000000e+03, v9;
	s5 =	sor.u32 $0x200, s0;
	v21 =	vld [tilespmem:s22+$0x3E90];
	[tilespmem:s16+$0xFFFFF820] =	vst v16;
	v16 =	vsub.f32 v23, v19  }
0xcf: {  	v1 =	vmul.f32 $1.000000000e+03, v1;
	v22 =	vmul.f32 $1.000000000e+03, v2;
	v19 =	vld [tilespmem:s5+$0x3E90];
	s5 =	simm.s32 $0x200  }
0xd0: {  	s24 =	simm.s32 $0x70;
	v2 =	vmul.f32 $1.000000000e+03, v6;
	s23 =	sand.u32 $0x3C00, s5;
	v16 =	vmul.f32 v16, v13  }
0xd1: {  	s25 =	simm.s32 $0x60;
	s6 =	sand.u32 $0x70, s24;
	v6 =	vmul.f32 $1.000000000e+03, v8;
	s3 =	sadd.s32 $0x3E90, s23;
	v8 =	vmul.f32 $1.000000000e+03, v20  }
0xd2: {  	s8 =	simm.s32 $0x50;
	v0 =	vmul.f32 $1.000000000e+03, v0;
	v10 =	vmul.f32 $1.000000000e+03, v10;
	s10 =	sadd.s32 s6, s3;
	s6 =	simm.s32 $0x40;
	v16 =	vadd.f32 v16, v18  }
0xd3: {  	s8 =	sand.u32 $0x50, s8;
	s12 =	sand.u32 $0x60, s25;
	v2 =	vmul.f32 v2, v1;
	v18 =	vld [tilespmem:s10+$0x0];
	v20 =	vtrunc.f32 v8;
	s9 =	sand.u32 $0x40, s6  }
0xd4: {  	s26 =	sadd.s32 s8, s3;
	v1 =	vmul.f32 $1.000000000e+03, v21;
	s9 =	sor.u32 s9, s3;
	s3 =	sor.u32 s12, s3;
	[tilespmem:s16+$0x30] =	vst v16;
	v16 =	vcvt.f32.s32 v20  }
0xd5: {  	v3 =	vmul.f32 $1.000000000e+03, v3;
	v11 =	vmul.f32 $1.000000000e+03, v11;
	s7 =	sor.u32 $0x280, s11;
	v28 =	vld [tilespmem:s3+$0x0]  }
0xd6: {  	v19 =	vmul.f32 $1.000000000e+03, v19;
	v20 =	vtrunc.f32 v1;
	v21 =	vld [tilespmem:s7+$0x3E90];
	vm0 =	vlt.s32 v16, $0x3E8  }
0xd7: {  	v6 =	vmul.f32 v6, v0;
	v24 =	vld [tilespmem:s9+$0x0];
	v20 =	vcvt.f32.s32 v20;
	v26 =	vnsel vm0, $0x3E8, v16  }
0xd8: {  	v23 =	vtrunc.f32 v19;
	v18 =	vmul.f32 $1.000000000e+03, v18;
	v26 =	vadd.s32 $0xFA4, v26  }
0xd9: {  	v3 =	vmul.f32 v3, v22;
	v23 =	vcvt.f32.s32 v23;
	vm1 =	vlt.s32 v20, $0x3E8  }
0xda: {  	v25 =	vld [tilespmem:s26+$0x0];
	v27 =	vnsel vm1, $0x3E8, v20;
	v29 =	vtrunc.f32 v18;
	v28 =	vmul.f32 $1.000000000e+03, v28  }
0xdb: {  	vm0 =	vlt.s32 v23, $0x3E8;
	v21 =	vmul.f32 $1.000000000e+03, v21;
	v29 =	vcvt.f32.s32 v29  }
0xdc: {  	v27 =	vadd.s32 $0xFA4, v27;
	v30 =	vnsel vm0, $0x3E8, v23;
	v24 =	vmul.f32 $1.000000000e+03, v24  }
0xdd: {  	v36 =	vtrunc.f32 v28;
	v31 =	vtrunc.f32 v21;
	vm0 =	vlt.s32 v29, $0x3E8;
	v34 =	vld.idx.msk [tilespmem:v26+s15+$0x0], $0xffff  }
0xde: {  	v31 =	vcvt.f32.s32 v31;
	v33 =	vnsel vm0, $0x3E8, v29;
	v22 =	vld.idx.msk [tilespmem:v26+s4+$0x0], $0xffff;
	v26 =	vcvt.f32.s32 v36  }
0xdf: {  	v25 =	vmul.f32 $1.000000000e+03, v25;
	v30 =	vadd.s32 $0xFA4, v30;
	v32 =	vtrunc.f32 v24  }
0xe0: {  	v32 =	vcvt.f32.s32 v32;
	vm0 =	vlt.s32 v31, $0x3E8;
	vm1 =	vlt.s32 v26, $0x3E8  }
0xe1: {  	v0 =	vtrunc.f32 v25;
	v35 =	vld.idx.msk [tilespmem:v27+s15+$0x0], $0xffff;
	v37 =	vnsel vm0, $0x3E8, v31;
	v41 =	vnsel vm1, $0x3E8, v26  }
0xe2: {  	v39 =	vcvt.f32.s32 v0;
	v27 =	vld.idx.msk [tilespmem:v27+s4+$0x0], $0xffff;
	vm0 =	vlt.s32 v32, $0x3E8;
	v37 =	vadd.s32 $0x138D, v37  }
0xe3: {  	v4 =	vmul.f32 $1.000000000e+03, v4;
	v7 =	vmul.f32 $1.000000000e+03, v7;
	v50 =	vnsel vm0, $0x3E8, v32;
	v0 =	vld.idx.msk [tilespmem:v33+s15+$0x0], $0xffff  }
0xe4: {  	v14 =	vmul.f32 $1.000000000e+03, v14;
	v29 =	vcvt.s32.f32 v29;
	v38 =	vld.idx.msk [tilespmem:v30+s15+$0x0], $0xffff;
	vm0 =	vlt.s32 v39, $0x3E8  }
0xe5: {  	v5 =	vmul.f32 $1.000000000e+03, v5;
	v42 =	vcvt.s32.f32 v16;
	v40 =	vnsel vm0, $0x3E8, v39;
	v33 =	vld.idx.msk [tilespmem:v33+s4+$0x0], $0xffff  }
0xe6: {  	v15 =	vmul.f32 $1.000000000e+03, v15;
	v4 =	vmul.f32 v14, v4;
	v18 =	vsub.f32 v18, v29;
	v52 =	vld.idx.msk [tilespmem:v41+s15+$0x0], $0xffff  }
0xe7: {  	v8 =	vsub.f32 v8, v42;
	v20 =	vcvt.s32.f32 v20;
	v23 =	vcvt.s32.f32 v23;
	v16 =	vld.idx.msk [tilespmem:v37+s15+$0x0], $0xffff  }
0xe8: {  	v29 =	vld.idx.msk [tilespmem:v50+s15+$0x0], $0xffff;
	v14 =	vmul.f32 v18, v0;
	v18 =	vcvt.s32.f32 v31  }
0xe9: {  	v1 =	vsub.f32 v1, v20;
	v19 =	vsub.f32 v19, v23;
	v8 =	vmul.f32 v8, v34;
	v31 =	vld.idx.msk [tilespmem:v37+s4+$0x0], $0xffff  }
0xea: {  	v20 =	vcvt.s32.f32 v32;
	v51 =	vld.idx.msk [tilespmem:v40+s15+$0x0], $0xffff;
	v14 =	vadd.f32 v14, v33;
	v18 =	vsub.f32 v21, v18  }
0xeb: {  	s8 =	simm.s32 $0xDED0;
	v1 =	vmul.f32 v1, v35;
	v8 =	vadd.f32 v8, v22;
	v53 =	vld.idx.msk [tilespmem:v50+s4+$0x0], $0xffff;
	v21 =	vcvt.s32.f32 v39  }
0xec: {  	v23 =	vcvt.s32.f32 v26;
	v26 =	vld.idx.msk [tilespmem:v40+s4+$0x0], $0xffff;
	[tilespmem:s8+$0xFFFFE030] =	vst v14;
	v14 =	vmul.f32 v18, v16;
	v18 =	vsub.f32 v24, v20  }
0xed: {  	v7 =	vmul.f32 v15, v7;
	v1 =	vadd.f32 v1, v27;
	v15 =	vsub.f32 v25, v21;
	v22 =	vld [tilespmem:s10+$0x80]  }
0xee: {  	s28 =	sor.u32 $0x280, s1;
	v17 =	vmul.f32 $1.000000000e+03, v17;
	[tilespmem:s16+$0x0] =	vst v8;
	v21 =	vld.idx.msk [tilespmem:v41+s4+$0x0], $0xffff;
	v20 =	vsub.f32 v28, v23;
	v8 =	vmul.f32 v18, v29  }
0xef: {  	s13 =	sor.u32 $0x280, s2;
	[tilespmem:s16+$0x10] =	vst v1;
	v14 =	vadd.f32 v14, v31;
	v18 =	vmul.f32 v19, v38;
	v15 =	vmul.f32 v15, v51;
	v19 =	vld [tilespmem:s28+$0x3E90]  }
0xf0: {  	v17 =	vmul.f32 v17, v5;
	v24 =	vld [tilespmem:s13+$0x3E90];
	v27 =	vmul.f32 $1.000000000e+03, v29  }
0xf1: {  	s30 =	sor.u32 $0x300, s11;
	v28 =	vmul.f32 $1.000000000e+03, v52;
	v1 =	vmul.f32 v20, v52;
	[tilespmem:s16+$0x830] =	vst v14;
	v25 =	vadd.f32 v15, v26;
	v26 =	vld.idx.msk [tilespmem:v30+s4+$0x0], $0xffff  }
0xf2: {  	v20 =	vmul.f32 $1.000000000e+03, v35;
	v8 =	vadd.f32 v8, v53;
	v23 =	vld [tilespmem:s30+$0x3E90];
	v22 =	vmul.f32 $1.000000000e+03, v22  }
0xf3: {  	v14 =	vmul.f32 $1.000000000e+03, v34;
	v15 =	vmul.f32 $1.000000000e+03, v38;
	v1 =	vadd.f32 v1, v21;
	[tilespmem:s8+$0xFFFFE010] =	vst v25  }
0xf4: {  	[tilespmem:s8+$0xFFFFE000] =	vst v8;
	v25 =	vld [tilespmem:s26+$0x80];
	v19 =	vmul.f32 $1.000000000e+03, v19;
	v8 =	vtrunc.f32 v22  }
0xf5: {  	v21 =	vmul.f32 $1.000000000e+03, v51;
	v5 =	vld [tilespmem:s9+$0x80];
	[tilespmem:s8+$0xFFFFE020] =	vst v1;
	v8 =	vcvt.f32.s32 v8  }
0xf6: {  	v24 =	vmul.f32 $1.000000000e+03, v24;
	v1 =	vld [tilespmem:s3+$0x80];
	v29 =	vtrunc.f32 v19  }
0xf7: {  	v18 =	vadd.f32 v18, v26;
	v23 =	vmul.f32 $1.000000000e+03, v23;
	vm0 =	vlt.s32 v8, $0x3E8  }
0xf8: {  	v26 =	vtrunc.f32 v24;
	v29 =	vcvt.f32.s32 v29;
	v30 =	vnsel vm0, $0x3E8, v8  }
0xf9: {  	v31 =	vtrunc.f32 v23;
	v25 =	vmul.f32 $1.000000000e+03, v25;
	v30 =	vadd.s32 $0x3E9, v30  }
0xfa: {  	v5 =	vmul.f32 $1.000000000e+03, v5;
	v31 =	vcvt.f32.s32 v31  }
0xfb: {  	v55 =	vmul.f32 $1.000000000e+03, v1;
	v1 =	vtrunc.f32 v25  }
0xfc: {  	s31 =	sor.u32 $0x280, s0;
	[tilespmem:s16+$0x20] =	vst v18;
	v54 =	vtrunc.f32 v5;
	vm0 =	vlt.s32 v31, $0x3E8;
	v57 =	vcvt.f32.s32 v1  }
0xfd: {  	v26 =	vcvt.f32.s32 v26;
	v56 =	vld [tilespmem:s31+$0x3E90];
	v32 =	vcvt.f32.s32 v54;
	v18 =	vnsel vm0, $0x3E8, v31  }
0xfe: {  	v8 =	vcvt.s32.f32 v8;
	v58 =	vadd.s32 $0x1776, v18;
	vm1 =	vlt.s32 v57, $0x3E8;
	v1 =	vld.idx.msk [tilespmem:v30+s15+$0x0], $0xffff  }
0xff: {  	v18 =	vtrunc.f32 v55;
	vm0 =	vlt.s32 v32, $0x3E8;
	v60 =	vnsel vm1, $0x3E8, v57  }
0x100: {  	v59 =	vcvt.f32.s32 v18;
	v18 =	vnsel vm0, $0x3E8, v32;
	v30 =	vld.idx.msk [tilespmem:v30+s4+$0x0], $0xffff;
	v38 =	vadd.s32 $0x3E9, v60  }
0x101: {  	v8 =	vsub.f32 v22, v8;
	v31 =	vcvt.s32.f32 v31;
	v61 =	vadd.s32 $0x3E9, v18  }
0x102: {  	v22 =	vmul.f32 $1.000000000e+03, v56;
	v35 =	vcvt.s32.f32 v57;
	vm1 =	vlt.s32 v26, $0x3E8  }
0x103: {  	v32 =	vcvt.s32.f32 v32;
	vm0 =	vlt.s32 v59, $0x3E8;
	v18 =	vld.idx.msk [tilespmem:v58+s15+$0x0], $0xffff;
	v8 =	vmul.f32 v8, v1  }
0x104: {  	v23 =	vsub.f32 v23, v31;
	v44 =	vtrunc.f32 v22;
	v62 =	vnsel vm0, $0x3E8, v59;
	v36 =	vld.idx.msk [tilespmem:v58+s4+$0x0], $0xffff  }
0x105: {  	v25 =	vsub.f32 v25, v35;
	v63 =	vadd.s32 $0x3E9, v62;
	v45 =	vld.idx.msk [tilespmem:v38+s15+$0x0], $0xffff;
	v8 =	vadd.f32 v8, v30  }
0x106: {  	v31 =	vcvt.f32.s32 v44;
	v37 =	vcvt.s32.f32 v59;
	vm0 =	vlt.s32 v29, $0x3E8;
	v39 =	vld.idx.msk [tilespmem:v61+s4+$0x0], $0xffff  }
0x107: {  	v32 =	vsub.f32 v5, v32;
	v5 =	vnsel vm0, $0x3E8, v29;
	v29 =	vcvt.s32.f32 v29;
	v30 =	vld.idx.msk [tilespmem:v61+s15+$0x0], $0xffff;
	[tilespmem:s8+$0xFFFFE830] =	vst v8  }
0x108: {  	vm0 =	vlt.s32 v31, $0x3E8;
	v33 =	vsub.f32 v55, v37;
	v8 =	vmul.f32 v23, v18;
	v47 =	vld [tilespmem:s10+$0x100]  }
0x109: {  	v48 =	vnsel vm0, $0x3E8, v31;
	v38 =	vld.idx.msk [tilespmem:v38+s4+$0x0], $0xffff;
	v19 =	vsub.f32 v19, v29;
	v23 =	vadd.s32 $0x138D, v5  }
0x10a: {  	v46 =	vld.idx.msk [tilespmem:v63+s15+$0x0], $0xffff;
	v5 =	vnsel vm1, $0x3E8, v26;
	v26 =	vcvt.s32.f32 v26;
	v8 =	vadd.f32 v8, v36  }
0x10b: {  	v43 =	vadd.s32 $0x138D, v5;
	v5 =	vmul.f32 v4, v2;
	v2 =	vcvt.s32.f32 v31  }
0x10c: {  	s11 =	sor.u32 $0x380, s11;
	v49 =	vadd.s32 $0x138D, v48;
	v31 =	vld.idx.msk [tilespmem:v63+s4+$0x0], $0xffff;
	v4 =	vmul.f32 v7, v6;
	v6 =	vmul.f32 v32, v30;
	[tilespmem:s16+$0x1030] =	vst v8  }
0x10d: {  	v24 =	vsub.f32 v24, v26;
	v7 =	vmul.f32 v25, v45;
	v29 =	vld [tilespmem:s11+$0x3E90];
	v25 =	vmul.f32 $1.000000000e+03, v47  }
0x10e: {  	v8 =	vmul.f32 $1.000000000e+03, v30;
	v30 =	vmul.f32 $1.000000000e+03, v45;
	v26 =	vld.idx.msk [tilespmem:v23+s15+$0x0], $0xffff;
	v6 =	vadd.f32 v6, v39  }
0x10f: {  	v38 =	vadd.f32 v7, v38;
	v33 =	vmul.f32 v33, v46;
	v23 =	vld.idx.msk [tilespmem:v23+s4+$0x0], $0xffff;
	v51 =	vtrunc.f32 v25  }
0x110: {  	v22 =	vsub.f32 v22, v2;
	v2 =	vmul.f32 $1.000000000e+03, v46;
	v50 =	vld.idx.msk [tilespmem:v43+s15+$0x0], $0xffff;
	[tilespmem:s8+$0xFFFFE800] =	vst v6;
	v34 =	vcvt.f32.s32 v51  }
0x111: {  	v8 =	vmul.f32 v8, v27;
	v7 =	vmul.f32 v30, v21;
	[tilespmem:s8+$0xFFFFE810] =	vst v38;
	v6 =	vadd.f32 v33, v31;
	v21 =	vld [tilespmem:s9+$0x100]  }
0x112: {  	v2 =	vmul.f32 v2, v28;
	v28 =	vld [tilespmem:s26+$0x100];
	v27 =	vmul.f32 $1.000000000e+03, v29;
	vm0 =	vlt.s32 v34, $0x3E8  }
0x113: {  	v12 =	vmul.f32 $1.000000000e+03, v12;
	v3 =	vmul.f32 v17, v3;
	v52 =	vld.idx.msk [tilespmem:v49+s15+$0x0], $0xffff;
	[tilespmem:s8+$0xFFFFE820] =	vst v6;
	v6 =	vnsel vm0, $0x3E8, v34  }
0x114: {  	v31 =	vld.idx.msk [tilespmem:v43+s4+$0x0], $0xffff;
	v19 =	vmul.f32 v19, v26;
	v17 =	vtrunc.f32 v27;
	v30 =	vadd.s32 $0x7D2, v6  }
0x115: {  	v9 =	vmul.f32 v10, v9;
	v29 =	vld [tilespmem:s3+$0x100];
	v53 =	vcvt.f32.s32 v17  }
0x116: {  	v11 =	vmul.f32 v12, v11;
	v19 =	vadd.f32 v19, v23;
	v23 =	vmul.f32 $1.000000000e+03, v21  }
0x117: {  	v24 =	vmul.f32 v24, v50;
	v28 =	vmul.f32 $1.000000000e+03, v28;
	vm0 =	vlt.s32 v53, $0x3E8  }
0x118: {  	v54 =	vld.idx.msk [tilespmem:v49+s4+$0x0], $0xffff;
	v34 =	vcvt.s32.f32 v34;
	v55 =	vtrunc.f32 v23;
	v6 =	vnsel vm0, $0x3E8, v53  }
0x119: {  	v17 =	vmul.f32 $1.000000000e+03, v26;
	v35 =	vcvt.f32.s32 v55;
	v56 =	vadd.s32 $0x1B5F, v6;
	v6 =	vld.idx.msk [tilespmem:v30+s15+$0x0], $0xffff  }
0x11a: {  	v26 =	vmul.f32 v22, v52;
	v24 =	vadd.f32 v24, v31;
	v29 =	vmul.f32 $1.000000000e+03, v29  }
0x11b: {  	v31 =	vtrunc.f32 v28;
	v25 =	vsub.f32 v25, v34;
	v30 =	vld.idx.msk [tilespmem:v30+s4+$0x0], $0xffff;
	vm0 =	vlt.s32 v35, $0x3E8  }
0x11c: {  	v31 =	vcvt.f32.s32 v31;
	v57 =	vtrunc.f32 v29;
	v58 =	vnsel vm0, $0x3E8, v35  }
0x11d: {  	[tilespmem:s16+$0x800] =	vst v19;
	v26 =	vadd.f32 v26, v54;
	v37 =	vcvt.f32.s32 v57;
	v60 =	vadd.s32 $0x7D2, v58  }
0x11e: {  	s13 =	sor.u32 $0x300, s1;
	[tilespmem:s16+$0x810] =	vst v24;
	vm0 =	vlt.s32 v31, $0x3E8;
	v61 =	vld.idx.msk [tilespmem:v56+s15+$0x0], $0xffff;
	v25 =	vmul.f32 v25, v6  }
0x11f: {  	v9 =	vmul.f32 v11, v9;
	s18 =	sor.u32 $0x300, s0;
	v24 =	vld [tilespmem:s13+$0x3E90];
	[tilespmem:s16+$0x820] =	vst v26;
	vm1 =	vlt.s32 v37, $0x3E8;
	v19 =	vnsel vm0, $0x3E8, v31  }
0x120: {  	s17 =	sor.u32 $0x300, s2;
	v44 =	vld [tilespmem:s18+$0x3E90];
	v62 =	vnsel vm1, $0x3E8, v37;
	v19 =	vadd.s32 $0x7D2, v19;
	v25 =	vadd.f32 v25, v30  }
0x121: {  	v13 =	vmul.f32 $1.000000000e+03, v13;
	v33 =	vcvt.s32.f32 v53;
	v38 =	vadd.s32 $0x7D2, v62;
	v30 =	vld [tilespmem:s17+$0x3E90]  }
0x122: {  	v16 =	vmul.f32 $1.000000000e+03, v16;
	v18 =	vmul.f32 $1.000000000e+03, v18;
	v63 =	vld.idx.msk [tilespmem:v60+s15+$0x0], $0xffff;
	[tilespmem:s8+$0xFFFFF030] =	vst v25  }
0x123: {  	v27 =	vsub.f32 v27, v33;
	v59 =	vcvt.s32.f32 v35;
	v25 =	vmul.f32 $1.000000000e+03, v61;
	v26 =	vld [tilespmem:s10+$0x180]  }
0x124: {  	v13 =	vmul.f32 v16, v13;
	v22 =	vmul.f32 $1.000000000e+03, v50;
	v12 =	vld.idx.msk [tilespmem:v60+s4+$0x0], $0xffff  }
0x125: {  	v10 =	vmul.f32 v27, v61;
	v27 =	vld.idx.msk [tilespmem:v19+s15+$0x0], $0xffff;
	v16 =	vmul.f32 v25, v18;
	v18 =	vsub.f32 v23, v59  }
0x126: {  	v21 =	vmul.f32 $1.000000000e+03, v52;
	v23 =	vcvt.s32.f32 v31;
	v31 =	vld.idx.msk [tilespmem:v38+s15+$0x0], $0xffff  }
0x127: {  	v11 =	vcvt.s32.f32 v37;
	v19 =	vld.idx.msk [tilespmem:v19+s4+$0x0], $0xffff;
	v18 =	vmul.f32 v18, v63  }
0x128: {  	v13 =	vmul.f32 v16, v13;
	v16 =	vsub.f32 v28, v23;
	v23 =	vld.idx.msk [tilespmem:v38+s4+$0x0], $0xffff;
	v26 =	vmul.f32 $1.000000000e+03, v26  }
0x129: {  	v24 =	vmul.f32 $1.000000000e+03, v24;
	v11 =	vsub.f32 v29, v11;
	v12 =	vadd.f32 v18, v12  }
0x12a: {  	v16 =	vmul.f32 v16, v27;
	v25 =	vtrunc.f32 v26  }
0x12b: {  	v11 =	vmul.f32 v11, v31;
	[tilespmem:s8+$0xFFFFF000] =	vst v12;
	v18 =	vcvt.f32.s32 v25  }
0x12c: {  	v28 =	vmul.f32 $1.000000000e+03, v30;
	v12 =	vmul.f32 $1.000000000e+03, v44;
	v16 =	vadd.f32 v16, v19;
	v29 =	vld [tilespmem:s9+$0x180]  }
0x12d: {  	v19 =	vtrunc.f32 v24;
	v11 =	vadd.f32 v11, v23;
	vm0 =	vlt.s32 v18, $0x3E8  }
0x12e: {  	v23 =	vtrunc.f32 v28;
	v19 =	vcvt.f32.s32 v19;
	[tilespmem:s8+$0xFFFFF010] =	vst v16;
	v25 =	vnsel vm0, $0x3E8, v18  }
0x12f: {  	v16 =	vtrunc.f32 v12;
	v23 =	vcvt.f32.s32 v23;
	v45 =	vld [tilespmem:s26+$0x180];
	[tilespmem:s8+$0xFFFFF020] =	vst v11;
	v30 =	vadd.s32 $0xBBB, v25  }
0x130: {  	v11 =	vcvt.f32.s32 v16;
	vm0 =	vlt.s32 v19, $0x3E8;
	v25 =	vmul.f32 v13, v9;
	v13 =	vld [tilespmem:s3+$0x180]  }
0x131: {  	v9 =	vnsel vm0, $0x3E8, v19;
	vm0 =	vlt.s32 v23, $0x3E8;
	v29 =	vmul.f32 $1.000000000e+03, v29  }
0x132: {  	vm1 =	vlt.s32 v11, $0x3E8;
	v16 =	vnsel vm0, $0x3E8, v23;
	v46 =	vadd.s32 $0x1776, v9  }
0x133: {  	v47 =	vnsel vm1, $0x3E8, v11;
	v16 =	vadd.s32 $0x1776, v16;
	v48 =	vtrunc.f32 v29  }
0x134: {  	v34 =	vadd.s32 $0x1776, v47;
	v32 =	vmul.f32 $1.000000000e+03, v45;
	v35 =	vcvt.f32.s32 v48;
	v9 =	vld.idx.msk [tilespmem:v30+s15+$0x0], $0xffff  }
0x135: {  	v36 =	vld.idx.msk [tilespmem:v56+s4+$0x0], $0xffff;
	v18 =	vcvt.s32.f32 v18;
	v49 =	vmul.f32 $1.000000000e+03, v13  }
0x136: {  	v30 =	vld.idx.msk [tilespmem:v30+s4+$0x0], $0xffff;
	v13 =	vcvt.s32.f32 v19;
	v19 =	vtrunc.f32 v32;
	vm0 =	vlt.s32 v35, $0x3E8  }
0x137: {  	v18 =	vsub.f32 v26, v18;
	v19 =	vcvt.f32.s32 v19;
	v50 =	vld.idx.msk [tilespmem:v46+s15+$0x0], $0xffff;
	v51 =	vnsel vm0, $0x3E8, v35  }
0x138: {  	s21 =	simm.s32 $0x4;
	v26 =	vtrunc.f32 v49;
	v52 =	vld.idx.msk [tilespmem:v16+s15+$0x0], $0xffff;
	v13 =	vsub.f32 v24, v13;
	v24 =	vadd.s32 $0xBBB, v51  }
0x139: {  	s19 =	sand.u32 $0x7, s21;
	v53 =	vld.idx.msk [tilespmem:v34+s15+$0x0], $0xffff;
	v26 =	vcvt.f32.s32 v26;
	vm0 =	vlt.s32 v19, $0x3E8;
	v18 =	vmul.f32 v18, v9  }
0x13a: {  	s3 =	sshll.u32 s19, $0x4;
	v11 =	vcvt.s32.f32 v11;
	v57 =	vld.idx.msk [tilespmem:v16+s4+$0x0], $0xffff;
	v54 =	vnsel vm0, $0x3E8, v19  }
0x13b: {  	s3 =	sadd.s32 $0x200, s3;
	v34 =	vld.idx.msk [tilespmem:v34+s4+$0x0], $0xffff;
	vm0 =	vlt.s32 v26, $0x3E8;
	v55 =	vadd.s32 $0xBBB, v54;
	v18 =	vadd.f32 v18, v30  }
0x13c: {  	v23 =	vcvt.s32.f32 v23;
	s9 =	sadd.s32 $0x30, s3;
	v56 =	vnsel vm0, $0x3E8, v26;
	v30 =	vld.idx.msk [tilespmem:v46+s4+$0x0], $0xffff  }
0x13d: {  	v14 =	vmul.f32 v17, v14;
	s20 =	sor.u32 $0x200, s9;
	v11 =	vsub.f32 v12, v11;
	v42 =	vadd.s32 $0xBBB, v56;
	v12 =	vld.idx.msk [tilespmem:v24+s15+$0x0], $0xffff;
	[tilespmem:s8+$0xFFFFF830] =	vst v18  }
0x13e: {  	v15 =	vmul.f32 v21, v15;
	v18 =	vsub.f32 v28, v23;
	v23 =	vcvt.s32.f32 v35;
	v58 =	vld [tilespmem:s20+$0x3E90]  }
0x13f: {  	v39 =	vmul.f32 $1.000000000e+03, v63;
	v13 =	vmul.f32 v13, v50;
	v24 =	vld.idx.msk [tilespmem:v24+s4+$0x0], $0xffff  }
0x140: {  	v60 =	vmul.f32 $1.000000000e+03, v27;
	v11 =	vmul.f32 v11, v53;
	v33 =	vld.idx.msk [tilespmem:v55+s4+$0x0], $0xffff;
	v23 =	vsub.f32 v29, v23  }
0x141: {  	v17 =	vmul.f32 $1.000000000e+03, v31;
	v59 =	vmul.f32 v18, v52;
	v29 =	vld.idx.msk [tilespmem:v55+s15+$0x0], $0xffff;
	v13 =	vadd.f32 v13, v30  }
0x142: {  	v28 =	vcvt.s32.f32 v19;
	v11 =	vadd.f32 v11, v34;
	v30 =	vld.idx.msk [tilespmem:v42+s15+$0x0], $0xffff;
	v23 =	vmul.f32 v23, v12  }
0x143: {  	s1 =	sor.u32 $0x380, s1;
	v38 =	vadd.f32 v59, v57;
	[tilespmem:s16+$0x1000] =	vst v13;
	v13 =	vmul.f32 v22, v20;
	v20 =	vld.idx.msk [tilespmem:v42+s4+$0x0], $0xffff;
	v27 =	vmul.f32 $1.000000000e+03, v58  }
0x144: {  	s0 =	sor.u32 $0x380, s0;
	v26 =	vcvt.s32.f32 v26;
	[tilespmem:s16+$0x1020] =	vst v11;
	v11 =	vmul.f32 $1.000000000e+03, v12;
	v31 =	vld [tilespmem:s1+$0x3E90];
	v12 =	vadd.f32 v23, v24  }
0x145: {  	p0 =	por !p0, !p0;
	s22 =	sor.u32 $0x380, s2;
	s10 =	simm.s32 $0x1;
	v16 =	vmul.f32 $1.000000000e+03, v50;
	v22 =	vsub.f32 v32, v28;
	[tilespmem:s16+$0x1010] =	vst v38;
	v24 =	vld [tilespmem:s0+$0x3E90];
	v28 =	vtrunc.f32 v27  }
0x146: {  	s2 =	simm.s32 $0x2;
	s10 =	simm.s32 @!p0 $0x0;
	v19 =	vmul.f32 $1.000000000e+03, v52;
	v21 =	vld [tilespmem:s22+$0x3E90];
	[tilespmem:s8+$0xFFFFF800] =	vst v12;
	v28 =	vcvt.f32.s32 v28  }
0x147: {  	s23 =	sand.u32 $0x3, s2;
	s24 =	sshll.u32 s10, $0x6;
	v26 =	vsub.f32 v49, v26;
	v18 =	vmul.f32 $1.000000000e+03, v53;
	v11 =	vmul.f32 v11, v39;
	s28 =	rddreg [dreg:$0xa]  }
0x148: {  	s26 =	sadd.s32 $0x200, s24;
	v22 =	vmul.f32 v22, v29;
	v61 =	vmul.f32 $1.000000000e+03, v29;
	[dreg:$0x16] =	wrdreg s14;
	s10 =	sor.u32 s28, s14;
	vm0 =	vlt.s32 v28, $0x3E8  }
0x149: {  	s25 =	sshll.u32 s23, $0x5;
	s7 =	sor.u32 $0x200, s26;
	v26 =	vmul.f32 v26, v30;
	v23 =	vmul.f32 $1.000000000e+03, v30;
	[dreg:$0x17] =	wrdreg s10;
	v12 =	vnsel vm0, $0x3E8, v28  }
0x14a: {  	s12 =	simm.s32 $0x13EB0;
	s13 =	simm.s32 $0xDED0;
	p0 =	por !p0, !p0;
	v30 =	vadd.f32 v22, v33;
	v22 =	vmul.f32 $1.000000000e+03, v31;
	v62 =	vld [tilespmem:s7+$0x3E90];
	v29 =	vadd.s32 $0xFA4, v12  }
0x14b: {  	s18 =	sor.u32 $0x300, s26;
	s3 =	sadd.s32 $0x10, s3;
	s0 =	sadd.s32 $0x200, s25;
	v26 =	vadd.f32 v26, v20;
	v20 =	vmul.f32 $1.000000000e+03, v21;
	v21 =	vmul.f32 $1.000000000e+03, v24  }
0x14c: {  	v10 =	vadd.f32 v10, v36;
	s31 =	sor.u32 $0x200, s3;
	s29 =	sor.u32 $0x280, s3;
	s0 =	sadd.s32 $0x20, s0;
	[tilespmem:s8+$0xFFFFF810] =	vst v30;
	v12 =	vmul.f32 v61, v60;
	v30 =	vtrunc.f32 v22  }
0x14d: {  	s1 =	sor.u32 $0x380, s3;
	s22 =	sor.u32 $0x280, s26;
	s30 =	sor.u32 $0x200, s0;
	[tilespmem:s8+$0xFFFFF820] =	vst v26;
	v31 =	vld [tilespmem:s31+$0x3E90];
	v26 =	vcvt.f32.s32 v30;
	v24 =	vtrunc.f32 v20  }
0x14e: {  	s26 =	sor.u32 $0x380, s26;
	s25 =	sor.u32 $0x280, s0;
	s19 =	sor.u32 $0x300, s0;
	[tilespmem:s16+$0x1830] =	vst v10;
	v32 =	vld [tilespmem:s30+$0x3E90];
	v63 =	vtrunc.f32 v21;
	v24 =	vcvt.f32.s32 v24  }
0x14f: {  	s14 =	sor.u32 $0x380, s0;
	s10 =	sor.u32 $0x300, s3;
	s7 =	simm.s32 $0x13EB0;
	[tilespmem:s12+$0x10] =	vst v25;
	v25 =	vcvt.f32.s32 v63;
	vm0 =	vlt.s32 v26, $0x3E8;
	v30 =	vmul.f32 $1.000000000e+03, v62;
	v10 =	vld.idx.msk [tilespmem:v29+s15+$0x0], $0xffff  }
.LBB2_3:
0x150: {  	s0 =	sadd.s32 $0x50, s6;
	v33 =	vcvt.s32.f32 v26;
	v26 =	vnsel vm0, $0x3E8, v26;
	s3 =	smov.u32 s6;
	v28 =	vcvt.s32.f32 v28;
	s5 =	sadd.s32 $0x200, s5  }
0x151: {  	v12 =	vmul.f32 v12, v7;
	v9 =	vmul.f32 $1.000000000e+03, v9;
	vm0 =	vlt.s32 v24, $0x3E8;
	s20 =	sadd.s32 $0x60, s3;
	s24 =	sand.u32 $0x3C00, s5;
	s3 =	sadd.s32 $0x70, s3  }
0x152: {  	s6 =	sadd.s32 $0x40, s6;
	v29 =	vld.idx.msk [tilespmem:v29+s4+$0x0], $0xffff;
	vm1 =	vlt.s32 v25, $0x3E8;
	v34 =	vtrunc.f32 v30;
	v26 =	vadd.s32 $0x1B5F, v26;
	s24 =	sadd.s32 $0x3E90, s24;
	s3 =	sand.u32 $0x70, s3  }
0x153: {  	s23 =	sand.u32 $0x40, s6;
	v17 =	vmul.f32 v23, v17;
	v35 =	vnsel vm0, $0x3E8, v24;
	v27 =	vsub.f32 v27, v28;
	s28 =	sadd.s32 s3, s24  }
0x154: {  	v34 =	vcvt.f32.s32 v34;
	v37 =	vnsel vm1, $0x3E8, v25;
	s30 =	sor.u32 s23, s24;
	v31 =	vmul.f32 $1.000000000e+03, v31;
	v39 =	vld [tilespmem:s28+$0x0]  }
0x155: {  	s2 =	sadd.s32 $0x2, s2;
	v35 =	vadd.s32 $0x1B5F, v35;
	v32 =	vmul.f32 $1.000000000e+03, v32;
	v27 =	vmul.f32 v27, v10;
	v41 =	vld [tilespmem:s30+$0x0]  }
0x156: {  	s11 =	sand.u32 $0x3, s2;
	vm0 =	vlt.s32 v34, $0x3E8;
	v38 =	vcvt.s32.f32 v34;
	v36 =	vtrunc.f32 v31  }
0x157: {  	s11 =	sshll.u32 s11, $0x5;
	v34 =	vnsel vm0, $0x3E8, v34;
	v27 =	vadd.f32 v27, v29;
	v28 =	vcvt.f32.s32 v36  }
0x158: {  	s0 =	sand.u32 $0x50, s0;
	s11 =	sadd.s32 s5, s11;
	v10 =	vmul.f32 $1.000000000e+03, v10;
	v56 =	vtrunc.f32 v32;
	v34 =	vadd.s32 $0xFA4, v34  }
0x159: {  	s20 =	sand.u32 $0x60, s20;
	s17 =	sadd.s32 $0x20, s11;
	s11 =	sadd.s32 s0, s24;
	v36 =	vcvt.f32.s32 v56;
	[tilespmem:s8+$0x30] =	vst v27;
	v27 =	vsub.f32 v30, v38;
	vm0 =	vlt.s32 v28, $0x3E8  }
0x15a: {  	s0 =	sor.u32 s20, s24;
	s20 =	sor.u32 $0x280, s9;
	v42 =	vld [tilespmem:s11+$0x0];
	v58 =	vmul.f32 $1.000000000e+03, v39;
	v59 =	vmul.f32 $1.000000000e+03, v41;
	v40 =	vnsel vm0, $0x3E8, v28  }
0x15b: {  	v30 =	vld [tilespmem:s20+$0x3E90];
	vm0 =	vlt.s32 v36, $0x3E8;
	v28 =	vcvt.s32.f32 v28;
	v40 =	vadd.s32 $0xFA4, v40  }
0x15c: {  	v57 =	vld [tilespmem:s0+$0x0];
	v29 =	vnsel vm0, $0x3E8, v36;
	v36 =	vcvt.s32.f32 v36;
	v39 =	vtrunc.f32 v58  }
0x15d: {  	v43 =	vadd.s32 $0xFA4, v29;
	v29 =	vsub.f32 v22, v33;
	v22 =	vcvt.s32.f32 v24  }
0x15e: {  	v48 =	vld.idx.msk [tilespmem:v26+s15+$0x0], $0xffff;
	v31 =	vsub.f32 v31, v28;
	v28 =	vadd.s32 $0x1B5F, v37;
	v24 =	vcvt.s32.f32 v25  }
0x15f: {  	v53 =	vld.idx.msk [tilespmem:v26+s4+$0x0], $0xffff;
	v25 =	vmul.f32 $1.000000000e+03, v42;
	v42 =	vsub.f32 v20, v22;
	v20 =	vcvt.f32.s32 v39  }
0x160: {  	v37 =	vld.idx.msk [tilespmem:v34+s15+$0x0], $0xffff;
	v30 =	vmul.f32 $1.000000000e+03, v30;
	v44 =	vsub.f32 v21, v24;
	v21 =	vtrunc.f32 v59  }
0x161: {  	v49 =	vld.idx.msk [tilespmem:v35+s15+$0x0], $0xffff;
	v22 =	vmul.f32 $1.000000000e+03, v57;
	v24 =	vtrunc.f32 v25  }
0x162: {  	v34 =	vld.idx.msk [tilespmem:v34+s4+$0x0], $0xffff;
	v32 =	vsub.f32 v32, v36;
	v21 =	vcvt.f32.s32 v21;
	v47 =	vcvt.f32.s32 v24  }
0x163: {  	v41 =	vld.idx.msk [tilespmem:v40+s15+$0x0], $0xffff;
	vm0 =	vlt.s32 v20, $0x3E8;
	v61 =	vtrunc.f32 v30;
	v45 =	vtrunc.f32 v22  }
0x164: {  	v60 =	vld.idx.msk [tilespmem:v40+s4+$0x0], $0xffff;
	v46 =	vnsel vm0, $0x3E8, v20;
	v40 =	vcvt.f32.s32 v61;
	v45 =	vcvt.f32.s32 v45  }
0x165: {  	v39 =	vld.idx.msk [tilespmem:v43+s15+$0x0], $0xffff;
	v27 =	vmul.f32 v27, v37;
	vm1 =	vlt.s32 v21, $0x3E8;
	vm2 =	vlt.s32 v47, $0x3E8  }
0x166: {  	v43 =	vld.idx.msk [tilespmem:v43+s4+$0x0], $0xffff;
	v51 =	vnsel vm1, $0x3E8, v21;
	v21 =	vcvt.s32.f32 v21;
	vm0 =	vlt.s32 v40, $0x3E8  }
0x167: {  	v50 =	vld.idx.msk [tilespmem:v28+s15+$0x0], $0xffff;
	v27 =	vadd.f32 v27, v34;
	v24 =	vnsel vm0, $0x3E8, v40;
	vm0 =	vlt.s32 v45, $0x3E8  }
0x168: {  	v34 =	vld.idx.msk [tilespmem:v35+s4+$0x0], $0xffff;
	v52 =	vadd.s32 $0x138D, v24;
	v54 =	vnsel vm0, $0x3E8, v45;
	v45 =	vcvt.s32.f32 v45  }
0x169: {  	v20 =	vcvt.s32.f32 v20;
	v33 =	vsub.f32 v59, v21;
	v31 =	vmul.f32 v31, v41;
	v24 =	vld.idx.msk [tilespmem:v46+s15+$0x0], $0xffff  }
0x16a: {  	v26 =	vnsel vm2, $0x3E8, v47;
	[tilespmem:s8+$0x0] =	vst v27;
	v21 =	vld.idx.msk [tilespmem:v46+s4+$0x0], $0xffff;
	v45 =	vsub.f32 v22, v45;
	v22 =	vmul.f32 v32, v39  }
0x16b: {  	v55 =	vmul.f32 $1.000000000e+03, v49;
	v47 =	vcvt.s32.f32 v47;
	v20 =	vsub.f32 v58, v20;
	v62 =	vld.idx.msk [tilespmem:v51+s15+$0x0], $0xffff  }
0x16c: {  	v56 =	vmul.f32 $1.000000000e+03, v50;
	v27 =	vadd.f32 v31, v60;
	v63 =	vadd.f32 v22, v43;
	v43 =	vld [tilespmem:s22+$0x3E90]  }
0x16d: {  	v29 =	vmul.f32 v29, v48;
	v35 =	vsub.f32 v25, v47;
	v31 =	vmul.f32 $1.000000000e+03, v48;
	v25 =	vld.idx.msk [tilespmem:v52+s15+$0x0], $0xffff  }
0x16e: {  	v18 =	vmul.f32 v56, v18;
	[tilespmem:s8+$0x10] =	vst v27;
	v58 =	vld.idx.msk [tilespmem:v52+s4+$0x0], $0xffff;
	v57 =	vmul.f32 v20, v24  }
0x16f: {  	v27 =	vcvt.s32.f32 v40;
	v16 =	vmul.f32 v31, v16;
	v59 =	vld.idx.msk [tilespmem:v26+s15+$0x0], $0xffff  }
0x170: {  	v22 =	vmul.f32 $1.000000000e+03, v37;
	v31 =	vmul.f32 v55, v19;
	v61 =	vld.idx.msk [tilespmem:v26+s4+$0x0], $0xffff;
	v60 =	vadd.f32 v57, v21  }
0x171: {  	v20 =	vmul.f32 $1.000000000e+03, v41;
	[tilespmem:s8+$0x20] =	vst v63;
	v27 =	vsub.f32 v30, v27;
	v30 =	vld.idx.msk [tilespmem:v51+s4+$0x0], $0xffff;
	s8 =	sadd.s32 $0x40, s8;
	v14 =	vmul.f32 v16, v14  }
0x172: {  	v13 =	vmul.f32 v31, v13;
	v36 =	vld.idx.msk [tilespmem:v54+s15+$0x0], $0xffff;
	v33 =	vmul.f32 v33, v62;
	[tilespmem:s8+$0xFFFFE030] =	vst v60  }
0x173: {  	v19 =	vmul.f32 $1.000000000e+03, v62;
	v26 =	vmul.f32 v27, v25;
	v62 =	vld [tilespmem:s28+$0x80]  }
0x174: {  	v46 =	vld [tilespmem:s29+$0x3E90];
	v31 =	vmul.f32 v44, v50;
	v21 =	vmul.f32 $1.000000000e+03, v39  }
0x175: {  	v14 =	vmul.f32 v14, v5;
	v13 =	vmul.f32 v13, v4;
	v23 =	vadd.f32 v26, v58  }
0x176: {  	v63 =	vld.idx.msk [tilespmem:v54+s4+$0x0], $0xffff;
	v16 =	vmul.f32 v35, v59;
	v35 =	vmul.f32 $1.000000000e+03, v43  }
0x177: {  	s20 =	sor.u32 $0x300, s9;
	v25 =	vmul.f32 $1.000000000e+03, v25;
	v30 =	vadd.f32 v33, v30;
	v45 =	vmul.f32 v45, v36;
	[tilespmem:s13+$0x830] =	vst v23  }
0x178: {  	v23 =	vmul.f32 v18, v15;
	v47 =	vld [tilespmem:s20+$0x3E90];
	v18 =	vmul.f32 $1.000000000e+03, v62  }
0x179: {  	v27 =	vmul.f32 $1.000000000e+03, v36;
	v36 =	vmul.f32 $1.000000000e+03, v46;
	[tilespmem:s8+$0xFFFFE000] =	vst v30;
	v15 =	vadd.f32 v16, v61;
	v16 =	vld [tilespmem:s25+$0x3E90]  }
0x17a: {  	v29 =	vadd.f32 v29, v53;
	v30 =	vmul.f32 v42, v49;
	v49 =	vld [tilespmem:s30+$0x80];
	v50 =	vtrunc.f32 v18  }
0x17b: {  	v28 =	vld.idx.msk [tilespmem:v28+s4+$0x0], $0xffff;
	v26 =	vmul.f32 $1.000000000e+03, v59;
	[tilespmem:s8+$0xFFFFE010] =	vst v15;
	v15 =	vadd.f32 v45, v63;
	v37 =	vcvt.f32.s32 v50  }
0x17c: {  	v25 =	vmul.f32 v25, v10;
	v53 =	vtrunc.f32 v36;
	v30 =	vadd.f32 v30, v34;
	v51 =	vld [tilespmem:s11+$0x80]  }
0x17d: {  	v39 =	vcvt.f32.s32 v53;
	[tilespmem:s8+$0xFFFFE020] =	vst v15;
	v33 =	vmul.f32 $1.000000000e+03, v47;
	vm0 =	vlt.s32 v37, $0x3E8  }
0x17e: {  	[tilespmem:s16+$0x1800] =	vst v29;
	v15 =	vtrunc.f32 v35;
	v52 =	vld [tilespmem:s0+$0x80];
	v40 =	vmul.f32 $1.000000000e+03, v16;
	v16 =	vnsel vm0, $0x3E8, v37  }
0x17f: {  	[tilespmem:s16+$0x1810] =	vst v30;
	v30 =	vmul.f32 $1.000000000e+03, v49;
	v29 =	vtrunc.f32 v33;
	v54 =	vadd.s32 $0x3E9, v16  }
0x180: {  	v15 =	vcvt.f32.s32 v15;
	v29 =	vcvt.f32.s32 v29  }
0x181: {  	v28 =	vadd.f32 v31, v28;
	v38 =	vmul.f32 $1.000000000e+03, v51;
	v16 =	vtrunc.f32 v30  }
0x182: {  	v55 =	vtrunc.f32 v40;
	v58 =	vcvt.f32.s32 v16;
	vm1 =	vlt.s32 v29, $0x3E8  }
0x183: {  	v56 =	vtrunc.f32 v38;
	v34 =	vmul.f32 $1.000000000e+03, v52;
	v57 =	vnsel vm1, $0x3E8, v29  }
0x184: {  	v42 =	vcvt.f32.s32 v56;
	vm2 =	vlt.s32 v58, $0x3E8;
	v43 =	vadd.s32 $0x1776, v57;
	v16 =	vld.idx.msk [tilespmem:v54+s15+$0x0], $0xffff  }
0x185: {  	v37 =	vcvt.s32.f32 v37;
	v59 =	vtrunc.f32 v34;
	v60 =	vnsel vm2, $0x3E8, v58  }
0x186: {  	vm3 =	vlt.s32 v42, $0x3E8;
	v45 =	vcvt.f32.s32 v59;
	v32 =	vld.idx.msk [tilespmem:v54+s4+$0x0], $0xffff;
	v46 =	vadd.s32 $0x3E9, v60  }
0x187: {  	vm0 =	vlt.s32 v15, $0x3E8;
	v37 =	vsub.f32 v18, v37;
	v61 =	vnsel vm3, $0x3E8, v42  }
0x188: {  	v41 =	vcvt.f32.s32 v55;
	v47 =	vadd.s32 $0x3E9, v61;
	vm2 =	vlt.s32 v45, $0x3E8  }
0x189: {  	v51 =	vnsel vm0, $0x3E8, v15;
	v62 =	vnsel vm2, $0x3E8, v45;
	v18 =	vld.idx.msk [tilespmem:v43+s15+$0x0], $0xffff;
	v37 =	vmul.f32 v37, v16  }
0x18a: {  	v15 =	vcvt.s32.f32 v15;
	v29 =	vcvt.s32.f32 v29;
	v48 =	vadd.s32 $0x3E9, v62;
	v43 =	vld.idx.msk [tilespmem:v43+s4+$0x0], $0xffff  }
0x18b: {  	vm1 =	vlt.s32 v39, $0x3E8;
	v44 =	vcvt.s32.f32 v58;
	v63 =	vld.idx.msk [tilespmem:v46+s15+$0x0], $0xffff;
	v32 =	vadd.f32 v37, v32  }
0x18c: {  	v53 =	vnsel vm1, $0x3E8, v39;
	v59 =	vmul.f32 v11, v8;
	v29 =	vsub.f32 v33, v29  }
0x18d: {  	v8 =	vcvt.s32.f32 v41;
	v42 =	vcvt.s32.f32 v42;
	vm2 =	vlt.s32 v41, $0x3E8;
	v52 =	vld.idx.msk [tilespmem:v47+s15+$0x0], $0xffff;
	[tilespmem:s8+$0xFFFFE830] =	vst v32  }
0x18e: {  	v30 =	vsub.f32 v30, v44;
	v54 =	vnsel vm2, $0x3E8, v41;
	v29 =	vmul.f32 v29, v18;
	v58 =	vld [tilespmem:s28+$0x100]  }
0x18f: {  	v45 =	vcvt.s32.f32 v45;
	v57 =	vadd.s32 $0x138D, v54;
	v37 =	vadd.s32 $0x138D, v51;
	v55 =	vld.idx.msk [tilespmem:v48+s15+$0x0], $0xffff  }
0x190: {  	v31 =	vld.idx.msk [tilespmem:v46+s4+$0x0], $0xffff;
	v7 =	vmul.f32 v30, v63;
	v30 =	vmul.f32 $1.000000000e+03, v63;
	v11 =	vadd.f32 v29, v43  }
0x191: {  	v56 =	vadd.s32 $0x138D, v53;
	v38 =	vsub.f32 v38, v42;
	v62 =	vsub.f32 v40, v8;
	v61 =	vld.idx.msk [tilespmem:v48+s4+$0x0], $0xffff  }
0x192: {  	s9 =	sor.u32 $0x380, s9;
	v34 =	vsub.f32 v34, v45;
	v29 =	vld.idx.msk [tilespmem:v47+s4+$0x0], $0xffff;
	v33 =	vmul.f32 $1.000000000e+03, v52;
	v8 =	vmul.f32 v30, v19;
	[tilespmem:s13+$0x1030] =	vst v11  }
0x193: {  	[tilespmem:s16+$0x1820] =	vst v28;
	v11 =	vmul.f32 v38, v52;
	v63 =	vld [tilespmem:s9+$0x3E90];
	v47 =	vmul.f32 $1.000000000e+03, v58  }
0x194: {  	v49 =	vld.idx.msk [tilespmem:v57+s15+$0x0], $0xffff;
	v28 =	vmul.f32 v34, v55;
	v19 =	vmul.f32 $1.000000000e+03, v55  }
0x195: {  	v48 =	vld.idx.msk [tilespmem:v37+s15+$0x0], $0xffff;
	v31 =	vadd.f32 v7, v31;
	v7 =	vmul.f32 v33, v26;
	v26 =	vtrunc.f32 v47  }
0x196: {  	v39 =	vcvt.s32.f32 v39;
	v30 =	vld.idx.msk [tilespmem:v56+s15+$0x0], $0xffff;
	v26 =	vcvt.f32.s32 v26  }
0x197: {  	v19 =	vmul.f32 v19, v27;
	v27 =	vld.idx.msk [tilespmem:v37+s4+$0x0], $0xffff;
	v28 =	vadd.f32 v28, v61;
	v29 =	vadd.f32 v11, v29  }
0x198: {  	[tilespmem:s8+$0xFFFFE800] =	vst v31;
	v31 =	vld.idx.msk [tilespmem:v56+s4+$0x0], $0xffff;
	v11 =	vmul.f32 v17, v2;
	v17 =	vmul.f32 $1.000000000e+03, v63;
	vm0 =	vlt.s32 v26, $0x3E8  }
0x199: {  	v15 =	vsub.f32 v35, v15;
	v60 =	vsub.f32 v36, v39;
	v50 =	vld [tilespmem:s30+$0x100];
	[tilespmem:s8+$0xFFFFE820] =	vst v28;
	v28 =	vnsel vm0, $0x3E8, v26  }
0x19a: {  	v53 =	vmul.f32 v62, v49;
	v2 =	vmovc v19;
	[tilespmem:s8+$0xFFFFE810] =	vst v29;
	v19 =	vld [tilespmem:s0+$0x100];
	v51 =	vtrunc.f32 v17;
	v28 =	vadd.s32 $0x7D2, v28  }
0x19b: {  	v15 =	vmul.f32 v15, v48;
	v29 =	vld [tilespmem:s11+$0x100];
	v36 =	vcvt.f32.s32 v51  }
0x19c: {  	v62 =	vmul.f32 $1.000000000e+03, v1;
	[tilespmem:s12+$0xFFFFFFE0] =	vst v14;
	v35 =	vmul.f32 v60, v30;
	v52 =	vld.idx.msk [tilespmem:v57+s4+$0x0], $0xffff  }
0x19d: {  	[tilespmem:s12+$0xFFFFFFF0] =	vst v13;
	v13 =	vmul.f32 $1.000000000e+03, v30;
	v14 =	vadd.f32 v15, v27;
	vm0 =	vlt.s32 v36, $0x3E8  }
0x19e: {  	s16 =	smov.u32 s13;
	v30 =	vadd.f32 v35, v31;
	v27 =	vmul.f32 $1.000000000e+03, v50;
	v31 =	vnsel vm0, $0x3E8, v36  }
0x19f: {  	v26 =	vcvt.s32.f32 v26;
	[tilespmem:s16+$0x800] =	vst v14;
	v19 =	vmul.f32 $1.000000000e+03, v19;
	v14 =	vadd.s32 $0x1B5F, v31;
	v54 =	vld.idx.msk [tilespmem:v28+s15+$0x0], $0xffff  }
0x1a0: {  	v29 =	vmul.f32 $1.000000000e+03, v29;
	v31 =	vtrunc.f32 v27  }
0x1a1: {  	v61 =	vmul.f32 $1.000000000e+03, v0;
	[tilespmem:s16+$0x810] =	vst v30;
	v37 =	vadd.f32 v53, v52;
	v30 =	vcvt.f32.s32 v31;
	v28 =	vld.idx.msk [tilespmem:v28+s4+$0x0], $0xffff  }
0x1a2: {  	v26 =	vsub.f32 v47, v26;
	v56 =	vtrunc.f32 v19;
	v31 =	vtrunc.f32 v29  }
0x1a3: {  	v35 =	vcvt.f32.s32 v56;
	v31 =	vcvt.f32.s32 v31;
	vm0 =	vlt.s32 v30, $0x3E8  }
0x1a4: {  	v5 =	vmovc v59;
	v58 =	vcvt.s32.f32 v30;
	v30 =	vnsel vm0, $0x3E8, v30;
	v59 =	vld.idx.msk [tilespmem:v14+s15+$0x0], $0xffff;
	v26 =	vmul.f32 v26, v54  }
0x1a5: {  	v4 =	vmovc v12;
	v12 =	vmul.f32 $1.000000000e+03, v48;
	v55 =	vld [tilespmem:s18+$0x3E90];
	vm0 =	vlt.s32 v31, $0x3E8;
	v30 =	vadd.s32 $0x7D2, v30  }
0x1a6: {  	v1 =	vmovc v16;
	v57 =	vld [tilespmem:s10+$0x3E90];
	[tilespmem:s16+$0x820] =	vst v37;
	vm1 =	vlt.s32 v35, $0x3E8;
	v60 =	vnsel vm0, $0x3E8, v31;
	v16 =	vadd.f32 v26, v28  }
0x1a7: {  	v0 =	vmovc v24;
	v37 =	vld [tilespmem:s19+$0x3E90];
	v24 =	vnsel vm1, $0x3E8, v35;
	v26 =	vadd.s32 $0x7D2, v60;
	v28 =	vcvt.s32.f32 v36  }
0x1a8: {  	v63 =	vmul.f32 $1.000000000e+03, v6;
	v15 =	vmul.f32 $1.000000000e+03, v49;
	v24 =	vadd.s32 $0x7D2, v24;
	v40 =	vld.idx.msk [tilespmem:v14+s4+$0x0], $0xffff;
	[tilespmem:s8+$0xFFFFF030] =	vst v16  }
0x1a9: {  	v14 =	vmul.f32 $1.000000000e+03, v18;
	v16 =	vmul.f32 $1.000000000e+03, v59;
	v17 =	vsub.f32 v17, v28;
	v18 =	vld [tilespmem:s28+$0x180]  }
0x1aa: {  	v9 =	vmul.f32 v9, v63;
	v44 =	vld.idx.msk [tilespmem:v30+s15+$0x0], $0xffff;
	v28 =	vmul.f32 v62, v61  }
0x1ab: {  	v30 =	vld.idx.msk [tilespmem:v30+s4+$0x0], $0xffff;
	v14 =	vmul.f32 v16, v14;
	v17 =	vmul.f32 v17, v59  }
0x1ac: {  	v27 =	vsub.f32 v27, v58;
	v9 =	vmul.f32 v9, v28;
	v28 =	vcvt.s32.f32 v35;
	v10 =	vld.idx.msk [tilespmem:v26+s15+$0x0], $0xffff  }
0x1ad: {  	v16 =	vcvt.s32.f32 v31;
	v26 =	vld.idx.msk [tilespmem:v26+s4+$0x0], $0xffff;
	v25 =	vmul.f32 v14, v25;
	v17 =	vadd.f32 v17, v40  }
0x1ae: {  	v14 =	vld.idx.msk [tilespmem:v24+s15+$0x0], $0xffff;
	v19 =	vsub.f32 v19, v28;
	v28 =	vmul.f32 $1.000000000e+03, v57;
	v18 =	vmul.f32 $1.000000000e+03, v18  }
0x1af: {  	v16 =	vsub.f32 v29, v16;
	v9 =	vmul.f32 v25, v9;
	v25 =	vmul.f32 v27, v44  }
0x1b0: {  	s12 =	sadd.s32 $0x40, s12;
	v24 =	vld.idx.msk [tilespmem:v24+s4+$0x0], $0xffff;
	v27 =	vmul.f32 $1.000000000e+03, v55;
	[tilespmem:s16+$0x1830] =	vst v17;
	v17 =	vtrunc.f32 v18  }
0x1b1: {  	[tilespmem:s12+$0x10] =	vst v9;
	v9 =	vadd.f32 v25, v30;
	v16 =	vmul.f32 v16, v10;
	v17 =	vcvt.f32.s32 v17  }
0x1b2: {  	v25 =	vmul.f32 $1.000000000e+03, v37;
	v29 =	vtrunc.f32 v27  }
0x1b3: {  	[tilespmem:s8+$0xFFFFF000] =	vst v9;
	v9 =	vmul.f32 v19, v14;
	v16 =	vadd.f32 v16, v26;
	vm0 =	vlt.s32 v17, $0x3E8  }
0x1b4: {  	v29 =	vcvt.f32.s32 v29;
	v19 =	vtrunc.f32 v28;
	v30 =	vld [tilespmem:s30+$0x180];
	v26 =	vnsel vm0, $0x3E8, v17  }
0x1b5: {  	v31 =	vtrunc.f32 v25;
	v9 =	vadd.f32 v9, v24;
	[tilespmem:s8+$0xFFFFF010] =	vst v16;
	v26 =	vadd.s32 $0xBBB, v26  }
0x1b6: {  	v16 =	vcvt.f32.s32 v19;
	v19 =	vcvt.f32.s32 v31;
	v31 =	vld [tilespmem:s11+$0x180]  }
0x1b7: {  	v45 =	vcvt.s32.f32 v29;
	vm0 =	vlt.s32 v29, $0x3E8;
	v17 =	vcvt.s32.f32 v17;
	[tilespmem:s8+$0xFFFFF020] =	vst v9  }
0x1b8: {  	v29 =	vnsel vm0, $0x3E8, v29;
	vm0 =	vlt.s32 v16, $0x3E8;
	vm1 =	vlt.s32 v19, $0x3E8;
	v46 =	vld [tilespmem:s0+$0x180]  }
0x1b9: {  	v29 =	vadd.s32 $0x1776, v29;
	v47 =	vnsel vm0, $0x3E8, v16;
	v30 =	vmul.f32 $1.000000000e+03, v30  }
0x1ba: {  	v48 =	vnsel vm1, $0x3E8, v19;
	v16 =	vcvt.s32.f32 v16;
	v34 =	vadd.s32 $0x1776, v47;
	v9 =	vld.idx.msk [tilespmem:v26+s15+$0x0], $0xffff  }
0x1bb: {  	v35 =	vadd.s32 $0x1776, v48;
	v49 =	vtrunc.f32 v30;
	v31 =	vmul.f32 $1.000000000e+03, v31  }
0x1bc: {  	v13 =	vmul.f32 v13, v20;
	v17 =	vsub.f32 v18, v17;
	v26 =	vld.idx.msk [tilespmem:v26+s4+$0x0], $0xffff;
	v50 =	vcvt.f32.s32 v49  }
0x1bd: {  	v28 =	vsub.f32 v28, v16;
	v33 =	vmul.f32 $1.000000000e+03, v46;
	v16 =	vtrunc.f32 v31  }
0x1be: {  	s21 =	sadd.s32 $0x4, s21;
	v18 =	vcvt.s32.f32 v19;
	v51 =	vld.idx.msk [tilespmem:v29+s15+$0x0], $0xffff;
	vm0 =	vlt.s32 v50, $0x3E8;
	v16 =	vcvt.f32.s32 v16  }
0x1bf: {  	s11 =	sand.u32 $0x7, s21;
	v53 =	vld.idx.msk [tilespmem:v34+s15+$0x0], $0xffff;
	v19 =	vtrunc.f32 v33;
	v52 =	vnsel vm0, $0x3E8, v50;
	v17 =	vmul.f32 v17, v9  }
0x1c0: {  	v6 =	vmovc v54;
	s0 =	sshll.u32 s11, $0x4;
	v54 =	vld.idx.msk [tilespmem:v35+s15+$0x0], $0xffff;
	v19 =	vcvt.f32.s32 v19;
	v37 =	vadd.s32 $0xBBB, v52;
	vm0 =	vlt.s32 v16, $0x3E8  }
0x1c1: {  	s24 =	sor.u32 $0x200, s17;
	v15 =	vmul.f32 v15, v21;
	s0 =	sadd.s32 s0, s5;
	v34 =	vld.idx.msk [tilespmem:v34+s4+$0x0], $0xffff;
	v55 =	vnsel vm0, $0x3E8, v16;
	v17 =	vadd.f32 v17, v26  }
0x1c2: {  	[dreg:$0x6] =	wrdreg s24;
	s24 =	sor.u32 $0x300, s17;
	v10 =	vmul.f32 $1.000000000e+03, v10;
	s9 =	sadd.s32 $0x30, s0;
	vm0 =	vlt.s32 v19, $0x3E8;
	v26 =	vld.idx.msk [tilespmem:v29+s4+$0x0], $0xffff;
	v29 =	vadd.s32 $0xBBB, v55  }
0x1c3: {  	s19 =	smov.u32 s24;
	v27 =	vsub.f32 v27, v45;
	s24 =	sor.u32 $0x200, s9;
	v32 =	vcvt.s32.f32 v50;
	v35 =	vld.idx.msk [tilespmem:v35+s4+$0x0], $0xffff;
	v56 =	vnsel vm0, $0x3E8, v19;
	[tilespmem:s8+$0xFFFFF830] =	vst v17  }
0x1c4: {  	v24 =	vmul.f32 $1.000000000e+03, v44;
	v16 =	vcvt.s32.f32 v16;
	v57 =	vadd.s32 $0xBBB, v56;
	v58 =	vld [tilespmem:s24+$0x3E90]  }
0x1c5: {  	v18 =	vsub.f32 v25, v18;
	v30 =	vsub.f32 v30, v32;
	v17 =	vmul.f32 v27, v51;
	v25 =	vld.idx.msk [tilespmem:v37+s15+$0x0], $0xffff  }
0x1c6: {  	v19 =	vcvt.s32.f32 v19;
	v31 =	vsub.f32 v31, v16;
	v27 =	vmul.f32 v28, v53;
	v59 =	vld.idx.msk [tilespmem:v37+s4+$0x0], $0xffff  }
0x1c7: {  	v16 =	vmul.f32 $1.000000000e+03, v51;
	v28 =	vmul.f32 v18, v54;
	v60 =	vld.idx.msk [tilespmem:v29+s15+$0x0], $0xffff;
	v26 =	vadd.f32 v17, v26  }
0x1c8: {  	[dreg:$0x5] =	wrdreg s7;
	s7 =	simm.s32 $0x1;
	v17 =	vmul.f32 $1.000000000e+03, v14;
	v14 =	vmul.f32 v12, v22;
	v12 =	vadd.f32 v27, v34;
	v22 =	vld.idx.msk [tilespmem:v29+s4+$0x0], $0xffff  }
0x1c9: {  	s7 =	simm.s32 @!p0 $0x0;
	v18 =	vmul.f32 $1.000000000e+03, v54;
	v20 =	vadd.f32 v28, v35;
	v61 =	vld.idx.msk [tilespmem:v57+s15+$0x0], $0xffff;
	[tilespmem:s16+$0x1000] =	vst v26;
	v27 =	vmul.f32 $1.000000000e+03, v58  }
0x1ca: {  	s7 =	sshll.u32 s7, $0x6;
	v26 =	vld.idx.msk [tilespmem:v57+s4+$0x0], $0xffff;
	[tilespmem:s16+$0x1010] =	vst v12;
	v12 =	vmul.f32 v23, v3;
	v3 =	vmov v11;
	v11 =	vmul.f32 v30, v25  }
0x1cb: {  	s31 =	sadd.s32 s7, s5;
	s28 =	rddreg [dreg:$0x5];
	v33 =	vsub.f32 v33, v19;
	v19 =	vmul.f32 $1.000000000e+03, v53;
	[tilespmem:s16+$0x1020] =	vst v20;
	v30 =	vld [tilespmem:s26+$0x3E90];
	v21 =	vtrunc.f32 v27  }
0x1cc: {  	s7 =	sor.u32 $0x200, s31;
	v20 =	vmul.f32 $1.000000000e+03, v25;
	[tilespmem:s28+$0x0] =	vst v12;
	v11 =	vadd.f32 v11, v59;
	v28 =	vcvt.f32.s32 v21;
	v21 =	vld [tilespmem:s1+$0x3E90]  }
0x1cd: {  	[dreg:$0x7] =	wrdreg s7;
	v12 =	vmul.f32 v31, v60;
	v25 =	vmul.f32 $1.000000000e+03, v60;
	v62 =	vld [tilespmem:s14+$0x3E90]  }
0x1ce: {  	p1 =	slt.u32 s6, $0x7C0;
	s30 =	rddreg [dreg:$0x7];
	v29 =	vmul.f32 v33, v61;
	v23 =	vmul.f32 $1.000000000e+03, v61;
	[tilespmem:s8+$0xFFFFF800] =	vst v11;
	vm0 =	vlt.s32 v28, $0x3E8  }
0x1cf: {  	p0 =	por !p0, !p0;
	s3 =	sor.u32 $0x300, s31;
	s7 =	sor.u32 $0x280, s31;
	v11 =	vmul.f32 v20, v24;
	v12 =	vadd.f32 v12, v22;
	v63 =	vld [tilespmem:s30+$0x3E90];
	v20 =	vnsel vm0, $0x3E8, v28  }
0x1d0: {  	s23 =	sor.u32 $0x280, s17;
	s31 =	sor.u32 $0x380, s31;
	s17 =	sor.u32 $0x380, s17;
	v22 =	vmul.f32 $1.000000000e+03, v30;
	v24 =	vadd.f32 v29, v26;
	v29 =	vadd.s32 $0xFA4, v20  }
.Ltmp0:
0x1d1: {  	s22 =	smov.u32 s7;
	s20 =	sadd.s32 $0x10, s0;
	[tilespmem:s8+$0xFFFFF810] =	vst v12;
	v12 =	vmul.f32 v25, v10;
	v20 =	vmul.f32 $1.000000000e+03, v21;
	(pc) =	sbr.rel @p1 .LBB2_3-.Ltmp0, $4  }
0x1d2: {  	s25 =	smov.u32 s23;
	s13 =	smov.u32 s8;
	s23 =	sor.u32 $0x200, s20;
	v10 =	vtrunc.f32 v22;
	v21 =	vmul.f32 $1.000000000e+03, v62  }
0x1d3: {  	s7 =	smov.u32 s12;
	s26 =	smov.u32 s31;
	s31 =	rddreg [dreg:$0x6];
	v31 =	vld [tilespmem:s23+$0x3E90];
	[tilespmem:s8+$0xFFFFF820] =	vst v24;
	v26 =	vcvt.f32.s32 v10;
	v10 =	vtrunc.f32 v20  }
0x1d4: {  	s18 =	smov.u32 s3;
	s29 =	sor.u32 $0x280, s20;
	s3 =	sor.u32 $0x380, s20;
	v32 =	vld [tilespmem:s31+$0x3E90];
	v25 =	vtrunc.f32 v21;
	v30 =	vmul.f32 $1.000000000e+03, v63  }
0x1d5: {  	s10 =	sor.u32 $0x300, s20;
	s14 =	smov.u32 s17;
	s1 =	smov.u32 s3;
	vm0 =	vlt.s32 v26, $0x3E8;
	v24 =	vcvt.f32.s32 v10;
	v25 =	vcvt.f32.s32 v25;
	v10 =	vld.idx.msk [tilespmem:v29+s15+$0x0], $0xffff  }
0x1d6: {  	_ =	sdelay $0x2  }
0x1d7: {  	v28 =	vcvt.s32.f32 v28  }
0x1d8: {  	v29 =	vld.idx.msk [tilespmem:v29+s4+$0x0], $0xffff  }
0x1d9: {  	v27 =	vsub.f32 v27, v28  }
0x1da: {  	v62 =	vtrunc.f32 v30;
	v32 =	vmul.f32 $1.000000000e+03, v32  }
0x1db: {  	v63 =	vcvt.f32.s32 v62;
	v27 =	vmul.f32 v27, v10  }
0x1dc: {  	v31 =	vmul.f32 $1.000000000e+03, v31;
	v41 =	vtrunc.f32 v32  }
0x1dd: {  	vm1 =	vlt.s32 v63, $0x3E8;
	v27 =	vadd.f32 v27, v29;
	v34 =	vcvt.f32.s32 v41  }
0x1de: {  	v40 =	vtrunc.f32 v31;
	v43 =	vnsel vm1, $0x3E8, v63  }
0x1df: {  	s0 =	sor.u32 $0x280, s9;
	v33 =	vcvt.f32.s32 v40;
	v36 =	vadd.s32 $0xFA4, v43;
	[tilespmem:s8+$0x30] =	vst v27;
	vm14 =	vlt.s32 v34, $0x3E8  }
0x1e0: {  	v42 =	vld [tilespmem:s0+$0x3E90];
	v44 =	vnsel vm14, $0x3E8, v34  }
0x1e1: {  	vm13 =	vlt.s32 v33, $0x3E8;
	v37 =	vadd.s32 $0xFA4, v44  }
0x1e2: {  	v35 =	vnsel vm13, $0x3E8, v33  }
0x1e3: {  	v35 =	vadd.s32 $0xFA4, v35  }
0x1e4: {  	v27 =	vld.idx.msk [tilespmem:v36+s15+$0x0], $0xffff  }
0x1e5: {  	v40 =	vcvt.s32.f32 v63;
	v36 =	vld.idx.msk [tilespmem:v36+s4+$0x0], $0xffff;
	v38 =	vmul.f32 $1.000000000e+03, v42  }
0x1e6: {  	v29 =	vld.idx.msk [tilespmem:v37+s15+$0x0], $0xffff  }
0x1e7: {  	v45 =	vsub.f32 v30, v40;
	v34 =	vcvt.s32.f32 v34;
	v47 =	vld.idx.msk [tilespmem:v37+s4+$0x0], $0xffff;
	v28 =	vtrunc.f32 v38  }
0x1e8: {  	v33 =	vcvt.s32.f32 v33;
	v39 =	vcvt.f32.s32 v28;
	v28 =	vld.idx.msk [tilespmem:v35+s15+$0x0], $0xffff  }
0x1e9: {  	v32 =	vsub.f32 v32, v34;
	v30 =	vmul.f32 v45, v27  }
0x1ea: {  	v31 =	vsub.f32 v31, v33;
	v35 =	vld.idx.msk [tilespmem:v35+s4+$0x0], $0xffff;
	vm15 =	vlt.s32 v39, $0x3E8  }
0x1eb: {  	v48 =	vadd.f32 v30, v36;
	v41 =	vnsel vm15, $0x3E8, v39;
	v32 =	vmul.f32 v32, v29  }
0x1ec: {  	v46 =	vadd.s32 $0x138D, v41  }
0x1ed: {  	[tilespmem:s8+$0x0] =	vst v48;
	v31 =	vmul.f32 v31, v28;
	v32 =	vadd.f32 v32, v47  }
0x1ee: {  	v34 =	vld [tilespmem:s22+$0x3E90]  }
0x1ef: {  	v31 =	vadd.f32 v31, v35;
	[tilespmem:s8+$0x20] =	vst v32  }
0x1f0: {  	v52 =	vld [tilespmem:s25+$0x3E90]  }
0x1f1: {  	v30 =	vld.idx.msk [tilespmem:v46+s15+$0x0], $0xffff;
	[tilespmem:s8+$0x10] =	vst v31  }
0x1f2: {  	v50 =	vcvt.s32.f32 v39;
	v51 =	vld [tilespmem:s29+$0x3E90]  }
0x1f3: {  	v34 =	vmul.f32 $1.000000000e+03, v34;
	v49 =	vld.idx.msk [tilespmem:v46+s4+$0x0], $0xffff  }
0x1f4: {  	v31 =	vsub.f32 v38, v50  }
0x1f5: {  	v54 =	vtrunc.f32 v34  }
0x1f6: {  	v32 =	vcvt.f32.s32 v54;
	v31 =	vmul.f32 v31, v30  }
0x1f7: {  	v53 =	vmul.f32 $1.000000000e+03, v51  }
0x1f8: {  	v35 =	vmul.f32 $1.000000000e+03, v52;
	vm4 =	vlt.s32 v32, $0x3E8;
	v31 =	vadd.f32 v31, v49  }
0x1f9: {  	v59 =	vnsel vm4, $0x3E8, v32;
	v55 =	vtrunc.f32 v53  }
0x1fa: {  	s8 =	sor.u32 $0x300, s9;
	v57 =	vtrunc.f32 v35;
	v60 =	vadd.s32 $0x138D, v59;
	[tilespmem:s13+$0x830] =	vst v31;
	v58 =	vcvt.f32.s32 v55  }
0x1fb: {  	v37 =	vcvt.f32.s32 v57;
	v56 =	vld [tilespmem:s8+$0x3E90]  }
0x1fc: {  	vm2 =	vlt.s32 v58, $0x3E8  }
0x1fd: {  	vm5 =	vlt.s32 v37, $0x3E8;
	v61 =	vnsel vm2, $0x3E8, v58  }
0x1fe: {  	v62 =	vnsel vm5, $0x3E8, v37;
	v63 =	vadd.s32 $0x138D, v61  }
0x1ff: {  	v40 =	vadd.s32 $0x138D, v62;
	v33 =	vld.idx.msk [tilespmem:v60+s15+$0x0], $0xffff  }
0x200: {  	v44 =	vcvt.s32.f32 v32;
	v42 =	vmul.f32 $1.000000000e+03, v56  }
0x201: {  	v39 =	vld.idx.msk [tilespmem:v60+s4+$0x0], $0xffff  }
0x202: {  	v34 =	vsub.f32 v34, v44;
	v45 =	vtrunc.f32 v42  }
0x203: {  	v43 =	vcvt.f32.s32 v45;
	v31 =	vld.idx.msk [tilespmem:v63+s15+$0x0], $0xffff  }
0x204: {  	v38 =	vcvt.s32.f32 v58;
	v32 =	vld.idx.msk [tilespmem:v40+s15+$0x0], $0xffff;
	v34 =	vmul.f32 v34, v33  }
0x205: {  	v37 =	vcvt.s32.f32 v37;
	v41 =	vld.idx.msk [tilespmem:v63+s4+$0x0], $0xffff;
	vm6 =	vlt.s32 v43, $0x3E8  }
0x206: {  	v36 =	vsub.f32 v53, v38;
	v46 =	vld.idx.msk [tilespmem:v40+s4+$0x0], $0xffff;
	v34 =	vadd.f32 v34, v39;
	v45 =	vnsel vm6, $0x3E8, v43  }
0x207: {  	v35 =	vsub.f32 v35, v37;
	v45 =	vadd.s32 $0x1776, v45  }
0x208: {  	[tilespmem:s13+$0x800] =	vst v34;
	v36 =	vmul.f32 v36, v31  }
0x209: {  	v35 =	vmul.f32 v35, v32;
	v51 =	vld [tilespmem:s18+$0x3E90]  }
0x20a: {  	v36 =	vadd.f32 v36, v41  }
0x20b: {  	v49 =	vadd.f32 v35, v46  }
0x20c: {  	vm7 =	vlt.s32 v24, $0x3E8;
	v37 =	vld.idx.msk [tilespmem:v45+s15+$0x0], $0xffff;
	[tilespmem:s13+$0x810] =	vst v36  }
0x20d: {  	v50 =	vnsel vm7, $0x3E8, v24;
	[tilespmem:s13+$0x820] =	vst v49;
	v53 =	vld [tilespmem:s10+$0x3E90]  }
0x20e: {  	v52 =	vcvt.s32.f32 v43;
	v35 =	vadd.s32 $0x1B5F, v50;
	v34 =	vld [tilespmem:s19+$0x3E90];
	v36 =	vmul.f32 $1.000000000e+03, v51  }
0x20f: {  	vm8 =	vlt.s32 v25, $0x3E8;
	v48 =	vld.idx.msk [tilespmem:v45+s4+$0x0], $0xffff  }
0x210: {  	v47 =	vnsel vm0, $0x3E8, v26;
	v39 =	vsub.f32 v42, v52;
	v55 =	vtrunc.f32 v36  }
0x211: {  	v54 =	vnsel vm8, $0x3E8, v25;
	v38 =	vadd.s32 $0x1B5F, v47;
	v40 =	vcvt.f32.s32 v55  }
0x212: {  	v42 =	vadd.s32 $0x1B5F, v54;
	v39 =	vmul.f32 v39, v37;
	v41 =	vmul.f32 $1.000000000e+03, v53  }
0x213: {  	v0 =	vmul.f32 $1.000000000e+03, v0;
	v44 =	vld.idx.msk [tilespmem:v35+s15+$0x0], $0xffff;
	v34 =	vmul.f32 $1.000000000e+03, v34;
	vm9 =	vlt.s32 v40, $0x3E8  }
0x214: {  	v50 =	vnsel vm9, $0x3E8, v40;
	v39 =	vadd.f32 v39, v48;
	v56 =	vtrunc.f32 v41  }
0x215: {  	v57 =	vtrunc.f32 v34;
	v50 =	vadd.s32 $0x1776, v50;
	v45 =	vcvt.f32.s32 v56  }
0x216: {  	v1 =	vmul.f32 $1.000000000e+03, v1;
	v43 =	vld.idx.msk [tilespmem:v38+s15+$0x0], $0xffff;
	[tilespmem:s13+$0x1030] =	vst v39;
	v39 =	vcvt.f32.s32 v57  }
0x217: {  	v6 =	vmul.f32 $1.000000000e+03, v6;
	v9 =	vmul.f32 $1.000000000e+03, v9;
	v46 =	vld.idx.msk [tilespmem:v42+s15+$0x0], $0xffff;
	vm10 =	vlt.s32 v45, $0x3E8  }
0x218: {  	s11 =	sor.u32 $0x380, s9;
	v49 =	vmul.f32 $1.000000000e+03, v44;
	vm11 =	vlt.s32 v39, $0x3E8;
	v51 =	vnsel vm10, $0x3E8, v45  }
0x219: {  	v59 =	vcvt.s32.f32 v26;
	v48 =	vld [tilespmem:s11+$0x3E90];
	v58 =	vnsel vm11, $0x3E8, v39;
	v51 =	vadd.s32 $0x1776, v51  }
0x21a: {  	v62 =	vcvt.s32.f32 v25;
	v19 =	vmul.f32 v49, v19;
	v52 =	vld.idx.msk [tilespmem:v50+s15+$0x0], $0xffff;
	v49 =	vadd.s32 $0x1776, v58  }
0x21b: {  	v47 =	vmul.f32 $1.000000000e+03, v43;
	v57 =	vcvt.s32.f32 v40  }
0x21c: {  	v22 =	vsub.f32 v22, v59;
	v61 =	vcvt.s32.f32 v24;
	v60 =	vmul.f32 $1.000000000e+03, v46;
	v59 =	vld.idx.msk [tilespmem:v50+s4+$0x0], $0xffff  }
0x21d: {  	v47 =	vmul.f32 v47, v16;
	v16 =	vmul.f32 v23, v17;
	v24 =	vsub.f32 v36, v57  }
0x21e: {  	v18 =	vmul.f32 v60, v18;
	v48 =	vmul.f32 $1.000000000e+03, v48;
	v23 =	vld.idx.msk [tilespmem:v51+s15+$0x0], $0xffff  }
0x21f: {  	v21 =	vsub.f32 v21, v62;
	v58 =	vcvt.s32.f32 v45;
	v24 =	vmul.f32 v24, v52;
	v25 =	vld.idx.msk [tilespmem:v49+s15+$0x0], $0xffff  }
0x220: {  	v20 =	vsub.f32 v20, v61;
	v39 =	vcvt.s32.f32 v39;
	v63 =	vtrunc.f32 v48;
	v61 =	vld.idx.msk [tilespmem:v51+s4+$0x0], $0xffff  }
0x221: {  	v62 =	vsub.f32 v41, v58;
	v56 =	vcvt.f32.s32 v63;
	v63 =	vld.idx.msk [tilespmem:v49+s4+$0x0], $0xffff;
	v24 =	vadd.f32 v24, v59  }
0x222: {  	v0 =	vmul.f32 v1, v0;
	v6 =	vmul.f32 v9, v6;
	v34 =	vsub.f32 v34, v39  }
0x223: {  	v15 =	vmul.f32 v18, v15;
	[tilespmem:s13+$0x1000] =	vst v24;
	v18 =	vmul.f32 v62, v23  }
0x224: {  	v20 =	vmul.f32 v20, v44;
	v44 =	vld [tilespmem:s26+$0x3E90];
	v39 =	vmul.f32 v34, v25  }
0x225: {  	v8 =	vmul.f32 v11, v8;
	v7 =	vmul.f32 v12, v7;
	v18 =	vadd.f32 v18, v61  }
0x226: {  	v0 =	vmul.f32 v6, v0;
	v22 =	vmul.f32 v22, v43;
	v43 =	vadd.f32 v39, v63  }
0x227: {  	v27 =	vmul.f32 $1.000000000e+03, v27;
	v29 =	vmul.f32 $1.000000000e+03, v29;
	[tilespmem:s13+$0x1010] =	vst v18  }
0x228: {  	v28 =	vmul.f32 $1.000000000e+03, v28;
	v14 =	vmul.f32 v47, v14;
	[tilespmem:s13+$0x1020] =	vst v43;
	v45 =	vld [tilespmem:s1+$0x3E90]  }
0x229: {  	v21 =	vmul.f32 v21, v46;
	vm12 =	vlt.s32 v56, $0x3E8;
	v12 =	vmul.f32 $1.000000000e+03, v44;
	v46 =	vld [tilespmem:s14+$0x3E90]  }
0x22a: {  	v47 =	vmul.f32 $1.000000000e+03, v10;
	v5 =	vmul.f32 v14, v5;
	v60 =	vnsel vm12, $0x3E8, v56  }
0x22b: {  	v13 =	vmul.f32 v19, v13;
	v19 =	vadd.s32 $0x1B5F, v60;
	v54 =	vtrunc.f32 v12  }
0x22c: {  	v40 =	vmul.f32 $1.000000000e+03, v32;
	v14 =	vcvt.f32.s32 v54  }
0x22d: {  	v3 =	vmul.f32 v15, v3;
	v53 =	vmul.f32 $1.000000000e+03, v45  }
0x22e: {  	v49 =	vmul.f32 $1.000000000e+03, v30;
	vm13 =	vlt.s32 v14, $0x3E8;
	v18 =	vmul.f32 $1.000000000e+03, v46  }
0x22f: {  	v17 =	vcvt.s32.f32 v56;
	v58 =	vnsel vm13, $0x3E8, v14;
	v55 =	vtrunc.f32 v53  }
0x230: {  	v41 =	vld.idx.msk [tilespmem:v19+s15+$0x0], $0xffff;
	v24 =	vadd.s32 $0x1B5F, v58;
	v56 =	vtrunc.f32 v18;
	v34 =	vcvt.f32.s32 v55  }
0x231: {  	v50 =	vmul.f32 $1.000000000e+03, v37;
	v57 =	vcvt.f32.s32 v56  }
0x232: {  	v35 =	vld.idx.msk [tilespmem:v35+s4+$0x0], $0xffff;
	v4 =	vmul.f32 v13, v4;
	v10 =	vmul.f32 v49, v47;
	vm14 =	vlt.s32 v34, $0x3E8  }
0x233: {  	v60 =	vld.idx.msk [tilespmem:v38+s4+$0x0], $0xffff;
	v17 =	vsub.f32 v48, v17;
	vm15 =	vlt.s32 v57, $0x3E8;
	v59 =	vnsel vm14, $0x3E8, v34  }
0x234: {  	v47 =	vmul.f32 v40, v29;
	v19 =	vld.idx.msk [tilespmem:v19+s4+$0x0], $0xffff;
	v61 =	vnsel vm15, $0x3E8, v57;
	v36 =	vadd.s32 $0x1B5F, v59  }
0x235: {  	v51 =	vmul.f32 $1.000000000e+03, v41;
	v11 =	vmul.f32 v17, v41;
	v41 =	vld.idx.msk [tilespmem:v24+s15+$0x0], $0xffff;
	v30 =	vadd.s32 $0x1B5F, v61  }
0x236: {  	v62 =	vmul.f32 $1.000000000e+03, v33;
	v23 =	vmul.f32 $1.000000000e+03, v23  }
0x237: {  	v63 =	vld.idx.msk [tilespmem:v42+s4+$0x0], $0xffff;
	v39 =	vmul.f32 $1.000000000e+03, v31;
	v26 =	vmul.f32 v51, v50  }
0x238: {  	v20 =	vadd.f32 v20, v35;
	v13 =	vmul.f32 v62, v27;
	v43 =	vmul.f32 $1.000000000e+03, v52  }
0x239: {  	v42 =	vadd.f32 v22, v60;
	v14 =	vcvt.s32.f32 v14;
	v38 =	vmul.f32 v26, v10;
	v44 =	vld.idx.msk [tilespmem:v36+s15+$0x0], $0xffff  }
0x23a: {  	[tilespmem:s16+$0x1810] =	vst v20;
	v11 =	vadd.f32 v11, v19;
	v10 =	vmul.f32 v39, v28;
	v51 =	vmul.f32 $1.000000000e+03, v41;
	v45 =	vld.idx.msk [tilespmem:v30+s15+$0x0], $0xffff  }
0x23b: {  	[tilespmem:s12+$0xFFFFFFF0] =	vst v4;
	v12 =	vsub.f32 v12, v14;
	v0 =	vmul.f32 v38, v0;
	v48 =	vcvt.s32.f32 v34;
	v49 =	vld.idx.msk [tilespmem:v24+s4+$0x0], $0xffff  }
0x23c: {  	[tilespmem:s16+$0x1800] =	vst v42;
	v46 =	vadd.f32 v21, v63;
	v9 =	vcvt.s32.f32 v57;
	v57 =	vmul.f32 v51, v43  }
0x23d: {  	v25 =	vmul.f32 $1.000000000e+03, v25;
	s14 =	sadd.s32 $0x40, s12;
	[tilespmem:s13+$0x1830] =	vst v11;
	v1 =	vsub.f32 v53, v48;
	v6 =	vmul.f32 v12, v41;
	v50 =	vld.idx.msk [tilespmem:v36+s4+$0x0], $0xffff  }
0x23e: {  	v54 =	vsub.f32 v18, v9;
	[tilespmem:s14+$0x10] =	vst v0;
	v53 =	vld.idx.msk [tilespmem:v30+s4+$0x0], $0xffff;
	v0 =	vmul.f32 v57, v13;
	v52 =	vmul.f32 $1.000000000e+03, v44  }
0x23f: {  	[tilespmem:s12+$0xFFFFFFE0] =	vst v5;
	v55 =	vmul.f32 $1.000000000e+03, v45;
	v1 =	vmul.f32 v1, v44  }
0x240: {  	[tilespmem:s16+$0x1820] =	vst v46;
	v59 =	vadd.f32 v6, v49;
	v58 =	vmul.f32 v54, v45;
	v56 =	vmul.f32 v52, v23  }
0x241: {  	[tilespmem:s7+$0x0] =	vst v3;
	v0 =	vmul.f32 v0, v8;
	v60 =	vmul.f32 v55, v25  }
0x242: {  	[tilespmem:s13+$0x1800] =	vst v59;
	v1 =	vadd.f32 v1, v50;
	v61 =	vmul.f32 v56, v10  }
0x243: {  	v2 =	vmul.f32 v16, v2;
	v4 =	vadd.f32 v58, v53;
	[tilespmem:s14+$0xFFFFFFE0] =	vst v0;
	v3 =	vmul.f32 v60, v47  }
0x244: {  	[tilespmem:s13+$0x1810] =	vst v1;
	v62 =	vmul.f32 v61, v7  }
0x245: {  	[tilespmem:s13+$0x1820] =	vst v4;
	v63 =	vmul.f32 v3, v2  }
0x246: {  	[tilespmem:s14+$0xFFFFFFF0] =	vst v62  }
0x247: {  	[tilespmem:s14+$0x0] =	vst v63  }
0x248: {  	s29 =	simm.s32 $0x0;
	s16 =	simm.s32 $0xBE90;
	s30 =	rddreg [dreg:$0x13]  }
0x249: {  	[hbm4b:s30+s29] =	stream.linear.scatter [tilespmem:s16], [sflag:$0x3], $0x80, $0x38;
	[tilespmem:$0x14E90] =	vst v63  }
0x24a: {  	s17 =	simm.s32 $0xC690;
	s18 =	sadd.s32 $0x10, s30  }
0x24b: {  	[hbm4b:s18+s29] =	stream.linear.scatter [tilespmem:s17], [sflag:$0x3], $0x80, $0x38;
	[tilespmem:$0x14E90] =	vst v63  }
0x24c: {  	s21 =	simm.s32 $0xD690;
	s19 =	simm.s32 $0xCE90;
	s20 =	sadd.s32 $0x20, s30  }
0x24d: {  	[hbm4b:s20+s29] =	stream.linear.scatter [tilespmem:s19], [sflag:$0x3], $0x80, $0x38;
	[tilespmem:$0x14E90] =	vst v63  }
0x24e: {  	s23 =	simm.s32 $0xDE90;
	s28 =	simm.s32 $0xEE90;
	s22 =	sadd.s32 $0x30, s30  }
0x24f: {  	[hbm4b:s22+s29] =	stream.linear.scatter [tilespmem:s21], [sflag:$0x3], $0x80, $0x38;
	[tilespmem:$0x14E90] =	vst v63  }
0x250: {  	s2 =	simm.s32 $0x400;
	s3 =	simm.s32 $0xF690;
	s24 =	sadd.s32 $0x40, s30  }
0x251: {  	[hbm4b:s24+s29] =	stream.linear.scatter [tilespmem:s23], [sflag:$0x3], $0x80, $0x38;
	[tilespmem:$0x14E90] =	vst v63  }
0x252: {  	s0 =	simm.s32 $0x80;
	s25 =	simm.s32 $0xE690;
	s26 =	sadd.s32 $0x50, s30  }
0x253: {  	[hbm4b:s26+s29] =	stream.linear.scatter [tilespmem:s25], [sflag:$0x3], $0x80, $0x38;
	[tilespmem:$0x14E90] =	vst v63  }
0x254: {  	s31 =	sadd.s32 $0x60, s30;
	s4 =	sadd.s32 $0x70, s30;
	s1 =	sadd.s32 $0x80, s30  }
0x255: {  	[hbm4b:s31+s29] =	stream.linear.scatter [tilespmem:s28], [sflag:$0x3], $0x80, $0x38;
	[tilespmem:$0x14E90] =	vst v63  }
.LBB2_5:
0x256: {  	[hbm4b:s4+s29] =	stream.linear.scatter [tilespmem:s3], [sflag:$0x3], $0x80, $0x38;
	[tilespmem:$0x14E90] =	vst v63  }
0x257: {  	s3 =	smov.u32 s0;
	s0 =	smov.u32 s2  }
0x258: {  	s5 =	sadd.s32 $0x200, s2;
	s0 =	sshra.s32 s0, $0x2;
	s4 =	sadd.s32 $0xBE90, s3  }
0x259: {  	[hbm4b:s1+s29] =	stream.linear.scatter [tilespmem:s4], [sflag:$0x3], $0x80, $0x38;
	[tilespmem:$0x14E90] =	vst v63  }
0x25a: {  	p0 =	sne.s32 s2, $0x1E00;
	s2 =	sadd.s32 $0xC690, s3;
	s4 =	sadd.s32 $0x10, s1  }
0x25b: {  	[hbm4b:s4+s29] =	stream.linear.scatter [tilespmem:s2], [sflag:$0x3], $0x80, $0x38;
	[tilespmem:$0x14E90] =	vst v63  }
0x25c: {  	s2 =	sadd.s32 $0xCE90, s3;
	s4 =	sadd.s32 $0x20, s1  }
0x25d: {  	[hbm4b:s4+s29] =	stream.linear.scatter [tilespmem:s2], [sflag:$0x3], $0x80, $0x38;
	[tilespmem:$0x14E90] =	vst v63  }
0x25e: {  	s2 =	sadd.s32 $0xD690, s3;
	s4 =	sadd.s32 $0x30, s1  }
0x25f: {  	[hbm4b:s4+s29] =	stream.linear.scatter [tilespmem:s2], [sflag:$0x3], $0x80, $0x38;
	[tilespmem:$0x14E90] =	vst v63  }
0x260: {  	s2 =	sadd.s32 $0xDE90, s3;
	s4 =	sadd.s32 $0x40, s1  }
0x261: {  	[hbm4b:s4+s29] =	stream.linear.scatter [tilespmem:s2], [sflag:$0x3], $0x80, $0x38;
	[tilespmem:$0x14E90] =	vst v63  }
.Ltmp1:
0x262: {  	s2 =	sadd.s32 $0xE690, s3;
	s4 =	sadd.s32 $0x50, s1;
	(pc) =	sbr.rel @p0 .LBB2_5-.Ltmp1, $4  }
0x263: {  	[hbm4b:s4+s29] =	stream.linear.scatter [tilespmem:s2], [sflag:$0x3], $0x80, $0x38;
	[tilespmem:$0x14E90] =	vst v63  }
0x264: {  	s2 =	sadd.s32 $0xEE90, s3;
	s4 =	sadd.s32 $0x60, s1;
	s3 =	sadd.s32 $0xF690, s3  }
0x265: {  	[hbm4b:s4+s29] =	stream.linear.scatter [tilespmem:s2], [sflag:$0x3], $0x80, $0x38;
	[tilespmem:$0x14E90] =	vst v63  }
0x266: {  	s4 =	sadd.s32 $0x70, s1;
	s1 =	sadd.s32 $0x80, s1;
	s2 =	smov.u32 s5  }
0x267: {  	[hbm4b:s4+s29] =	stream.linear.scatter [tilespmem:s3], [sflag:$0x3], $0x80, $0x38;
	[tilespmem:$0x14E90] =	vst v63  }
0x268: {  	s2 =	sadd.s32 $0xBE90, s0  }
0x269: {  	[hbm4b:s1+s29] =	stream.linear.scatter [tilespmem:s2], [sflag:$0x3], $0x80, $0x38;
	[tilespmem:$0x14E90] =	vst v63  }
0x26a: {  	s9 =	sadd.s32 $0xC690, s0;
	s10 =	sadd.s32 $0x10, s1  }
0x26b: {  	[hbm4b:s10+s29] =	stream.linear.scatter [tilespmem:s9], [sflag:$0x3], $0x80, $0x38;
	[tilespmem:$0x14E90] =	vst v63  }
0x26c: {  	s11 =	sadd.s32 $0xCE90, s0;
	s12 =	sadd.s32 $0x20, s1  }
0x26d: {  	[hbm4b:s12+s29] =	stream.linear.scatter [tilespmem:s11], [sflag:$0x3], $0x80, $0x38;
	[tilespmem:$0x14E90] =	vst v63  }
0x26e: {  	s13 =	sadd.s32 $0xD690, s0;
	s14 =	sadd.s32 $0x30, s1  }
0x26f: {  	[hbm4b:s14+s29] =	stream.linear.scatter [tilespmem:s13], [sflag:$0x3], $0x80, $0x38;
	[tilespmem:$0x14E90] =	vst v63  }
0x270: {  	s16 =	sadd.s32 $0xDE90, s0;
	s17 =	sadd.s32 $0x40, s1  }
0x271: {  	[hbm4b:s17+s29] =	stream.linear.scatter [tilespmem:s16], [sflag:$0x3], $0x80, $0x38;
	[tilespmem:$0x14E90] =	vst v63  }
0x272: {  	s18 =	sadd.s32 $0xE690, s0;
	s19 =	sadd.s32 $0x50, s1;
	s20 =	sadd.s32 $0xEE90, s0  }
0x273: {  	[hbm4b:s19+s29] =	stream.linear.scatter [tilespmem:s18], [sflag:$0x3], $0x80, $0x38;
	[tilespmem:$0x14E90] =	vst v63  }
0x274: {  	s21 =	sadd.s32 $0x60, s1;
	s22 =	sadd.s32 $0xF690, s0;
	s24 =	rddreg [dreg:$0x17]  }
0x275: {  	[hbm4b:s21+s29] =	stream.linear.scatter [tilespmem:s20], [sflag:$0x3], $0x80, $0x38;
	[tilespmem:$0x14E90] =	vst v63  }
0x276: {  	s23 =	sadd.s32 $0x70, s1;
	s28 =	rddreg [dreg:$0x3];
	s0 =	sshrl.u32 s24, $0x3  }
0x277: {  	[hbm4b:s23+s29] =	stream.linear.scatter [tilespmem:s22], [sflag:$0x3], $0x80, $0x38;
	[tilespmem:$0x14E90] =	vst v63  }
0x278: {  	s25 =	simm.s32 $0x13E90;
	s26 =	simm.s32 $0x2;
	s0 =	sadd.s32 s28, s0  }
0x279: {  	[hbm4b:s0+s29] =	stream.linear.scatter [tilespmem:s25], [sflag:$0x5], $0x800, $0x38;
	[tilespmem:$0x14E90] =	vst v63  }
0x27a: {  	_ =	swait.ge [sflag:s26], $0x4000  }
0x27b: {  	s31 =	rddreg [dreg:$0x14]  }
0x27c: {  	[sflag:s26] =	ssyncset.done $0x0;
	s0 =	rddreg [dreg:$0xd];
	p0 =	seq.s32 s31, $0x7  }
0x27d: {  	s1 =	rddreg [dreg:$0x16];
	[sflag:s26] =	ssyncadd.s32 $0xFFFFC000;
	p1 =	sne.s32 @!p0 s31, $0x0  }
0x27e: {  	s0 =	sadd.s32 @!p0 s1, s0;
	s1 =	simm.s32 @!p0 $0x0;
	s2 =	simm.s32 @!p0 $0x3E90  }
0x27f: {  	[tilespmem:s2], [sflag:$0x1] =	stream.linear.gather @!p0 [hbm4b:s0+s1], $0x4000, $0x38;
	[tilespmem:$0x14E90] =	vst v63  }
0x280: {  	p0 =	por p0, p1  }
.Ltmp2:
0x281: {  	_ = 	snop;
	(pc) =	sbr.rel @!p0 .LBB2_7-.Ltmp2, $1  }
0x282: {  	_ =	sdelay $0x3  }
0x283: {  	s0 =	simm.s32 $0x4  }
0x284: {  	_ =	swait.ge [sflag:s0], $0x400  }
0x285: {  	[sflag:s0] =	ssyncset.done $0x0  }
0x286: {  	[sflag:s0] =	ssyncadd.s32 $0xFFFFFC00  }
0x287: {  	_ =	swait.ge [sflag:s0], $0x400  }
0x288: {  	[sflag:s0] =	ssyncset.done $0x0  }
0x289: {  	[sflag:s0] =	ssyncadd.s32 $0xFFFFFC00  }
0x28a: {  	_ =	swait.ge [sflag:s0], $0x400  }
0x28b: {  	[sflag:s0] =	ssyncset.done $0x0  }
0x28c: {  	[sflag:s0] =	ssyncadd.s32 $0xFFFFFC00  }
0x28d: {  	_ =	swait.ge [sflag:s0], $0x400  }
0x28e: {  	[sflag:s0] =	ssyncset.done $0x0  }
0x28f: {  	[sflag:s0] =	ssyncadd.s32 $0xFFFFFC00  }
0x290: {  	_ =	swait.ge [sflag:s0], $0x400  }
0x291: {  	[sflag:s0] =	ssyncset.done $0x0  }
0x292: {  	[sflag:s0] =	ssyncadd.s32 $0xFFFFFC00  }
0x293: {  	_ =	swait.ge [sflag:s0], $0x400  }
0x294: {  	[sflag:s0] =	ssyncset.done $0x0  }
0x295: {  	[sflag:s0] =	ssyncadd.s32 $0xFFFFFC00  }
0x296: {  	_ =	swait.ge [sflag:s0], $0x400  }
0x297: {  	[sflag:s0] =	ssyncset.done $0x0  }
0x298: {  	[sflag:s0] =	ssyncadd.s32 $0xFFFFFC00  }
0x299: {  	_ =	swait.ge [sflag:s0], $0x400  }
0x29a: {  	[sflag:s0] =	ssyncset.done $0x0  }
0x29b: {  	[sflag:s0] =	ssyncadd.s32 $0xFFFFFC00  }
0x29c: {  	_ =	swait.ge [sflag:s0], $0x400  }
0x29d: {  	[sflag:s0] =	ssyncset.done $0x0  }
0x29e: {  	[sflag:s0] =	ssyncadd.s32 $0xFFFFFC00  }
0x29f: {  	_ =	swait.ge [sflag:s0], $0x400  }
0x2a0: {  	[sflag:s0] =	ssyncset.done $0x0  }
0x2a1: {  	[sflag:s0] =	ssyncadd.s32 $0xFFFFFC00  }
0x2a2: {  	_ =	swait.ge [sflag:s0], $0x400  }
0x2a3: {  	[sflag:s0] =	ssyncset.done $0x0  }
0x2a4: {  	[sflag:s0] =	ssyncadd.s32 $0xFFFFFC00  }
0x2a5: {  	_ =	swait.ge [sflag:s0], $0x400  }
0x2a6: {  	[sflag:s0] =	ssyncset.done $0x0  }
0x2a7: {  	[sflag:s0] =	ssyncadd.s32 $0xFFFFFC00  }
0x2a8: {  	_ =	swait.ge [sflag:s0], $0x400  }
0x2a9: {  	[sflag:s0] =	ssyncset.done $0x0  }
0x2aa: {  	[sflag:s0] =	ssyncadd.s32 $0xFFFFFC00  }
0x2ab: {  	_ =	swait.ge [sflag:s0], $0x400  }
0x2ac: {  	[sflag:s0] =	ssyncset.done $0x0  }
0x2ad: {  	[sflag:s0] =	ssyncadd.s32 $0xFFFFFC00  }
0x2ae: {  	_ =	swait.ge [sflag:s0], $0x400  }
0x2af: {  	[sflag:s0] =	ssyncset.done $0x0  }
0x2b0: {  	[sflag:s0] =	ssyncadd.s32 $0xFFFFFC00  }
0x2b1: {  	_ =	swait.ge [sflag:s0], $0x400  }
0x2b2: {  	[sflag:s0] =	ssyncset.done $0x0  }
0x2b3: {  	s26 =	simm.s32 $0x6;
	[sflag:s0] =	ssyncadd.s32 $0xFFFFFC00  }
0x2b4: {  	_ =	swait.ge [sflag:s26], $0x800  }
0x2b5: {  	[sflag:s26] =	ssyncset.done $0x0  }
0x2b6: {  	[sflag:s26] =	ssyncadd.s32 $0xFFFFF800  }
.LBB2_7:
0x2b7: {  	s0 =	simm.s32 $0x0;
	s1 =	simm.s32 $0x0  }
0x2b8: {  	s1 =	sand.u32 $0x40, s1;
	s9 =	sand.u32 $0x3C00, s0  }
0x2b9: {  	s3 =	sadd.s32 $0x7E90, s9;
	s7 =	sor.u32 $0x30, s1  }
0x2ba: {  	s2 =	sadd.s32 s7, s3  }
0x2bb: {  	v0 =	vld [tilespmem:s2+$0x0];
	_ =	sdelay $0x4  }
0x2bc: {  	v0 =	vmul.f32 $1.000000000e+03, v0;
	_ =	sdelay $0x1  }
0x2bd: {  	v1 =	vtrunc.f32 v0  }
0x2be: {  	v1 =	vcvt.f32.s32 v1;
	_ =	sdelay $0x1  }
0x2bf: {  	s14 =	sor.u32 $0x10, s1;
	vm0 =	vlt.s32 v1, $0x3E8  }
0x2c0: {  	s4 =	sadd.s32 s14, s3;
	s2 =	sor.u32 $0x20, s1;
	v2 =	vnsel vm0, $0x3E8, v1  }
0x2c1: {  	v3 =	vld [tilespmem:s4+$0x0];
	s5 =	sor.u32 s2, s3  }
0x2c2: {  	v4 =	vld [tilespmem:s5+$0x0];
	_ =	sdelay $0x2  }
0x2c3: {  	s3 =	sor.u32 s1, s3;
	v8 =	vld.idx.msk [tilespmem:v2+s15+$0x0], $0xffff  }
0x2c4: {  	v5 =	vld [tilespmem:s3+$0x0];
	v1 =	vcvt.s32.f32 v1  }
0x2c5: {  	v3 =	vmul.f32 $1.000000000e+03, v3;
	v4 =	vmul.f32 $1.000000000e+03, v4;
	v2 =	vld.idx.msk [tilespmem:v2+s0+$0x0], $0xffff  }
0x2c6: {  	v0 =	vsub.f32 v0, v1  }
0x2c7: {  	v6 =	vtrunc.f32 v4;
	v1 =	vtrunc.f32 v3  }
0x2c8: {  	v7 =	vcvt.f32.s32 v1;
	v0 =	vmul.f32 v0, v8  }
0x2c9: {  	v5 =	vmul.f32 $1.000000000e+03, v5;
	v6 =	vcvt.f32.s32 v6  }
0x2ca: {  	vm5 =	vlt.s32 v7, $0x3E8;
	v0 =	vadd.f32 v0, v2  }
0x2cb: {  	s6 =	sadd.s32 $0x7F10, s9;
	s4 =	simm.s32 $0x0;
	vm1 =	vlt.s32 v6, $0x3E8;
	v1 =	vtrunc.f32 v5;
	v2 =	vnsel vm5, $0x3E8, v7  }
0x2cc: {  	s8 =	sadd.s32 s7, s6;
	v10 =	vnsel vm1, $0x3E8, v6;
	v9 =	vcvt.f32.s32 v1;
	[tilespmem:s4+$0xFEC0] =	vst v0  }
0x2cd: {  	v11 =	vld [tilespmem:s8+$0x0]  }
0x2ce: {  	vm6 =	vlt.s32 v9, $0x3E8  }
0x2cf: {  	v12 =	vnsel vm6, $0x3E8, v9  }
0x2d0: {  	v1 =	vld.idx.msk [tilespmem:v2+s15+$0x0], $0xffff  }
0x2d1: {  	v7 =	vcvt.s32.f32 v7;
	v0 =	vld.idx.msk [tilespmem:v10+s15+$0x0], $0xffff  }
0x2d2: {  	v13 =	vld.idx.msk [tilespmem:v2+s0+$0x0], $0xffff;
	v11 =	vmul.f32 $1.000000000e+03, v11  }
0x2d3: {  	v6 =	vcvt.s32.f32 v6;
	v3 =	vsub.f32 v3, v7;
	v7 =	vcvt.s32.f32 v9;
	v9 =	vld.idx.msk [tilespmem:v10+s0+$0x0], $0xffff  }
0x2d4: {  	v2 =	vld.idx.msk [tilespmem:v12+s15+$0x0], $0xffff;
	v10 =	vtrunc.f32 v11  }
0x2d5: {  	v4 =	vsub.f32 v4, v6;
	v6 =	vld.idx.msk [tilespmem:v12+s0+$0x0], $0xffff;
	v3 =	vmul.f32 v3, v1;
	v12 =	vcvt.f32.s32 v10;
	_ =	sdelay $0x1  }
0x2d6: {  	v5 =	vsub.f32 v5, v7;
	v3 =	vadd.f32 v3, v13;
	vm7 =	vlt.s32 v12, $0x3E8  }
0x2d7: {  	v4 =	vmul.f32 v4, v0;
	v7 =	vnsel vm7, $0x3E8, v12  }
0x2d8: {  	v5 =	vmul.f32 v5, v2;
	[tilespmem:s4+$0xFEA0] =	vst v3;
	v3 =	vadd.s32 $0x3E9, v7  }
0x2d9: {  	s10 =	sadd.s32 s14, s6;
	v4 =	vadd.f32 v4, v9  }
0x2da: {  	v5 =	vadd.f32 v5, v6;
	v6 =	vld [tilespmem:s10+$0x0]  }
0x2db: {  	s11 =	sor.u32 s2, s6;
	[tilespmem:s4+$0xFEB0] =	vst v4  }
0x2dc: {  	v4 =	vld [tilespmem:s11+$0x0]  }
0x2dd: {  	s3 =	sor.u32 s1, s6;
	[tilespmem:s4+$0xFE90] =	vst v5;
	v10 =	vld.idx.msk [tilespmem:v3+s15+$0x0], $0xffff  }
0x2de: {  	v5 =	vld [tilespmem:s3+$0x0];
	v7 =	vcvt.s32.f32 v12  }
0x2df: {  	v6 =	vmul.f32 $1.000000000e+03, v6;
	v3 =	vld.idx.msk [tilespmem:v3+s0+$0x0], $0xffff  }
0x2e0: {  	v7 =	vsub.f32 v11, v7  }
0x2e1: {  	v9 =	vmul.f32 $1.000000000e+03, v4;
	v4 =	vtrunc.f32 v6  }
0x2e2: {  	v11 =	vcvt.f32.s32 v4;
	v7 =	vmul.f32 v7, v10  }
0x2e3: {  	v5 =	vmul.f32 $1.000000000e+03, v5;
	v4 =	vtrunc.f32 v9  }
0x2e4: {  	v13 =	vcvt.f32.s32 v4;
	vm8 =	vlt.s32 v11, $0x3E8;
	v3 =	vadd.f32 v7, v3  }
0x2e5: {  	s12 =	sadd.s32 $0x7F90, s9;
	v12 =	vtrunc.f32 v5;
	v4 =	vnsel vm8, $0x3E8, v11  }
0x2e6: {  	s13 =	sadd.s32 s7, s12;
	v12 =	vcvt.f32.s32 v12;
	vm9 =	vlt.s32 v13, $0x3E8;
	v14 =	vadd.s32 $0x3E9, v4;
	[tilespmem:s4+$0x106C0] =	vst v3  }
0x2e7: {  	v4 =	vnsel vm9, $0x3E8, v13;
	v16 =	vld [tilespmem:s13+$0x0]  }
0x2e8: {  	vm10 =	vlt.s32 v12, $0x3E8;
	v15 =	vadd.s32 $0x3E9, v4  }
0x2e9: {  	v3 =	vnsel vm10, $0x3E8, v12  }
0x2ea: {  	v17 =	vadd.s32 $0x3E9, v3  }
0x2eb: {  	v7 =	vld.idx.msk [tilespmem:v14+s15+$0x0], $0xffff  }
0x2ec: {  	v11 =	vcvt.s32.f32 v11;
	v14 =	vld.idx.msk [tilespmem:v14+s0+$0x0], $0xffff;
	v16 =	vmul.f32 $1.000000000e+03, v16  }
0x2ed: {  	v4 =	vld.idx.msk [tilespmem:v15+s15+$0x0], $0xffff  }
0x2ee: {  	v13 =	vcvt.s32.f32 v13;
	v6 =	vsub.f32 v6, v11;
	v11 =	vld.idx.msk [tilespmem:v15+s0+$0x0], $0xffff;
	v18 =	vtrunc.f32 v16  }
0x2ef: {  	v12 =	vcvt.s32.f32 v12;
	v3 =	vld.idx.msk [tilespmem:v17+s15+$0x0], $0xffff;
	v15 =	vcvt.f32.s32 v18  }
0x2f0: {  	v9 =	vsub.f32 v9, v13;
	v6 =	vmul.f32 v6, v7  }
0x2f1: {  	v5 =	vsub.f32 v5, v12;
	v13 =	vld.idx.msk [tilespmem:v17+s0+$0x0], $0xffff;
	vm11 =	vlt.s32 v15, $0x3E8  }
0x2f2: {  	v9 =	vmul.f32 v9, v4;
	v6 =	vadd.f32 v6, v14;
	v12 =	vnsel vm11, $0x3E8, v15  }
0x2f3: {  	v12 =	vadd.s32 $0x7D2, v12  }
0x2f4: {  	s16 =	sadd.s32 s14, s12;
	v5 =	vmul.f32 v5, v3;
	v9 =	vadd.f32 v9, v11;
	[tilespmem:s4+$0x106A0] =	vst v6  }
0x2f5: {  	v6 =	vld [tilespmem:s16+$0x0]  }
0x2f6: {  	s6 =	sor.u32 s2, s12;
	v5 =	vadd.f32 v5, v13;
	[tilespmem:s4+$0x106B0] =	vst v9  }
0x2f7: {  	v9 =	vld [tilespmem:s6+$0x0]  }
0x2f8: {  	s3 =	sor.u32 s1, s12;
	[tilespmem:s4+$0x10690] =	vst v5;
	v11 =	vld.idx.msk [tilespmem:v12+s15+$0x0], $0xffff  }
0x2f9: {  	v13 =	vcvt.s32.f32 v15;
	v5 =	vld [tilespmem:s3+$0x0]  }
0x2fa: {  	v12 =	vld.idx.msk [tilespmem:v12+s0+$0x0], $0xffff;
	v14 =	vmul.f32 $1.000000000e+03, v6  }
0x2fb: {  	v13 =	vsub.f32 v16, v13  }
0x2fc: {  	v15 =	vmul.f32 $1.000000000e+03, v9;
	v9 =	vtrunc.f32 v14  }
0x2fd: {  	v9 =	vcvt.f32.s32 v9;
	v6 =	vmul.f32 v13, v11  }
0x2fe: {  	v13 =	vmul.f32 $1.000000000e+03, v5;
	v5 =	vtrunc.f32 v15  }
0x2ff: {  	v6 =	vadd.f32 v6, v12;
	v12 =	vcvt.f32.s32 v5  }
0x300: {  	s17 =	sor.u32 $0x8010, s9;
	vm12 =	vlt.s32 v9, $0x3E8;
	v5 =	vtrunc.f32 v13  }
0x301: {  	s18 =	sadd.s32 s7, s17;
	v16 =	vcvt.f32.s32 v5;
	v5 =	vnsel vm12, $0x3E8, v9;
	[tilespmem:s4+$0x10EC0] =	vst v6;
	vm13 =	vlt.s32 v12, $0x3E8  }
0x302: {  	v18 =	vadd.s32 $0x7D2, v5;
	v6 =	vld [tilespmem:s18+$0x0];
	v17 =	vnsel vm13, $0x3E8, v12  }
0x303: {  	v17 =	vadd.s32 $0x7D2, v17  }
0x304: {  	vm14 =	vlt.s32 v16, $0x3E8  }
0x305: {  	v5 =	vnsel vm14, $0x3E8, v16  }
0x306: {  	v19 =	vadd.s32 $0x7D2, v5  }
0x307: {  	v20 =	vmul.f32 $1.000000000e+03, v6;
	v6 =	vld.idx.msk [tilespmem:v18+s15+$0x0], $0xffff  }
0x308: {  	v9 =	vcvt.s32.f32 v9;
	v12 =	vcvt.s32.f32 v12;
	v5 =	vld.idx.msk [tilespmem:v17+s15+$0x0], $0xffff  }
0x309: {  	v18 =	vld.idx.msk [tilespmem:v18+s0+$0x0], $0xffff;
	v21 =	vtrunc.f32 v20  }
0x30a: {  	v14 =	vsub.f32 v14, v9;
	v12 =	vsub.f32 v15, v12;
	v15 =	vld.idx.msk [tilespmem:v17+s0+$0x0], $0xffff;
	v21 =	vcvt.f32.s32 v21  }
0x30b: {  	v9 =	vld.idx.msk [tilespmem:v19+s15+$0x0], $0xffff  }
0x30c: {  	v16 =	vcvt.s32.f32 v16;
	vm15 =	vlt.s32 v21, $0x3E8;
	v14 =	vmul.f32 v14, v6  }
0x30d: {  	v19 =	vld.idx.msk [tilespmem:v19+s0+$0x0], $0xffff;
	v17 =	vnsel vm15, $0x3E8, v21;
	v12 =	vmul.f32 v12, v5  }
0x30e: {  	v13 =	vsub.f32 v13, v16;
	v17 =	vadd.s32 $0xBBB, v17;
	v14 =	vadd.f32 v14, v18  }
0x30f: {  	v12 =	vadd.f32 v12, v15  }
0x310: {  	s19 =	sadd.s32 s14, s17;
	v13 =	vmul.f32 v13, v9;
	[tilespmem:s4+$0x10EA0] =	vst v14  }
0x311: {  	s20 =	sor.u32 s2, s17;
	v14 =	vld [tilespmem:s19+$0x0];
	[tilespmem:s4+$0x10EB0] =	vst v12  }
0x312: {  	v13 =	vadd.f32 v13, v19;
	v15 =	vld [tilespmem:s20+$0x0]  }
0x313: {  	v12 =	vld.idx.msk [tilespmem:v17+s15+$0x0], $0xffff  }
0x314: {  	s3 =	sor.u32 s1, s17;
	v16 =	vcvt.s32.f32 v21;
	[tilespmem:s4+$0x10E90] =	vst v13;
	v13 =	vld.idx.msk [tilespmem:v17+s0+$0x0], $0xffff  }
0x315: {  	v17 =	vld [tilespmem:s3+$0x0]  }
0x316: {  	v16 =	vsub.f32 v20, v16;
	_ =	sdelay $0x1  }
0x317: {  	v14 =	vmul.f32 $1.000000000e+03, v14;
	v16 =	vmul.f32 v16, v12  }
0x318: {  	v15 =	vmul.f32 $1.000000000e+03, v15  }
0x319: {  	v13 =	vadd.f32 v16, v13;
	v16 =	vmul.f32 $1.000000000e+03, v17;
	v17 =	vtrunc.f32 v14  }
0x31a: {  	s21 =	sor.u32 $0x8090, s9;
	v17 =	vcvt.f32.s32 v17  }
0x31b: {  	s22 =	sadd.s32 s7, s21;
	v18 =	vtrunc.f32 v15;
	[tilespmem:s4+$0x116C0] =	vst v13  }
0x31c: {  	v13 =	vcvt.f32.s32 v18;
	v19 =	vtrunc.f32 v16;
	v18 =	vld [tilespmem:s22+$0x0];
	vm4 =	vlt.s32 v17, $0x3E8  }
0x31d: {  	v19 =	vcvt.f32.s32 v19;
	v20 =	vnsel vm4, $0x3E8, v17  }
0x31e: {  	vm5 =	vlt.s32 v13, $0x3E8;
	v20 =	vadd.s32 $0xBBB, v20  }
0x31f: {  	v21 =	vnsel vm5, $0x3E8, v13;
	vm6 =	vlt.s32 v19, $0x3E8  }
0x320: {  	v21 =	vadd.s32 $0xBBB, v21;
	v22 =	vnsel vm6, $0x3E8, v19  }
0x321: {  	v22 =	vadd.s32 $0xBBB, v22;
	v18 =	vmul.f32 $1.000000000e+03, v18;
	_ =	sdelay $0x1  }
0x322: {  	v23 =	vtrunc.f32 v18;
	v24 =	vld.idx.msk [tilespmem:v20+s15+$0x0], $0xffff  }
0x323: {  	v17 =	vcvt.s32.f32 v17;
	v20 =	vld.idx.msk [tilespmem:v20+s0+$0x0], $0xffff;
	v23 =	vcvt.f32.s32 v23  }
0x324: {  	v25 =	vld.idx.msk [tilespmem:v21+s15+$0x0], $0xffff  }
0x325: {  	v13 =	vcvt.s32.f32 v13;
	v14 =	vsub.f32 v14, v17;
	v17 =	vld.idx.msk [tilespmem:v22+s15+$0x0], $0xffff;
	vm7 =	vlt.s32 v23, $0x3E8  }
0x326: {  	v19 =	vcvt.s32.f32 v19;
	v21 =	vld.idx.msk [tilespmem:v21+s0+$0x0], $0xffff;
	v26 =	vnsel vm7, $0x3E8, v23  }
0x327: {  	v13 =	vsub.f32 v15, v13;
	v15 =	vld.idx.msk [tilespmem:v22+s0+$0x0], $0xffff;
	v26 =	vadd.s32 $0xFA4, v26  }
0x328: {  	v16 =	vsub.f32 v16, v19;
	v14 =	vmul.f32 v14, v24  }
0x329: {  	v13 =	vmul.f32 v13, v25  }
0x32a: {  	v14 =	vadd.f32 v14, v20;
	v16 =	vmul.f32 v16, v17  }
0x32b: {  	v19 =	vadd.f32 v13, v21  }
0x32c: {  	[tilespmem:s4+$0x116A0] =	vst v14;
	v14 =	vadd.f32 v16, v15;
	v13 =	vld.idx.msk [tilespmem:v26+s15+$0x0], $0xffff  }
0x32d: {  	s24 =	sor.u32 s2, s21;
	v16 =	vcvt.s32.f32 v23;
	[tilespmem:s4+$0x116B0] =	vst v19;
	v19 =	vld.idx.msk [tilespmem:v26+s0+$0x0], $0xffff  }
0x32e: {  	s23 =	sadd.s32 s14, s21;
	v8 =	vmul.f32 $1.000000000e+03, v8;
	[tilespmem:s4+$0x11690] =	vst v14;
	v14 =	vld [tilespmem:s24+$0x0]  }
0x32f: {  	v0 =	vmul.f32 $1.000000000e+03, v0;
	s11 =	simm.s32 $0x40;
	v10 =	vmul.f32 $1.000000000e+03, v10;
	v15 =	vld [tilespmem:s23+$0x0];
	s23 =	simm.s32 $0x200;
	v16 =	vsub.f32 v18, v16  }
0x330: {  	v1 =	vmul.f32 $1.000000000e+03, v1;
	v2 =	vmul.f32 $1.000000000e+03, v2;
	s5 =	sand.u32 $0x40, s11;
	s13 =	sand.u32 $0x3C00, s23  }
0x331: {  	s8 =	sor.u32 $0x30, s5;
	v8 =	vmul.f32 v10, v8;
	s10 =	sadd.s32 $0x7E90, s13;
	v16 =	vmul.f32 v16, v13  }
0x332: {  	v7 =	vmul.f32 $1.000000000e+03, v7;
	v4 =	vmul.f32 $1.000000000e+03, v4;
	s6 =	sor.u32 $0x10, s5;
	s25 =	sadd.s32 s8, s10  }
0x333: {  	v3 =	vmul.f32 $1.000000000e+03, v3;
	s16 =	sadd.s32 s6, s10;
	v16 =	vadd.f32 v16, v19;
	v19 =	vmul.f32 $1.000000000e+03, v14;
	v14 =	vld [tilespmem:s25+$0x0]  }
0x334: {  	s26 =	sor.u32 $0x8110, s9;
	v1 =	vmul.f32 v7, v1;
	v23 =	vld [tilespmem:s16+$0x0];
	v15 =	vmul.f32 $1.000000000e+03, v15  }
0x335: {  	s12 =	sadd.s32 s7, s26;
	v4 =	vmul.f32 v4, v0;
	v2 =	vmul.f32 v3, v2;
	[tilespmem:s4+$0x11EC0] =	vst v16  }
0x336: {  	v3 =	vmul.f32 $1.000000000e+03, v6;
	v16 =	vtrunc.f32 v15;
	v21 =	vld [tilespmem:s12+$0x0]  }
0x337: {  	v20 =	vtrunc.f32 v19;
	v16 =	vcvt.f32.s32 v16  }
0x338: {  	s3 =	sor.u32 s1, s21;
	s12 =	sor.u32 $0x20, s5;
	v20 =	vcvt.f32.s32 v20;
	v27 =	vmul.f32 $1.000000000e+03, v14  }
0x339: {  	v5 =	vmul.f32 $1.000000000e+03, v5;
	v18 =	vld [tilespmem:s3+$0x0];
	v23 =	vmul.f32 $1.000000000e+03, v23;
	s17 =	sor.u32 s12, s10;
	vm8 =	vlt.s32 v16, $0x3E8  }
0x33a: {  	s10 =	sor.u32 s5, s10;
	v26 =	vld [tilespmem:s17+$0x0];
	vm10 =	vlt.s32 v20, $0x3E8;
	v14 =	vnsel vm8, $0x3E8, v16;
	v30 =	vtrunc.f32 v27  }
0x33b: {  	v28 =	vld [tilespmem:s10+$0x0];
	v32 =	vadd.s32 $0xFA4, v14;
	v21 =	vmul.f32 $1.000000000e+03, v21;
	v14 =	vcvt.f32.s32 v30  }
0x33c: {  	v24 =	vmul.f32 $1.000000000e+03, v24;
	v33 =	vtrunc.f32 v23;
	v31 =	vnsel vm10, $0x3E8, v20  }
0x33d: {  	v30 =	vadd.s32 $0xFA4, v31;
	v31 =	vtrunc.f32 v21;
	vm11 =	vlt.s32 v14, $0x3E8  }
0x33e: {  	v33 =	vcvt.f32.s32 v33;
	v31 =	vcvt.f32.s32 v31;
	v34 =	vnsel vm11, $0x3E8, v14  }
0x33f: {  	v18 =	vmul.f32 $1.000000000e+03, v18;
	v26 =	vmul.f32 $1.000000000e+03, v26  }
0x340: {  	vm13 =	vlt.s32 v33, $0x3E8;
	v28 =	vmul.f32 $1.000000000e+03, v28;
	vm12 =	vlt.s32 v31, $0x3E8  }
0x341: {  	v40 =	vnsel vm13, $0x3E8, v33;
	v36 =	vtrunc.f32 v26;
	v37 =	vnsel vm12, $0x3E8, v31  }
0x342: {  	v35 =	vtrunc.f32 v28;
	v38 =	vld.idx.msk [tilespmem:v32+s15+$0x0], $0xffff;
	v36 =	vcvt.f32.s32 v36;
	v37 =	vadd.s32 $0x138D, v37  }
0x343: {  	v3 =	vmul.f32 v24, v3;
	v35 =	vcvt.f32.s32 v35;
	v0 =	vld.idx.msk [tilespmem:v34+s15+$0x0], $0xffff  }
0x344: {  	v22 =	vtrunc.f32 v18;
	v42 =	vcvt.s32.f32 v14;
	v39 =	vld.idx.msk [tilespmem:v30+s15+$0x0], $0xffff;
	vm14 =	vlt.s32 v36, $0x3E8  }
0x345: {  	v22 =	vcvt.f32.s32 v22;
	vm15 =	vlt.s32 v35, $0x3E8;
	v41 =	vnsel vm14, $0x3E8, v36;
	v34 =	vld.idx.msk [tilespmem:v34+s0+$0x0], $0xffff  }
0x346: {  	v27 =	vsub.f32 v27, v42;
	v46 =	vld.idx.msk [tilespmem:v40+s15+$0x0], $0xffff;
	v24 =	vcvt.s32.f32 v31;
	v6 =	vnsel vm15, $0x3E8, v35  }
0x347: {  	v9 =	vmul.f32 $1.000000000e+03, v9;
	v25 =	vmul.f32 $1.000000000e+03, v25;
	v14 =	vld.idx.msk [tilespmem:v37+s15+$0x0], $0xffff  }
0x348: {  	vm9 =	vlt.s32 v22, $0x3E8;
	v21 =	vsub.f32 v21, v24;
	v24 =	vld.idx.msk [tilespmem:v40+s0+$0x0], $0xffff;
	v27 =	vmul.f32 v27, v0  }
0x349: {  	v17 =	vmul.f32 $1.000000000e+03, v17;
	v29 =	vnsel vm9, $0x3E8, v22;
	v16 =	vcvt.s32.f32 v16;
	v37 =	vld.idx.msk [tilespmem:v37+s0+$0x0], $0xffff  }
0x34a: {  	v5 =	vmul.f32 v25, v5;
	v29 =	vadd.s32 $0xFA4, v29;
	v31 =	vld.idx.msk [tilespmem:v41+s15+$0x0], $0xffff;
	v27 =	vadd.f32 v27, v34  }
0x34b: {  	s20 =	sadd.s32 $0x7F10, s13;
	s16 =	simm.s32 $0x40;
	v33 =	vcvt.s32.f32 v33;
	v15 =	vsub.f32 v15, v16;
	v16 =	vcvt.s32.f32 v20;
	v25 =	vld.idx.msk [tilespmem:v6+s15+$0x0], $0xffff  }
0x34c: {  	s21 =	sadd.s32 s8, s20;
	v20 =	vcvt.s32.f32 v36;
	v47 =	vld.idx.msk [tilespmem:v41+s0+$0x0], $0xffff;
	[tilespmem:s16+$0xFEC0] =	vst v27;
	v21 =	vmul.f32 v21, v14  }
0x34d: {  	v22 =	vcvt.s32.f32 v22;
	v23 =	vsub.f32 v23, v33;
	v27 =	vcvt.s32.f32 v35;
	v48 =	vld [tilespmem:s21+$0x0]  }
0x34e: {  	v9 =	vmul.f32 v17, v9;
	v17 =	vsub.f32 v26, v20;
	v6 =	vld.idx.msk [tilespmem:v6+s0+$0x0], $0xffff;
	v21 =	vadd.f32 v21, v37  }
0x34f: {  	s10 =	sor.u32 $0x8190, s9;
	v18 =	vsub.f32 v18, v22;
	v7 =	vld.idx.msk [tilespmem:v29+s15+$0x0], $0xffff;
	v23 =	vmul.f32 v23, v46;
	v22 =	vsub.f32 v28, v27  }
0x350: {  	v1 =	vmul.f32 v3, v1;
	s18 =	sadd.s32 s7, s10;
	v3 =	vld.idx.msk [tilespmem:v30+s0+$0x0], $0xffff;
	v17 =	vmul.f32 v17, v31;
	[tilespmem:s4+$0x126C0] =	vst v21  }
0x351: {  	v16 =	vsub.f32 v19, v16;
	v22 =	vmul.f32 v22, v25;
	v21 =	vadd.f32 v23, v24;
	v23 =	vld [tilespmem:s18+$0x0]  }
0x352: {  	v20 =	vld.idx.msk [tilespmem:v32+s0+$0x0], $0xffff;
	v19 =	vmul.f32 v15, v38;
	v24 =	vadd.f32 v17, v47;
	v26 =	vmul.f32 $1.000000000e+03, v48  }
0x353: {  	v11 =	vmul.f32 $1.000000000e+03, v11;
	s22 =	sadd.s32 s6, s20;
	v16 =	vmul.f32 v16, v39;
	v27 =	vld.idx.msk [tilespmem:v29+s0+$0x0], $0xffff;
	v6 =	vadd.f32 v22, v6;
	[tilespmem:s16+$0xFEA0] =	vst v21  }
0x354: {  	s19 =	sor.u32 s12, s20;
	v28 =	vmul.f32 v18, v7;
	[tilespmem:s16+$0xFEB0] =	vst v24;
	v21 =	vld [tilespmem:s22+$0x0];
	v22 =	vtrunc.f32 v26  }
0x355: {  	s17 =	sor.u32 s5, s20;
	v18 =	vmul.f32 $1.000000000e+03, v7;
	[tilespmem:s16+$0xFE90] =	vst v6;
	v6 =	vld [tilespmem:s19+$0x0];
	v7 =	vcvt.f32.s32 v22  }
0x356: {  	v2 =	vmul.f32 v9, v2;
	v16 =	vadd.f32 v16, v3;
	v22 =	vld [tilespmem:s17+$0x0];
	v23 =	vmul.f32 $1.000000000e+03, v23  }
0x357: {  	v3 =	vmul.f32 v5, v4;
	v19 =	vadd.f32 v19, v20;
	vm4 =	vlt.s32 v7, $0x3E8  }
0x358: {  	v24 =	vmul.f32 $1.000000000e+03, v31;
	v4 =	vnsel vm4, $0x3E8, v7;
	v5 =	vtrunc.f32 v23  }
0x359: {  	v9 =	vmul.f32 $1.000000000e+03, v21;
	v7 =	vcvt.s32.f32 v7;
	v21 =	vadd.s32 $0x3E9, v4  }
0x35a: {  	s24 =	sadd.s32 s14, s26;
	[tilespmem:s4+$0x11EA0] =	vst v19;
	v4 =	vadd.f32 v28, v27;
	v5 =	vcvt.f32.s32 v5;
	v6 =	vmul.f32 $1.000000000e+03, v6  }
0x35b: {  	[tilespmem:s4+$0x11EB0] =	vst v16;
	v16 =	vld [tilespmem:s24+$0x0];
	v19 =	vmul.f32 $1.000000000e+03, v22;
	v22 =	vtrunc.f32 v9  }
0x35c: {  	s25 =	sor.u32 s2, s26;
	[tilespmem:s4+$0x11E90] =	vst v4;
	vm5 =	vlt.s32 v5, $0x3E8;
	v28 =	vcvt.f32.s32 v22;
	v4 =	vtrunc.f32 v6  }
0x35d: {  	s3 =	sor.u32 s1, s26;
	v27 =	vld [tilespmem:s25+$0x0];
	v7 =	vsub.f32 v26, v7;
	v29 =	vnsel vm5, $0x3E8, v5;
	v31 =	vcvt.f32.s32 v4  }
0x35e: {  	v22 =	vld [tilespmem:s3+$0x0];
	v30 =	vtrunc.f32 v19;
	v29 =	vadd.s32 $0x1776, v29;
	vm6 =	vlt.s32 v28, $0x3E8  }
0x35f: {  	v30 =	vcvt.f32.s32 v30;
	v49 =	vnsel vm6, $0x3E8, v28;
	vm7 =	vlt.s32 v31, $0x3E8  }
0x360: {  	v26 =	vmul.f32 $1.000000000e+03, v16;
	v4 =	vld.idx.msk [tilespmem:v21+s15+$0x0], $0xffff;
	v32 =	vadd.s32 $0x3E9, v49;
	v50 =	vnsel vm7, $0x3E8, v31  }
0x361: {  	v12 =	vmul.f32 $1.000000000e+03, v12;
	vm8 =	vlt.s32 v30, $0x3E8;
	v33 =	vadd.s32 $0x3E9, v50  }
0x362: {  	v20 =	vmul.f32 $1.000000000e+03, v46;
	v53 =	vtrunc.f32 v26;
	v21 =	vld.idx.msk [tilespmem:v21+s0+$0x0], $0xffff;
	v51 =	vnsel vm8, $0x3E8, v30  }
0x363: {  	v27 =	vmul.f32 $1.000000000e+03, v27;
	v16 =	vadd.s32 $0x3E9, v51;
	v52 =	vmul.f32 $1.000000000e+03, v22;
	v22 =	vld.idx.msk [tilespmem:v29+s15+$0x0], $0xffff  }
0x364: {  	v5 =	vcvt.s32.f32 v5;
	v31 =	vcvt.s32.f32 v31;
	v29 =	vld.idx.msk [tilespmem:v29+s0+$0x0], $0xffff  }
0x365: {  	v54 =	vtrunc.f32 v27;
	v7 =	vmul.f32 v7, v4;
	v56 =	vld.idx.msk [tilespmem:v32+s15+$0x0], $0xffff  }
0x366: {  	v5 =	vsub.f32 v23, v5;
	v36 =	vcvt.f32.s32 v54;
	v55 =	vtrunc.f32 v52;
	v57 =	vld.idx.msk [tilespmem:v33+s15+$0x0], $0xffff  }
0x367: {  	v7 =	vadd.f32 v7, v21;
	v21 =	vcvt.s32.f32 v28;
	v28 =	vcvt.f32.s32 v53;
	v33 =	vld.idx.msk [tilespmem:v33+s0+$0x0], $0xffff  }
0x368: {  	s26 =	sadd.s32 $0x7F90, s13;
	v6 =	vsub.f32 v6, v31;
	vm10 =	vlt.s32 v36, $0x3E8;
	v59 =	vcvt.f32.s32 v55;
	v58 =	vld.idx.msk [tilespmem:v16+s15+$0x0], $0xffff  }
0x369: {  	s18 =	sadd.s32 s8, s26;
	[tilespmem:s16+$0x106C0] =	vst v7;
	v7 =	vcvt.s32.f32 v30;
	vm9 =	vlt.s32 v28, $0x3E8;
	v30 =	vld.idx.msk [tilespmem:v32+s0+$0x0], $0xffff;
	v5 =	vmul.f32 v5, v22  }
0x36a: {  	v60 =	vnsel vm10, $0x3E8, v36;
	v9 =	vsub.f32 v9, v21;
	v21 =	vld [tilespmem:s18+$0x0];
	v23 =	vnsel vm9, $0x3E8, v28  }
0x36b: {  	v31 =	vadd.s32 $0x138D, v60;
	v61 =	vadd.s32 $0x138D, v23;
	v5 =	vadd.f32 v5, v29  }
0x36c: {  	s3 =	sor.u32 $0x8210, s9;
	vm11 =	vlt.s32 v59, $0x3E8;
	v29 =	vld.idx.msk [tilespmem:v16+s0+$0x0], $0xffff;
	v7 =	vsub.f32 v19, v7;
	v9 =	vmul.f32 v9, v56  }
0x36d: {  	v25 =	vmul.f32 $1.000000000e+03, v25;
	s7 =	sadd.s32 s7, s3;
	v16 =	vnsel vm11, $0x3E8, v59;
	v6 =	vmul.f32 v6, v57;
	[tilespmem:s4+$0x12EC0] =	vst v5  }
0x36e: {  	v19 =	vcvt.s32.f32 v28;
	v5 =	vmul.f32 v7, v58;
	v7 =	vld [tilespmem:s7+$0x0];
	v9 =	vadd.f32 v9, v30  }
0x36f: {  	v28 =	vcvt.s32.f32 v59;
	v6 =	vadd.f32 v6, v33;
	v62 =	vmul.f32 $1.000000000e+03, v21  }
0x370: {  	v63 =	vadd.s32 $0x138D, v16;
	v44 =	vmul.f32 $1.000000000e+03, v58;
	v23 =	vld.idx.msk [tilespmem:v61+s15+$0x0], $0xffff;
	[tilespmem:s16+$0x106A0] =	vst v9;
	v9 =	vmul.f32 $1.000000000e+03, v56  }
0x371: {  	s19 =	sadd.s32 s6, s26;
	v16 =	vld.idx.msk [tilespmem:v31+s15+$0x0], $0xffff;
	v5 =	vadd.f32 v5, v29;
	[tilespmem:s16+$0x106B0] =	vst v6;
	v6 =	vmul.f32 $1.000000000e+03, v57;
	v21 =	vtrunc.f32 v62  }
0x372: {  	s20 =	sor.u32 s12, s26;
	v30 =	vld [tilespmem:s19+$0x0];
	v29 =	vcvt.f32.s32 v21;
	v21 =	vcvt.s32.f32 v36  }
0x373: {  	s21 =	sor.u32 s5, s26;
	v26 =	vsub.f32 v26, v19;
	v45 =	vld [tilespmem:s20+$0x0];
	[tilespmem:s16+$0x10690] =	vst v5;
	v9 =	vmul.f32 v9, v20;
	v19 =	vmul.f32 $1.000000000e+03, v7  }
0x374: {  	v5 =	vld [tilespmem:s21+$0x0];
	v7 =	vmul.f32 v6, v24;
	v6 =	vmul.f32 v44, v25;
	vm12 =	vlt.s32 v29, $0x3E8  }
0x375: {  	v21 =	vsub.f32 v27, v21;
	v20 =	vnsel vm12, $0x3E8, v29;
	v24 =	vmul.f32 v26, v23  }
0x376: {  	v31 =	vld.idx.msk [tilespmem:v31+s0+$0x0], $0xffff;
	v25 =	vtrunc.f32 v19;
	v29 =	vcvt.s32.f32 v29;
	v20 =	vadd.s32 $0x7D2, v20  }
0x377: {  	v26 =	vld.idx.msk [tilespmem:v61+s0+$0x0], $0xffff;
	v25 =	vcvt.f32.s32 v25;
	v27 =	vmul.f32 $1.000000000e+03, v30  }
0x378: {  	v28 =	vsub.f32 v52, v28;
	v30 =	vmul.f32 v21, v16;
	v46 =	vmul.f32 $1.000000000e+03, v45  }
0x379: {  	v29 =	vsub.f32 v62, v29;
	v21 =	vtrunc.f32 v27;
	v47 =	vmul.f32 $1.000000000e+03, v5  }
0x37a: {  	vm13 =	vlt.s32 v25, $0x3E8;
	v49 =	vtrunc.f32 v46;
	v50 =	vcvt.f32.s32 v21  }
0x37b: {  	v30 =	vadd.f32 v30, v31;
	v48 =	vnsel vm13, $0x3E8, v25;
	v35 =	vcvt.f32.s32 v49;
	v5 =	vld.idx.msk [tilespmem:v20+s15+$0x0], $0xffff  }
0x37c: {  	v34 =	vadd.s32 $0x1B5F, v48;
	v24 =	vadd.f32 v24, v26;
	vm14 =	vlt.s32 v50, $0x3E8  }
0x37d: {  	v26 =	vtrunc.f32 v47;
	v51 =	vld.idx.msk [tilespmem:v20+s0+$0x0], $0xffff;
	vm15 =	vlt.s32 v35, $0x3E8;
	v20 =	vnsel vm14, $0x3E8, v50  }
0x37e: {  	v52 =	vld.idx.msk [tilespmem:v63+s0+$0x0], $0xffff;
	v26 =	vcvt.f32.s32 v26;
	v31 =	vadd.s32 $0x7D2, v20;
	v20 =	vnsel vm15, $0x3E8, v35  }
0x37f: {  	v10 =	vmul.f32 v12, v11;
	v13 =	vmul.f32 $1.000000000e+03, v13;
	s24 =	sor.u32 s2, s10;
	v21 =	vld.idx.msk [tilespmem:v63+s15+$0x0], $0xffff;
	[tilespmem:s4+$0x126B0] =	vst v30;
	v53 =	vadd.s32 $0x7D2, v20  }
0x380: {  	v14 =	vmul.f32 $1.000000000e+03, v14;
	v55 =	vld [tilespmem:s24+$0x0];
	vm4 =	vlt.s32 v26, $0x3E8;
	v29 =	vmul.f32 v29, v5  }
0x381: {  	v8 =	vmul.f32 v10, v8;
	v15 =	vmul.f32 $1.000000000e+03, v38;
	s22 =	sadd.s32 s14, s10;
	[tilespmem:s4+$0x126A0] =	vst v24;
	v24 =	vnsel vm4, $0x3E8, v26;
	v20 =	vld.idx.msk [tilespmem:v34+s15+$0x0], $0xffff  }
0x382: {  	v13 =	vmul.f32 v14, v13;
	v30 =	vld [tilespmem:s22+$0x0];
	v54 =	vadd.s32 $0x7D2, v24;
	v29 =	vadd.f32 v29, v51  }
0x383: {  	v17 =	vmul.f32 $1.000000000e+03, v39;
	s25 =	sor.u32 $0x8010, s13;
	v22 =	vmul.f32 $1.000000000e+03, v22;
	v24 =	vld.idx.msk [tilespmem:v31+s15+$0x0], $0xffff  }
0x384: {  	s26 =	sadd.s32 s8, s25;
	v23 =	vmul.f32 $1.000000000e+03, v23;
	v45 =	vmul.f32 $1.000000000e+03, v16;
	v41 =	vld.idx.msk [tilespmem:v53+s15+$0x0], $0xffff;
	[tilespmem:s16+$0x10EC0] =	vst v29  }
0x385: {  	v36 =	vcvt.s32.f32 v50;
	v28 =	vmul.f32 v28, v21;
	v29 =	vld [tilespmem:s26+$0x0]  }
0x386: {  	v35 =	vcvt.s32.f32 v35;
	v11 =	vld.idx.msk [tilespmem:v31+s0+$0x0], $0xffff;
	v56 =	vmul.f32 $1.000000000e+03, v20  }
0x387: {  	v25 =	vcvt.s32.f32 v25;
	v27 =	vsub.f32 v27, v36;
	v12 =	vadd.f32 v28, v52;
	v43 =	vld.idx.msk [tilespmem:v54+s15+$0x0], $0xffff  }
0x388: {  	v26 =	vcvt.s32.f32 v26;
	v28 =	vsub.f32 v46, v35;
	v14 =	vmul.f32 v56, v22;
	v22 =	vld.idx.msk [tilespmem:v53+s0+$0x0], $0xffff  }
0x389: {  	[tilespmem:s4+$0x12690] =	vst v12;
	v12 =	vmul.f32 $1.000000000e+03, v30;
	v30 =	vld.idx.msk [tilespmem:v54+s0+$0x0], $0xffff;
	v27 =	vmul.f32 v27, v24  }
0x38a: {  	s17 =	sor.u32 s1, s10;
	v26 =	vsub.f32 v47, v26;
	v28 =	vmul.f32 v28, v41;
	v29 =	vmul.f32 $1.000000000e+03, v29  }
0x38b: {  	v31 =	vld [tilespmem:s17+$0x0];
	v13 =	vmul.f32 v14, v13;
	v14 =	vtrunc.f32 v12;
	v10 =	vadd.f32 v27, v11  }
0x38c: {  	v26 =	vmul.f32 v26, v43;
	v57 =	vtrunc.f32 v29  }
0x38d: {  	s18 =	sadd.s32 s6, s25;
	v27 =	vmul.f32 $1.000000000e+03, v55;
	v22 =	vadd.f32 v28, v22;
	[tilespmem:s16+$0x10EA0] =	vst v10;
	v11 =	vcvt.f32.s32 v57  }
0x38e: {  	v15 =	vmul.f32 v23, v15;
	v14 =	vcvt.f32.s32 v14;
	v26 =	vadd.f32 v26, v30;
	v28 =	vld [tilespmem:s18+$0x0]  }
0x38f: {  	v19 =	vsub.f32 v19, v25;
	v10 =	vtrunc.f32 v27;
	[tilespmem:s16+$0x10EB0] =	vst v22;
	vm5 =	vlt.s32 v11, $0x3E8  }
0x390: {  	s7 =	sor.u32 s5, s25;
	v30 =	vmul.f32 $1.000000000e+03, v31;
	vm6 =	vlt.s32 v14, $0x3E8;
	[tilespmem:s16+$0x10E90] =	vst v26;
	v22 =	vnsel vm5, $0x3E8, v11  }
0x391: {  	s19 =	sor.u32 s12, s25;
	v58 =	vcvt.f32.s32 v10;
	v10 =	vmul.f32 v13, v8;
	v13 =	vld [tilespmem:s7+$0x0];
	v22 =	vadd.s32 $0xBBB, v22  }
0x392: {  	v54 =	vmul.f32 $1.000000000e+03, v21;
	v8 =	vtrunc.f32 v30;
	v26 =	vnsel vm6, $0x3E8, v14;
	v31 =	vld [tilespmem:s19+$0x0]  }
0x393: {  	v14 =	vcvt.s32.f32 v14;
	vm7 =	vlt.s32 v58, $0x3E8;
	v28 =	vmul.f32 $1.000000000e+03, v28  }
0x394: {  	v59 =	vcvt.f32.s32 v8;
	v26 =	vadd.s32 $0x1776, v26;
	v8 =	vnsel vm7, $0x3E8, v58  }
0x395: {  	v60 =	vadd.s32 $0x1776, v8;
	v11 =	vcvt.s32.f32 v11;
	v62 =	vtrunc.f32 v28  }
0x396: {  	vm8 =	vlt.s32 v59, $0x3E8;
	v63 =	vmul.f32 $1.000000000e+03, v13;
	v13 =	vcvt.f32.s32 v62;
	v8 =	vld.idx.msk [tilespmem:v22+s15+$0x0], $0xffff  }
0x397: {  	v61 =	vnsel vm8, $0x3E8, v59;
	v11 =	vsub.f32 v29, v11;
	v29 =	vld.idx.msk [tilespmem:v34+s0+$0x0], $0xffff;
	v31 =	vmul.f32 $1.000000000e+03, v31  }
0x398: {  	v36 =	vadd.s32 $0x1776, v61;
	v48 =	vtrunc.f32 v63;
	v22 =	vld.idx.msk [tilespmem:v22+s0+$0x0], $0xffff;
	vm9 =	vlt.s32 v13, $0x3E8  }
0x399: {  	v49 =	vld.idx.msk [tilespmem:v26+s15+$0x0], $0xffff;
	v47 =	vtrunc.f32 v31;
	v34 =	vcvt.f32.s32 v48;
	v50 =	vnsel vm9, $0x3E8, v13  }
0x39a: {  	v19 =	vmul.f32 v19, v20;
	v26 =	vld.idx.msk [tilespmem:v26+s0+$0x0], $0xffff;
	v37 =	vcvt.f32.s32 v47;
	v40 =	vadd.s32 $0xBBB, v50  }
0x39b: {  	v12 =	vsub.f32 v12, v14;
	v14 =	vld.idx.msk [tilespmem:v60+s15+$0x0], $0xffff;
	vm11 =	vlt.s32 v34, $0x3E8;
	v11 =	vmul.f32 v11, v8  }
0x39c: {  	v24 =	vmul.f32 $1.000000000e+03, v24;
	v52 =	vld.idx.msk [tilespmem:v60+s0+$0x0], $0xffff;
	vm10 =	vlt.s32 v37, $0x3E8;
	v44 =	vnsel vm11, $0x3E8, v34  }
0x39d: {  	v51 =	vld.idx.msk [tilespmem:v36+s15+$0x0], $0xffff;
	v53 =	vadd.s32 $0xBBB, v44;
	v11 =	vadd.f32 v11, v22;
	v22 =	vnsel vm10, $0x3E8, v37  }
0x39e: {  	v41 =	vmul.f32 $1.000000000e+03, v41;
	v32 =	vcvt.s32.f32 v58;
	v36 =	vld.idx.msk [tilespmem:v36+s0+$0x0], $0xffff;
	v22 =	vadd.s32 $0xBBB, v22  }
0x39f: {  	s20 =	sor.u32 $0x8090, s13;
	v21 =	vmul.f32 $1.000000000e+03, v43;
	v16 =	vcvt.s32.f32 v59;
	v55 =	vld.idx.msk [tilespmem:v40+s15+$0x0], $0xffff  }
0x3a0: {  	s21 =	sadd.s32 s8, s20;
	v27 =	vsub.f32 v27, v32;
	v34 =	vcvt.s32.f32 v34;
	v40 =	vld.idx.msk [tilespmem:v40+s0+$0x0], $0xffff;
	[tilespmem:s16+$0x116C0] =	vst v11;
	v11 =	vmul.f32 v12, v49  }
0x3a1: {  	v16 =	vsub.f32 v30, v16;
	v13 =	vcvt.s32.f32 v13;
	v30 =	vcvt.s32.f32 v37;
	v25 =	vld [tilespmem:s21+$0x0]  }
0x3a2: {  	v20 =	vsub.f32 v63, v34;
	v12 =	vmul.f32 v27, v14;
	v11 =	vadd.f32 v11, v26;
	v26 =	vld.idx.msk [tilespmem:v53+s15+$0x0], $0xffff  }
0x3a3: {  	v27 =	vsub.f32 v28, v13;
	v28 =	vmul.f32 v16, v51;
	v16 =	vmul.f32 $1.000000000e+03, v49;
	v56 =	vld.idx.msk [tilespmem:v22+s15+$0x0], $0xffff  }
0x3a4: {  	v13 =	vmul.f32 $1.000000000e+03, v51;
	v33 =	vadd.f32 v12, v52;
	v12 =	vmul.f32 v45, v17;
	v17 =	vld.idx.msk [tilespmem:v53+s0+$0x0], $0xffff  }
0x3a5: {  	s22 =	sadd.s32 s14, s3;
	v14 =	vmul.f32 $1.000000000e+03, v14;
	v28 =	vadd.f32 v28, v36;
	v22 =	vld.idx.msk [tilespmem:v22+s0+$0x0], $0xffff;
	[tilespmem:s4+$0x12EA0] =	vst v11;
	v11 =	vmul.f32 v54, v18  }
0x3a6: {  	s2 =	sor.u32 s2, s3;
	v18 =	vsub.f32 v31, v30;
	[tilespmem:s4+$0x12EB0] =	vst v33;
	v23 =	vld [tilespmem:s22+$0x0];
	v57 =	vmul.f32 $1.000000000e+03, v25;
	v25 =	vmul.f32 v27, v55  }
0x3a7: {  	s1 =	sor.u32 s1, s3;
	[tilespmem:s4+$0x12E90] =	vst v28;
	v28 =	vld [tilespmem:s2+$0x0];
	v27 =	vmul.f32 $1.000000000e+03, v55;
	v58 =	vmul.f32 v20, v26  }
0x3a8: {  	v59 =	vadd.f32 v19, v29;
	v31 =	vld [tilespmem:s1+$0x0];
	v30 =	vtrunc.f32 v57;
	v18 =	vmul.f32 v18, v56  }
0x3a9: {  	v20 =	vmul.f32 $1.000000000e+03, v26;
	v25 =	vadd.f32 v25, v40;
	v30 =	vcvt.f32.s32 v30  }
0x3aa: {  	v26 =	vmul.f32 $1.000000000e+03, v56;
	v17 =	vadd.f32 v58, v17;
	v18 =	vadd.f32 v18, v22  }
0x3ab: {  	s24 =	sadd.s32 s6, s20;
	[tilespmem:s16+$0x116A0] =	vst v25;
	v22 =	vmul.f32 v27, v24;
	v24 =	vmul.f32 $1.000000000e+03, v23;
	vm12 =	vlt.s32 v30, $0x3E8  }
0x3ac: {  	s26 =	sor.u32 s5, s20;
	v29 =	vld [tilespmem:s24+$0x0];
	v19 =	vmul.f32 v26, v41;
	v23 =	vmul.f32 $1.000000000e+03, v28;
	[tilespmem:s16+$0x11690] =	vst v17;
	v26 =	vnsel vm12, $0x3E8, v30  }
0x3ad: {  	s25 =	sor.u32 s12, s20;
	v28 =	vld [tilespmem:s26+$0x0];
	[tilespmem:s16+$0x116B0] =	vst v18;
	v18 =	vmul.f32 $1.000000000e+03, v31;
	v25 =	vtrunc.f32 v24;
	v60 =	vadd.s32 $0xFA4, v26  }
0x3ae: {  	v62 =	vcvt.s32.f32 v30;
	v17 =	vld [tilespmem:s25+$0x0];
	v31 =	vcvt.f32.s32 v25  }
0x3af: {  	v25 =	vtrunc.f32 v23;
	v26 =	vtrunc.f32 v18  }
0x3b0: {  	v37 =	vsub.f32 v57, v62;
	v27 =	vcvt.f32.s32 v25;
	v25 =	vcvt.f32.s32 v26  }
0x3b1: {  	v26 =	vcvt.s32.f32 v31;
	vm13 =	vlt.s32 v31, $0x3E8;
	v34 =	vmul.f32 $1.000000000e+03, v29  }
0x3b2: {  	[tilespmem:s4+$0x146C0] =	vst v10;
	v61 =	vnsel vm13, $0x3E8, v31;
	vm14 =	vlt.s32 v27, $0x3E8;
	v33 =	vmul.f32 $1.000000000e+03, v28;
	v10 =	vld.idx.msk [tilespmem:v60+s15+$0x0], $0xffff  }
0x3b3: {  	vm15 =	vlt.s32 v25, $0x3E8;
	v36 =	vnsel vm14, $0x3E8, v27;
	v29 =	vmul.f32 $1.000000000e+03, v17  }
0x3b4: {  	v63 =	vtrunc.f32 v34;
	v30 =	vld.idx.msk [tilespmem:v60+s0+$0x0], $0xffff;
	v17 =	vadd.s32 $0x1B5F, v61;
	v35 =	vtrunc.f32 v33  }
0x3b5: {  	[tilespmem:s4+$0x136C0] =	vst v59;
	s1 =	simm.s32 $0x100;
	v28 =	vnsel vm15, $0x3E8, v25;
	v32 =	vcvt.f32.s32 v63;
	v31 =	vtrunc.f32 v29  }
.LBB2_8:
0x3b6: {  	s11 =	sadd.s32 $0x40, s11;
	v35 =	vcvt.f32.s32 v35;
	v31 =	vcvt.f32.s32 v31;
	s23 =	sadd.s32 $0x200, s23;
	v36 =	vadd.s32 $0x1B5F, v36  }
0x3b7: {  	s2 =	sand.u32 $0x40, s11;
	s10 =	sand.u32 $0x3C00, s23;
	p0 =	slt.u32 s11, $0x7C0;
	v38 =	vcvt.s32.f32 v32;
	vm0 =	vlt.s32 v32, $0x3E8;
	v37 =	vmul.f32 v37, v10  }
0x3b8: {  	s14 =	sadd.s32 $0x7E90, s10;
	s7 =	sor.u32 $0x10, s2;
	s3 =	sor.u32 $0x30, s2;
	vm1 =	vlt.s32 v35, $0x3E8;
	v32 =	vnsel vm0, $0x3E8, v32;
	vm0 =	vlt.s32 v31, $0x3E8  }
0x3b9: {  	s9 =	sor.u32 $0x20, s2;
	s17 =	sadd.s32 s7, s14;
	s18 =	sadd.s32 s3, s14;
	v39 =	vnsel vm1, $0x3E8, v35;
	v40 =	vnsel vm0, $0x3E8, v31;
	v30 =	vadd.f32 v37, v30;
	v37 =	vld.idx.msk [tilespmem:v17+s15+$0x0], $0xffff  }
0x3ba: {  	s19 =	sor.u32 s2, s14;
	s20 =	sor.u32 s9, s14;
	s14 =	sor.u32 $0x8110, s13;
	v32 =	vadd.s32 $0xFA4, v32;
	v41 =	vld [tilespmem:s18+$0x0];
	v39 =	vadd.s32 $0xFA4, v39;
	v40 =	vadd.s32 $0xFA4, v40  }
0x3bb: {  	v35 =	vcvt.s32.f32 v35;
	v34 =	vsub.f32 v34, v38;
	v31 =	vcvt.s32.f32 v31;
	s18 =	sadd.s32 s6, s14;
	s21 =	sadd.s32 s8, s14;
	v42 =	vld [tilespmem:s17+$0x0];
	s17 =	sor.u32 s12, s14;
	[tilespmem:s16+$0x11EC0] =	vst v30  }
0x3bc: {  	v28 =	vadd.s32 $0x1B5F, v28;
	v43 =	vcvt.s32.f32 v27;
	v38 =	vcvt.s32.f32 v25;
	s14 =	sor.u32 s5, s14;
	v30 =	vld [tilespmem:s21+$0x0]  }
0x3bd: {  	v27 =	vmul.f32 v20, v21;
	v33 =	vsub.f32 v33, v35;
	v20 =	vsub.f32 v29, v31;
	v44 =	vld [tilespmem:s20+$0x0]  }
0x3be: {  	v23 =	vsub.f32 v23, v43;
	v25 =	vmul.f32 v22, v9;
	v9 =	vsub.f32 v24, v26;
	v21 =	vld [tilespmem:s19+$0x0]  }
0x3bf: {  	v24 =	vsub.f32 v18, v38;
	v31 =	vmul.f32 $1.000000000e+03, v37;
	v26 =	vmul.f32 $1.000000000e+03, v41;
	v29 =	vld.idx.msk [tilespmem:v32+s15+$0x0], $0xffff  }
0x3c0: {  	v9 =	vmul.f32 v9, v37;
	v18 =	vmul.f32 $1.000000000e+03, v42;
	v35 =	vld.idx.msk [tilespmem:v40+s15+$0x0], $0xffff  }
0x3c1: {  	v22 =	vtrunc.f32 v26;
	v37 =	vld.idx.msk [tilespmem:v39+s15+$0x0], $0xffff;
	v30 =	vmul.f32 $1.000000000e+03, v30  }
0x3c2: {  	v38 =	vmul.f32 $1.000000000e+03, v44;
	v41 =	vcvt.f32.s32 v22;
	v32 =	vld.idx.msk [tilespmem:v32+s0+$0x0], $0xffff  }
0x3c3: {  	v21 =	vmul.f32 $1.000000000e+03, v21;
	v40 =	vld.idx.msk [tilespmem:v40+s0+$0x0], $0xffff;
	v22 =	vtrunc.f32 v30  }
0x3c4: {  	v42 =	vtrunc.f32 v18;
	vm0 =	vlt.s32 v41, $0x3E8;
	v39 =	vld.idx.msk [tilespmem:v39+s0+$0x0], $0xffff;
	v43 =	vcvt.f32.s32 v22  }
0x3c5: {  	v44 =	vtrunc.f32 v38;
	v22 =	vtrunc.f32 v21;
	v45 =	vnsel vm0, $0x3E8, v41;
	v46 =	vld.idx.msk [tilespmem:v36+s15+$0x0], $0xffff  }
0x3c6: {  	v42 =	vcvt.f32.s32 v42;
	v44 =	vcvt.f32.s32 v44;
	vm0 =	vlt.s32 v43, $0x3E8;
	v47 =	vld.idx.msk [tilespmem:v28+s15+$0x0], $0xffff  }
0x3c7: {  	v34 =	vmul.f32 v34, v29;
	v48 =	vcvt.f32.s32 v22;
	v22 =	vnsel vm0, $0x3E8, v43;
	v49 =	vld.idx.msk [tilespmem:v17+s0+$0x0], $0xffff  }
0x3c8: {  	vm0 =	vlt.s32 v42, $0x3E8;
	vm1 =	vlt.s32 v44, $0x3E8;
	v50 =	vadd.s32 $0x138D, v22;
	v36 =	vld.idx.msk [tilespmem:v36+s0+$0x0], $0xffff  }
0x3c9: {  	vm2 =	vlt.s32 v48, $0x3E8;
	v51 =	vnsel vm0, $0x3E8, v42;
	v52 =	vnsel vm1, $0x3E8, v44;
	v28 =	vld.idx.msk [tilespmem:v28+s0+$0x0], $0xffff  }
0x3ca: {  	v17 =	vcvt.s32.f32 v42;
	v42 =	vcvt.s32.f32 v44;
	v53 =	vnsel vm2, $0x3E8, v48;
	v22 =	vld.idx.msk [tilespmem:v45+s15+$0x0], $0xffff  }
0x3cb: {  	v20 =	vmul.f32 v20, v35;
	v32 =	vadd.f32 v34, v32;
	v44 =	vcvt.s32.f32 v48  }
0x3cc: {  	v34 =	vsub.f32 v18, v17;
	v17 =	vcvt.s32.f32 v41;
	v38 =	vsub.f32 v38, v42;
	v41 =	vld.idx.msk [tilespmem:v45+s0+$0x0], $0xffff  }
0x3cd: {  	v20 =	vadd.f32 v20, v40;
	v18 =	vmul.f32 v33, v37;
	v42 =	vsub.f32 v21, v44;
	v21 =	vld.idx.msk [tilespmem:v50+s15+$0x0], $0xffff  }
0x3ce: {  	v40 =	vmul.f32 $1.000000000e+03, v46;
	v26 =	vsub.f32 v26, v17;
	v33 =	vld.idx.msk [tilespmem:v51+s15+$0x0], $0xffff;
	[tilespmem:s16+$0x11EA0] =	vst v32;
	v32 =	vmul.f32 $1.000000000e+03, v47  }
0x3cf: {  	v39 =	vadd.f32 v18, v39;
	v17 =	vmul.f32 $1.000000000e+03, v29;
	v29 =	vcvt.s32.f32 v43;
	[tilespmem:s16+$0x11EB0] =	vst v20;
	v43 =	vld.idx.msk [tilespmem:v50+s0+$0x0], $0xffff  }
0x3d0: {  	v18 =	vmul.f32 $1.000000000e+03, v35;
	v9 =	vadd.f32 v9, v49;
	v26 =	vmul.f32 v26, v22;
	v44 =	vld.idx.msk [tilespmem:v52+s15+$0x0], $0xffff  }
0x3d1: {  	v16 =	vmul.f32 v31, v16;
	v29 =	vsub.f32 v30, v29;
	v20 =	vmul.f32 $1.000000000e+03, v37;
	v35 =	vld.idx.msk [tilespmem:v53+s15+$0x0], $0xffff;
	[tilespmem:s16+$0x11E90] =	vst v39  }
0x3d2: {  	s1 =	sadd.s32 $0x100, s1;
	v14 =	vmul.f32 v40, v14;
	v13 =	vmul.f32 v32, v13;
	v26 =	vadd.f32 v26, v41;
	v30 =	vld.idx.msk [tilespmem:v51+s0+$0x0], $0xffff  }
0x3d3: {  	s21 =	sshra.s32 s1, $0x2;
	s19 =	sadd.s32 $0x7F10, s10;
	v32 =	vmul.f32 v16, v15;
	v29 =	vmul.f32 v29, v21;
	v31 =	vld.idx.msk [tilespmem:v52+s0+$0x0], $0xffff;
	[tilespmem:s4+$0x136A0] =	vst v9  }
0x3d4: {  	s22 =	sadd.s32 s7, s19;
	s24 =	sor.u32 s9, s19;
	s20 =	sadd.s32 s3, s19;
	v16 =	vmul.f32 v34, v33;
	v9 =	vmul.f32 $1.000000000e+03, v33;
	v37 =	vld.idx.msk [tilespmem:v53+s0+$0x0], $0xffff;
	[tilespmem:s21+$0xFEC0] =	vst v26  }
0x3d5: {  	s25 =	sor.u32 s2, s19;
	v11 =	vmul.f32 v13, v11;
	v13 =	vmul.f32 v14, v12;
	v29 =	vadd.f32 v29, v43;
	v26 =	vld [tilespmem:s20+$0x0]  }
0x3d6: {  	s26 =	sor.u32 $0x8190, s13;
	v14 =	vmul.f32 v38, v44;
	v12 =	vmul.f32 $1.000000000e+03, v44;
	v33 =	vld [tilespmem:s18+$0x0]  }
0x3d7: {  	s19 =	sor.u32 s12, s26;
	s20 =	sadd.s32 s6, s26;
	v34 =	vmul.f32 v42, v35;
	v15 =	vmul.f32 $1.000000000e+03, v35;
	v35 =	vld [tilespmem:s17+$0x0];
	[tilespmem:s16+$0x126C0] =	vst v29;
	s17 =	sadd.s32 s8, s26  }
0x3d8: {  	v23 =	vmul.f32 v23, v46;
	v24 =	vmul.f32 v24, v47;
	s18 =	sor.u32 s5, s26;
	v29 =	vadd.f32 v16, v30;
	v30 =	vld [tilespmem:s17+$0x0]  }
0x3d9: {  	v16 =	vmul.f32 v27, v6;
	v6 =	vmul.f32 v19, v7;
	v14 =	vadd.f32 v14, v31;
	v31 =	vld [tilespmem:s14+$0x0]  }
0x3da: {  	v7 =	vadd.f32 v34, v37;
	[tilespmem:s21+$0xFEA0] =	vst v29;
	v19 =	vmul.f32 $1.000000000e+03, v26;
	v26 =	vmul.f32 v32, v1;
	v1 =	vmovc v25  }
0x3db: {  	v13 =	vmul.f32 v13, v3;
	v3 =	vmovc v6;
	v25 =	vld [tilespmem:s22+$0x0];
	[tilespmem:s21+$0xFEB0] =	vst v14;
	v27 =	vmul.f32 $1.000000000e+03, v33;
	v14 =	vadd.f32 v23, v36  }
0x3dc: {  	v24 =	vadd.f32 v24, v28;
	[tilespmem:s21+$0xFE90] =	vst v7;
	v6 =	vld [tilespmem:s24+$0x0];
	v7 =	vtrunc.f32 v19;
	v23 =	vmul.f32 $1.000000000e+03, v35  }
0x3dd: {  	v28 =	vld [tilespmem:s25+$0x0];
	v7 =	vcvt.f32.s32 v7;
	v29 =	vmul.f32 $1.000000000e+03, v30;
	[tilespmem:s4+$0x146A0] =	vst v26  }
0x3de: {  	v30 =	vtrunc.f32 v27;
	v26 =	vmul.f32 $1.000000000e+03, v31;
	[tilespmem:s4+$0x146B0] =	vst v13  }
0x3df: {  	v31 =	vtrunc.f32 v23;
	vm0 =	vlt.s32 v7, $0x3E8;
	v13 =	vtrunc.f32 v29;
	[tilespmem:s4+$0x136B0] =	vst v14  }
0x3e0: {  	v25 =	vmul.f32 $1.000000000e+03, v25;
	v14 =	vnsel vm0, $0x3E8, v7;
	v32 =	vcvt.f32.s32 v13;
	[tilespmem:s4+$0x13690] =	vst v24  }
0x3e1: {  	v24 =	vtrunc.f32 v26;
	v6 =	vmul.f32 $1.000000000e+03, v6;
	v13 =	vadd.s32 $0x3E9, v14  }
0x3e2: {  	v28 =	vmul.f32 $1.000000000e+03, v28;
	v14 =	vtrunc.f32 v25;
	vm0 =	vlt.s32 v32, $0x3E8  }
0x3e3: {  	v14 =	vcvt.f32.s32 v14;
	v33 =	vtrunc.f32 v6;
	v34 =	vnsel vm0, $0x3E8, v32  }
0x3e4: {  	v35 =	vtrunc.f32 v28;
	v33 =	vcvt.f32.s32 v33;
	v34 =	vadd.s32 $0x1776, v34  }
0x3e5: {  	v35 =	vcvt.f32.s32 v35;
	v36 =	vcvt.s32.f32 v14;
	vm0 =	vlt.s32 v14, $0x3E8  }
0x3e6: {  	v37 =	vnsel vm0, $0x3E8, v14;
	v38 =	vcvt.s32.f32 v33;
	vm0 =	vlt.s32 v33, $0x3E8;
	v14 =	vld.idx.msk [tilespmem:v13+s15+$0x0], $0xffff  }
0x3e7: {  	vm1 =	vlt.s32 v35, $0x3E8;
	v37 =	vadd.s32 $0x3E9, v37;
	v33 =	vnsel vm0, $0x3E8, v33  }
0x3e8: {  	v7 =	vcvt.s32.f32 v7;
	v39 =	vnsel vm1, $0x3E8, v35;
	v33 =	vadd.s32 $0x3E9, v33;
	v40 =	vld.idx.msk [tilespmem:v13+s0+$0x0], $0xffff  }
0x3e9: {  	v25 =	vsub.f32 v25, v36;
	v35 =	vcvt.s32.f32 v35;
	v39 =	vadd.s32 $0x3E9, v39;
	v13 =	vld.idx.msk [tilespmem:v34+s15+$0x0], $0xffff  }
0x3ea: {  	v7 =	vsub.f32 v19, v7;
	v19 =	vcvt.f32.s32 v30;
	v6 =	vsub.f32 v6, v38  }
0x3eb: {  	v30 =	vcvt.f32.s32 v31;
	v31 =	vcvt.s32.f32 v32;
	v28 =	vsub.f32 v28, v35;
	v32 =	vld.idx.msk [tilespmem:v34+s0+$0x0], $0xffff  }
0x3ec: {  	v24 =	vcvt.f32.s32 v24;
	vm0 =	vlt.s32 v19, $0x3E8;
	v7 =	vmul.f32 v7, v14;
	v34 =	vld.idx.msk [tilespmem:v37+s15+$0x0], $0xffff  }
0x3ed: {  	v29 =	vsub.f32 v29, v31;
	v36 =	vnsel vm0, $0x3E8, v19;
	vm0 =	vlt.s32 v30, $0x3E8;
	v35 =	vld.idx.msk [tilespmem:v33+s15+$0x0], $0xffff  }
0x3ee: {  	vm1 =	vlt.s32 v24, $0x3E8;
	v38 =	vnsel vm0, $0x3E8, v30;
	v7 =	vadd.f32 v7, v40;
	v31 =	vld.idx.msk [tilespmem:v39+s15+$0x0], $0xffff  }
0x3ef: {  	s14 =	sadd.s32 $0x7F90, s10;
	v36 =	vadd.s32 $0x138D, v36;
	v40 =	vnsel vm1, $0x3E8, v24;
	v29 =	vmul.f32 v29, v13;
	v37 =	vld.idx.msk [tilespmem:v37+s0+$0x0], $0xffff  }
0x3f0: {  	s17 =	sadd.s32 s3, s14;
	s22 =	sadd.s32 s7, s14;
	s24 =	sor.u32 s9, s14;
	v40 =	vadd.s32 $0x138D, v40;
	v33 =	vld.idx.msk [tilespmem:v33+s0+$0x0], $0xffff;
	[tilespmem:s21+$0x106C0] =	vst v7;
	v7 =	vcvt.s32.f32 v19;
	v19 =	vadd.s32 $0x138D, v38  }
0x3f1: {  	s25 =	sor.u32 s2, s14;
	v30 =	vcvt.s32.f32 v30;
	v24 =	vcvt.s32.f32 v24;
	v29 =	vadd.f32 v29, v32;
	v38 =	vld [tilespmem:s17+$0x0]  }
0x3f2: {  	s14 =	sor.u32 $0x8210, s13;
	s13 =	smov.u32 s10;
	v25 =	vmul.f32 v25, v34;
	v34 =	vmul.f32 $1.000000000e+03, v34;
	v32 =	vld.idx.msk [tilespmem:v39+s0+$0x0], $0xffff;
	v27 =	vsub.f32 v27, v7  }
0x3f3: {  	s10 =	sor.u32 s12, s14;
	v23 =	vsub.f32 v23, v30;
	v24 =	vsub.f32 v26, v24;
	s17 =	sadd.s32 s6, s14;
	s6 =	sadd.s32 s8, s14;
	v6 =	vmul.f32 v6, v35;
	[tilespmem:s16+$0x12EC0] =	vst v29  }
0x3f4: {  	s14 =	sor.u32 s5, s14;
	s5 =	smov.u32 s2;
	v7 =	vmul.f32 $1.000000000e+03, v35;
	v26 =	vmul.f32 v28, v31;
	v28 =	vld [tilespmem:s6+$0x0];
	s6 =	smov.u32 s7  }
0x3f5: {  	s12 =	smov.u32 s9;
	s8 =	smov.u32 s3;
	v29 =	vmul.f32 $1.000000000e+03, v31;
	v9 =	vmul.f32 v34, v9;
	v25 =	vadd.f32 v25, v37;
	v30 =	vld.idx.msk [tilespmem:v36+s15+$0x0], $0xffff  }
0x3f6: {  	v7 =	vmul.f32 v7, v12;
	v31 =	vadd.f32 v6, v33;
	v33 =	vmul.f32 $1.000000000e+03, v38;
	v12 =	vld.idx.msk [tilespmem:v19+s15+$0x0], $0xffff  }
0x3f7: {  	v11 =	vmul.f32 v11, v2;
	v2 =	vmov v16;
	v6 =	vmul.f32 v29, v15;
	[tilespmem:s21+$0x106A0] =	vst v25;
	v15 =	vld.idx.msk [tilespmem:v40+s15+$0x0], $0xffff  }
0x3f8: {  	v16 =	vadd.f32 v26, v32;
	v25 =	vld [tilespmem:s22+$0x0];
	[tilespmem:s21+$0x106B0] =	vst v31;
	v26 =	vtrunc.f32 v33  }
0x3f9: {  	v29 =	vld [tilespmem:s24+$0x0];
	v26 =	vcvt.f32.s32 v26;
	v28 =	vmul.f32 $1.000000000e+03, v28;
	[tilespmem:s4+$0x14690] =	vst v11;
	s4 =	smov.u32 s16;
	s16 =	smov.u32 s21  }
0x3fa: {  	[tilespmem:s16+$0x10690] =	vst v16;
	v16 =	vld.idx.msk [tilespmem:v36+s0+$0x0], $0xffff  }
0x3fb: {  	v27 =	vmul.f32 v27, v30;
	v31 =	vld [tilespmem:s25+$0x0];
	vm0 =	vlt.s32 v26, $0x3E8;
	v11 =	vtrunc.f32 v28  }
0x3fc: {  	v23 =	vmul.f32 v23, v12;
	v32 =	vnsel vm0, $0x3E8, v26;
	v19 =	vld.idx.msk [tilespmem:v19+s0+$0x0], $0xffff;
	v34 =	vcvt.f32.s32 v11  }
0x3fd: {  	v24 =	vmul.f32 v24, v15;
	v25 =	vmul.f32 $1.000000000e+03, v25;
	v32 =	vadd.s32 $0x7D2, v32;
	v35 =	vld.idx.msk [tilespmem:v40+s0+$0x0], $0xffff  }
0x3fe: {  	v29 =	vmul.f32 $1.000000000e+03, v29;
	v36 =	vcvt.s32.f32 v34;
	vm0 =	vlt.s32 v34, $0x3E8  }
0x3ff: {  	v11 =	vmul.f32 $1.000000000e+03, v30;
	v37 =	vtrunc.f32 v25;
	v30 =	vnsel vm0, $0x3E8, v34  }
0x400: {  	v31 =	vmul.f32 $1.000000000e+03, v31;
	v34 =	vtrunc.f32 v29;
	v30 =	vadd.s32 $0x1B5F, v30  }
0x401: {  	v16 =	vadd.f32 v27, v16;
	v37 =	vcvt.f32.s32 v37;
	v34 =	vcvt.f32.s32 v34  }
0x402: {  	v12 =	vmul.f32 $1.000000000e+03, v12;
	v19 =	vadd.f32 v23, v19;
	v27 =	vtrunc.f32 v31;
	v38 =	vld.idx.msk [tilespmem:v32+s15+$0x0], $0xffff  }
0x403: {  	vm0 =	vlt.s32 v37, $0x3E8;
	v27 =	vcvt.f32.s32 v27;
	vm1 =	vlt.s32 v34, $0x3E8;
	[tilespmem:s4+$0x126A0] =	vst v16  }
0x404: {  	v26 =	vcvt.s32.f32 v26;
	v16 =	vnsel vm0, $0x3E8, v37;
	v23 =	vnsel vm1, $0x3E8, v34;
	v32 =	vld.idx.msk [tilespmem:v32+s0+$0x0], $0xffff;
	[tilespmem:s4+$0x126B0] =	vst v19  }
0x405: {  	v16 =	vadd.s32 $0x7D2, v16;
	vm0 =	vlt.s32 v27, $0x3E8;
	v39 =	vadd.s32 $0x7D2, v23;
	v19 =	vld.idx.msk [tilespmem:v30+s15+$0x0], $0xffff  }
0x406: {  	v26 =	vsub.f32 v33, v26;
	v37 =	vcvt.s32.f32 v37;
	v23 =	vnsel vm0, $0x3E8, v27;
	v33 =	vld [tilespmem:s20+$0x0]  }
0x407: {  	v41 =	vmul.f32 $1.000000000e+03, v0;
	v0 =	vmovc v22;
	v40 =	vadd.s32 $0x7D2, v23;
	v23 =	vcvt.s32.f32 v34;
	v34 =	vld [tilespmem:s19+$0x0]  }
0x408: {  	v25 =	vsub.f32 v25, v37;
	v37 =	vmul.f32 $1.000000000e+03, v4;
	v4 =	vmovc v14;
	v26 =	vmul.f32 v26, v38  }
0x409: {  	v8 =	vmul.f32 $1.000000000e+03, v8;
	v14 =	vsub.f32 v29, v23;
	v29 =	vmul.f32 $1.000000000e+03, v5;
	v5 =	vmovc v38  }
0x40a: {  	v26 =	vadd.f32 v26, v32;
	v32 =	vmul.f32 $1.000000000e+03, v10;
	v38 =	vmul.f32 $1.000000000e+03, v21;
	v22 =	vld.idx.msk [tilespmem:v16+s15+$0x0], $0xffff  }
0x40b: {  	v13 =	vmul.f32 $1.000000000e+03, v13;
	s2 =	sor.u32 $0x8010, s13;
	v10 =	vadd.f32 v24, v35;
	v24 =	vmul.f32 $1.000000000e+03, v19;
	v21 =	vld.idx.msk [tilespmem:v39+s15+$0x0], $0xffff  }
0x40c: {  	s9 =	sadd.s32 s8, s2;
	s7 =	sor.u32 s12, s2;
	s3 =	sadd.s32 s6, s2;
	v8 =	vmul.f32 v8, v29;
	v23 =	vld.idx.msk [tilespmem:v40+s15+$0x0], $0xffff;
	[tilespmem:s16+$0x10EC0] =	vst v26;
	v26 =	vmul.f32 v37, v41  }
0x40d: {  	s2 =	sor.u32 s5, s2;
	v13 =	vmul.f32 v24, v13;
	v29 =	vld [tilespmem:s9+$0x0];
	[tilespmem:s4+$0x12690] =	vst v10;
	v10 =	vsub.f32 v28, v36;
	v28 =	vmul.f32 v38, v32  }
0x40e: {  	v24 =	vcvt.s32.f32 v27;
	v27 =	vmul.f32 $1.000000000e+03, v33;
	v16 =	vld.idx.msk [tilespmem:v16+s0+$0x0], $0xffff  }
0x40f: {  	v8 =	vmul.f32 v8, v26;
	v32 =	vld.idx.msk [tilespmem:v39+s0+$0x0], $0xffff;
	v13 =	vmul.f32 v13, v28  }
0x410: {  	v24 =	vsub.f32 v31, v24;
	v25 =	vmul.f32 v25, v22;
	v28 =	vmul.f32 $1.000000000e+03, v34;
	v26 =	vld.idx.msk [tilespmem:v40+s0+$0x0], $0xffff  }
0x411: {  	v14 =	vmul.f32 v14, v21;
	v31 =	vld [tilespmem:s18+$0x0];
	v8 =	vmul.f32 v13, v8  }
0x412: {  	v13 =	vmul.f32 v24, v23;
	v29 =	vmul.f32 $1.000000000e+03, v29  }
0x413: {  	v33 =	vtrunc.f32 v27;
	v34 =	vtrunc.f32 v28;
	v24 =	vld.idx.msk [tilespmem:v30+s0+$0x0], $0xffff;
	[tilespmem:s4+$0x146C0] =	vst v8  }
0x414: {  	v8 =	vadd.f32 v25, v16;
	v25 =	vcvt.f32.s32 v33;
	v16 =	vtrunc.f32 v29  }
0x415: {  	v30 =	vcvt.f32.s32 v34;
	v14 =	vadd.f32 v14, v32;
	v16 =	vcvt.f32.s32 v16  }
0x416: {  	v13 =	vadd.f32 v13, v26;
	vm0 =	vlt.s32 v25, $0x3E8;
	[tilespmem:s16+$0x10EA0] =	vst v8;
	v26 =	vmul.f32 $1.000000000e+03, v31  }
0x417: {  	v8 =	vld [tilespmem:s3+$0x0];
	[tilespmem:s16+$0x10EB0] =	vst v14;
	vm1 =	vlt.s32 v16, $0x3E8;
	v14 =	vnsel vm0, $0x3E8, v25;
	vm0 =	vlt.s32 v30, $0x3E8  }
0x418: {  	[tilespmem:s16+$0x10E90] =	vst v13;
	v13 =	vld [tilespmem:s7+$0x0];
	v31 =	vnsel vm1, $0x3E8, v16;
	v32 =	vtrunc.f32 v26;
	v33 =	vnsel vm0, $0x3E8, v30  }
0x419: {  	v14 =	vadd.s32 $0x1776, v14;
	v34 =	vld [tilespmem:s2+$0x0];
	v31 =	vadd.s32 $0xBBB, v31;
	v32 =	vcvt.f32.s32 v32  }
0x41a: {  	v25 =	vcvt.s32.f32 v25;
	v30 =	vcvt.s32.f32 v30;
	v33 =	vadd.s32 $0x1776, v33  }
0x41b: {  	v35 =	vmul.f32 $1.000000000e+03, v15;
	v15 =	vcvt.s32.f32 v32;
	vm0 =	vlt.s32 v32, $0x3E8  }
0x41c: {  	v25 =	vsub.f32 v27, v25;
	v36 =	vmul.f32 $1.000000000e+03, v8;
	v8 =	vnsel vm0, $0x3E8, v32  }
0x41d: {  	v28 =	vsub.f32 v28, v30;
	v13 =	vmul.f32 $1.000000000e+03, v13;
	v27 =	vadd.s32 $0x1776, v8  }
0x41e: {  	v15 =	vsub.f32 v26, v15;
	v30 =	vmul.f32 $1.000000000e+03, v34;
	v32 =	vtrunc.f32 v36;
	v8 =	vld.idx.msk [tilespmem:v31+s15+$0x0], $0xffff  }
0x41f: {  	v26 =	vcvt.f32.s32 v32;
	v32 =	vtrunc.f32 v13;
	v34 =	vld.idx.msk [tilespmem:v14+s15+$0x0], $0xffff  }
0x420: {  	v16 =	vcvt.s32.f32 v16;
	v37 =	vtrunc.f32 v30;
	v31 =	vld.idx.msk [tilespmem:v31+s0+$0x0], $0xffff  }
0x421: {  	v32 =	vcvt.f32.s32 v32;
	v37 =	vcvt.f32.s32 v37;
	vm0 =	vlt.s32 v26, $0x3E8;
	v38 =	vld.idx.msk [tilespmem:v33+s15+$0x0], $0xffff  }
0x422: {  	v16 =	vsub.f32 v29, v16;
	v39 =	vcvt.s32.f32 v26;
	v26 =	vnsel vm0, $0x3E8, v26;
	v29 =	vld.idx.msk [tilespmem:v27+s15+$0x0], $0xffff  }
0x423: {  	vm1 =	vlt.s32 v32, $0x3E8;
	vm0 =	vlt.s32 v37, $0x3E8;
	v26 =	vadd.s32 $0xBBB, v26;
	v14 =	vld.idx.msk [tilespmem:v14+s0+$0x0], $0xffff  }
0x424: {  	v41 =	vnsel vm1, $0x3E8, v32;
	v16 =	vmul.f32 v16, v8;
	v40 =	vnsel vm0, $0x3E8, v37;
	v33 =	vld.idx.msk [tilespmem:v33+s0+$0x0], $0xffff  }
0x425: {  	v32 =	vcvt.s32.f32 v32;
	v41 =	vadd.s32 $0xBBB, v41;
	v40 =	vadd.s32 $0xBBB, v40;
	v27 =	vld.idx.msk [tilespmem:v27+s0+$0x0], $0xffff  }
0x426: {  	v36 =	vsub.f32 v36, v39;
	v37 =	vcvt.s32.f32 v37;
	v16 =	vadd.f32 v16, v31  }
0x427: {  	s3 =	sor.u32 $0x8090, s13;
	v25 =	vmul.f32 v25, v34;
	v31 =	vsub.f32 v13, v32;
	v28 =	vmul.f32 v28, v38  }
0x428: {  	s7 =	sadd.s32 s6, s3;
	s9 =	sadd.s32 s8, s3;
	s2 =	sor.u32 s12, s3;
	v30 =	vsub.f32 v30, v37;
	v15 =	vmul.f32 v15, v29;
	v32 =	vld.idx.msk [tilespmem:v26+s15+$0x0], $0xffff;
	[tilespmem:s16+$0x116C0] =	vst v16;
	v16 =	vmul.f32 $1.000000000e+03, v34  }
0x429: {  	s3 =	sor.u32 s5, s3;
	v13 =	vmul.f32 $1.000000000e+03, v29;
	v25 =	vadd.f32 v25, v14;
	v14 =	vmul.f32 $1.000000000e+03, v38;
	v34 =	vld [tilespmem:s9+$0x0]  }
0x42a: {  	v22 =	vmul.f32 $1.000000000e+03, v22;
	v29 =	vmul.f32 $1.000000000e+03, v21;
	v28 =	vadd.f32 v28, v33;
	v37 =	vld.idx.msk [tilespmem:v41+s15+$0x0], $0xffff  }
0x42b: {  	v21 =	vmul.f32 $1.000000000e+03, v23;
	v27 =	vadd.f32 v15, v27;
	v15 =	vmul.f32 v11, v17;
	v23 =	vld.idx.msk [tilespmem:v40+s15+$0x0], $0xffff;
	[tilespmem:s4+$0x12EA0] =	vst v25  }
0x42c: {  	v12 =	vmul.f32 v12, v18;
	v11 =	vmul.f32 v35, v20;
	v17 =	vld.idx.msk [tilespmem:v26+s0+$0x0], $0xffff;
	[tilespmem:s4+$0x12EB0] =	vst v28  }
0x42d: {  	v10 =	vmul.f32 v10, v19;
	v18 =	vld.idx.msk [tilespmem:v41+s0+$0x0], $0xffff;
	[tilespmem:s4+$0x12E90] =	vst v27  }
0x42e: {  	v25 =	vmul.f32 v36, v32;
	v19 =	vld.idx.msk [tilespmem:v40+s0+$0x0], $0xffff;
	v38 =	vmul.f32 $1.000000000e+03, v34  }
0x42f: {  	v10 =	vadd.f32 v10, v24;
	v26 =	vmul.f32 $1.000000000e+03, v32;
	v27 =	vld [tilespmem:s17+$0x0]  }
0x430: {  	v24 =	vmul.f32 v31, v37;
	v20 =	vtrunc.f32 v38;
	v28 =	vld [tilespmem:s10+$0x0]  }
0x431: {  	v30 =	vmul.f32 v30, v23;
	v31 =	vcvt.f32.s32 v20;
	v32 =	vld [tilespmem:s14+$0x0];
	[tilespmem:s4+$0x136C0] =	vst v10  }
0x432: {  	v20 =	vmul.f32 $1.000000000e+03, v23;
	v10 =	vadd.f32 v25, v17;
	v17 =	vmul.f32 $1.000000000e+03, v37  }
0x433: {  	v22 =	vmul.f32 v26, v22;
	v18 =	vadd.f32 v24, v18;
	vm0 =	vlt.s32 v31, $0x3E8  }
0x434: {  	v25 =	vadd.f32 v30, v19;
	[tilespmem:s16+$0x116A0] =	vst v10;
	v10 =	vnsel vm0, $0x3E8, v31;
	v24 =	vmul.f32 $1.000000000e+03, v27  }
0x435: {  	v19 =	vmul.f32 v17, v29;
	v30 =	vld [tilespmem:s7+$0x0];
	[tilespmem:s16+$0x116B0] =	vst v18;
	v17 =	vadd.s32 $0xFA4, v10;
	v23 =	vmul.f32 $1.000000000e+03, v28  }
0x436: {  	[tilespmem:s16+$0x11690] =	vst v25;
	v28 =	vld [tilespmem:s2+$0x0];
	v18 =	vmul.f32 $1.000000000e+03, v32;
	v10 =	vtrunc.f32 v24  }
0x437: {  	v32 =	vld [tilespmem:s3+$0x0];
	v29 =	vcvt.f32.s32 v10;
	v10 =	vtrunc.f32 v23  }
0x438: {  	v25 =	vtrunc.f32 v18;
	v27 =	vcvt.f32.s32 v10  }
0x439: {  	v25 =	vcvt.f32.s32 v25;
	v26 =	vcvt.s32.f32 v29;
	vm0 =	vlt.s32 v29, $0x3E8  }
.Ltmp3:
0x43a: {  	v34 =	vmul.f32 $1.000000000e+03, v30;
	v10 =	vld.idx.msk [tilespmem:v17+s15+$0x0], $0xffff;
	v35 =	vnsel vm0, $0x3E8, v29;
	vm0 =	vlt.s32 v27, $0x3E8;
	(pc) =	sbr.rel @p0 .LBB2_8-.Ltmp3, $4  }
0x43b: {  	v29 =	vmul.f32 $1.000000000e+03, v28;
	vm1 =	vlt.s32 v25, $0x3E8;
	v36 =	vnsel vm0, $0x3E8, v27  }
0x43c: {  	v37 =	vcvt.s32.f32 v31;
	v33 =	vmul.f32 $1.000000000e+03, v32;
	v30 =	vld.idx.msk [tilespmem:v17+s0+$0x0], $0xffff;
	v28 =	vnsel vm1, $0x3E8, v25  }
0x43d: {  	v32 =	vtrunc.f32 v34;
	v17 =	vadd.s32 $0x1B5F, v35;
	v31 =	vtrunc.f32 v29  }
0x43e: {  	v37 =	vsub.f32 v38, v37;
	v32 =	vcvt.f32.s32 v32;
	v35 =	vtrunc.f32 v33  }
0x43f: {  	_ = 	snop  }
0x440: {  	v59 =	vcvt.f32.s32 v31;
	v37 =	vmul.f32 v37, v10  }
0x441: {  	v35 =	vcvt.f32.s32 v35  }
0x442: {  	vm15 =	vlt.s32 v59, $0x3E8;
	v30 =	vadd.f32 v37, v30  }
0x443: {  	s1 =	sor.u32 $0x8110, s13;
	vm1 =	vlt.s32 v35, $0x3E8;
	v38 =	vnsel vm15, $0x3E8, v59  }
0x444: {  	s2 =	sadd.s32 s8, s1;
	v61 =	vnsel vm1, $0x3E8, v35;
	v38 =	vadd.s32 $0xFA4, v38;
	[tilespmem:s16+$0x11EC0] =	vst v30  }
0x445: {  	v40 =	vadd.s32 $0xFA4, v61;
	v30 =	vld [tilespmem:s2+$0x0]  }
0x446: {  	vm0 =	vlt.s32 v32, $0x3E8  }
0x447: {  	v60 =	vnsel vm0, $0x3E8, v32  }
0x448: {  	v39 =	vadd.s32 $0xFA4, v60  }
0x449: {  	v31 =	vld.idx.msk [tilespmem:v38+s15+$0x0], $0xffff  }
0x44a: {  	v43 =	vcvt.s32.f32 v32;
	v32 =	vld.idx.msk [tilespmem:v40+s15+$0x0], $0xffff;
	v41 =	vmul.f32 $1.000000000e+03, v30  }
0x44b: {  	v37 =	vcvt.s32.f32 v59;
	v38 =	vld.idx.msk [tilespmem:v38+s0+$0x0], $0xffff  }
0x44c: {  	v35 =	vcvt.s32.f32 v35;
	v45 =	vld.idx.msk [tilespmem:v40+s0+$0x0], $0xffff;
	v62 =	vtrunc.f32 v41  }
0x44d: {  	v29 =	vsub.f32 v29, v37;
	v30 =	vld.idx.msk [tilespmem:v39+s15+$0x0], $0xffff;
	v42 =	vcvt.f32.s32 v62  }
0x44e: {  	v33 =	vsub.f32 v33, v35  }
0x44f: {  	v39 =	vld.idx.msk [tilespmem:v39+s0+$0x0], $0xffff;
	v29 =	vmul.f32 v29, v31;
	vm4 =	vlt.s32 v42, $0x3E8  }
0x450: {  	v34 =	vsub.f32 v34, v43;
	v33 =	vmul.f32 v33, v32;
	v44 =	vnsel vm4, $0x3E8, v42  }
0x451: {  	v46 =	vadd.f32 v29, v38;
	v63 =	vadd.s32 $0x138D, v44  }
0x452: {  	v34 =	vmul.f32 v34, v30;
	v33 =	vadd.f32 v33, v45  }
0x453: {  	s3 =	sor.u32 s12, s1;
	[tilespmem:s16+$0x11EB0] =	vst v46  }
0x454: {  	s24 =	sadd.s32 s6, s1;
	s1 =	sor.u32 s5, s1;
	v34 =	vadd.f32 v34, v39;
	[tilespmem:s16+$0x11E90] =	vst v33;
	v50 =	vld [tilespmem:s3+$0x0]  }
0x455: {  	v51 =	vld [tilespmem:s1+$0x0]  }
0x456: {  	[tilespmem:s16+$0x11EA0] =	vst v34;
	v29 =	vld.idx.msk [tilespmem:v63+s15+$0x0], $0xffff  }
0x457: {  	v48 =	vcvt.s32.f32 v42;
	v49 =	vld [tilespmem:s24+$0x0]  }
0x458: {  	v47 =	vld.idx.msk [tilespmem:v63+s0+$0x0], $0xffff  }
0x459: {  	v35 =	vsub.f32 v41, v48  }
0x45a: {  	v52 =	vmul.f32 $1.000000000e+03, v50  }
0x45b: {  	v38 =	vmul.f32 $1.000000000e+03, v51;
	v35 =	vmul.f32 v35, v29  }
0x45c: {  	v37 =	vmul.f32 $1.000000000e+03, v49;
	v54 =	vtrunc.f32 v52  }
0x45d: {  	v57 =	vtrunc.f32 v38;
	v58 =	vcvt.f32.s32 v54;
	v34 =	vadd.f32 v35, v47  }
0x45e: {  	s25 =	sor.u32 $0x8190, s13;
	v40 =	vcvt.f32.s32 v57;
	v53 =	vtrunc.f32 v37  }
0x45f: {  	s26 =	sadd.s32 s8, s25;
	v55 =	vcvt.f32.s32 v53;
	vm6 =	vlt.s32 v58, $0x3E8;
	[tilespmem:s16+$0x126C0] =	vst v34  }
0x460: {  	vm7 =	vlt.s32 v40, $0x3E8;
	v60 =	vnsel vm6, $0x3E8, v58;
	v56 =	vld [tilespmem:s26+$0x0]  }
0x461: {  	v62 =	vnsel vm7, $0x3E8, v40;
	vm5 =	vlt.s32 v55, $0x3E8;
	v42 =	vadd.s32 $0x138D, v60  }
0x462: {  	v45 =	vadd.s32 $0x138D, v62;
	v59 =	vnsel vm5, $0x3E8, v55  }
0x463: {  	v61 =	vadd.s32 $0x138D, v59;
	_ =	sdelay $0x1  }
0x464: {  	v63 =	vmul.f32 $1.000000000e+03, v56  }
0x465: {  	v34 =	vld.idx.msk [tilespmem:v42+s15+$0x0], $0xffff  }
0x466: {  	v35 =	vld.idx.msk [tilespmem:v45+s15+$0x0], $0xffff;
	v33 =	vtrunc.f32 v63  }
0x467: {  	v40 =	vcvt.s32.f32 v40;
	v46 =	vcvt.f32.s32 v33;
	v33 =	vld.idx.msk [tilespmem:v61+s15+$0x0], $0xffff  }
0x468: {  	v47 =	vcvt.s32.f32 v55;
	v49 =	vld.idx.msk [tilespmem:v45+s0+$0x0], $0xffff  }
0x469: {  	v38 =	vsub.f32 v38, v40;
	v43 =	vld.idx.msk [tilespmem:v61+s0+$0x0], $0xffff  }
0x46a: {  	v41 =	vcvt.s32.f32 v58;
	v37 =	vsub.f32 v37, v47;
	vm8 =	vlt.s32 v46, $0x3E8  }
0x46b: {  	v42 =	vld.idx.msk [tilespmem:v42+s0+$0x0], $0xffff;
	v38 =	vmul.f32 v38, v35;
	v48 =	vnsel vm8, $0x3E8, v46  }
0x46c: {  	v39 =	vsub.f32 v52, v41;
	v48 =	vadd.s32 $0x1776, v48;
	v37 =	vmul.f32 v37, v33  }
0x46d: {  	v51 =	vadd.f32 v38, v49  }
0x46e: {  	v39 =	vmul.f32 v39, v34;
	v37 =	vadd.f32 v37, v43  }
0x46f: {  	s1 =	sor.u32 s5, s25;
	[tilespmem:s16+$0x12690] =	vst v51  }
0x470: {  	v39 =	vadd.f32 v39, v42;
	[tilespmem:s16+$0x126A0] =	vst v37;
	v37 =	vld [tilespmem:s1+$0x0]  }
0x471: {  	s3 =	sadd.s32 s6, s25;
	v40 =	vld.idx.msk [tilespmem:v48+s15+$0x0], $0xffff  }
0x472: {  	s7 =	sor.u32 s12, s25;
	v53 =	vcvt.s32.f32 v46;
	[tilespmem:s16+$0x126B0] =	vst v39;
	v52 =	vld [tilespmem:s3+$0x0]  }
0x473: {  	v54 =	vld [tilespmem:s7+$0x0]  }
0x474: {  	v39 =	vsub.f32 v63, v53;
	v50 =	vld.idx.msk [tilespmem:v48+s0+$0x0], $0xffff  }
0x475: {  	v37 =	vmul.f32 $1.000000000e+03, v37  }
0x476: {  	v39 =	vmul.f32 v39, v40  }
0x477: {  	v36 =	vadd.s32 $0x1B5F, v36;
	v38 =	vmul.f32 $1.000000000e+03, v52;
	v58 =	vtrunc.f32 v37  }
0x478: {  	v28 =	vadd.s32 $0x1B5F, v28;
	v41 =	vmul.f32 $1.000000000e+03, v54;
	v43 =	vcvt.f32.s32 v58  }
0x479: {  	v27 =	vcvt.s32.f32 v27;
	v39 =	vadd.f32 v39, v50;
	v55 =	vtrunc.f32 v38  }
0x47a: {  	s9 =	sor.u32 $0x8210, s13;
	v56 =	vtrunc.f32 v41;
	v42 =	vcvt.f32.s32 v55;
	vm11 =	vlt.s32 v43, $0x3E8  }
0x47b: {  	v20 =	vmul.f32 v20, v21;
	s10 =	sadd.s32 s8, s9;
	[tilespmem:s16+$0x12EC0] =	vst v39;
	v39 =	vcvt.f32.s32 v56;
	v61 =	vnsel vm11, $0x3E8, v43  }
0x47c: {  	v9 =	vmul.f32 v22, v9;
	v59 =	vld [tilespmem:s10+$0x0];
	vm9 =	vlt.s32 v42, $0x3E8;
	v63 =	vadd.s32 $0x1776, v61  }
0x47d: {  	v25 =	vcvt.s32.f32 v25;
	v57 =	vld.idx.msk [tilespmem:v17+s15+$0x0], $0xffff;
	vm10 =	vlt.s32 v39, $0x3E8;
	v60 =	vnsel vm9, $0x3E8, v42  }
0x47e: {  	v7 =	vmul.f32 v19, v7;
	v49 =	vnsel vm10, $0x3E8, v39;
	v47 =	vadd.s32 $0x1776, v60  }
0x47f: {  	v0 =	vmul.f32 $1.000000000e+03, v0;
	v4 =	vmul.f32 $1.000000000e+03, v4;
	v46 =	vld.idx.msk [tilespmem:v28+s15+$0x0], $0xffff;
	v21 =	vadd.s32 $0x1776, v49  }
0x480: {  	v5 =	vmul.f32 $1.000000000e+03, v5;
	v8 =	vmul.f32 $1.000000000e+03, v8;
	v62 =	vsub.f32 v24, v26;
	v48 =	vld.idx.msk [tilespmem:v36+s15+$0x0], $0xffff  }
0x481: {  	v58 =	vcvt.s32.f32 v42;
	v45 =	vmul.f32 $1.000000000e+03, v59;
	v42 =	vld.idx.msk [tilespmem:v63+s15+$0x0], $0xffff  }
0x482: {  	v22 =	vmul.f32 v62, v57;
	v54 =	vmul.f32 $1.000000000e+03, v57;
	v24 =	vld.idx.msk [tilespmem:v63+s0+$0x0], $0xffff  }
0x483: {  	v43 =	vcvt.s32.f32 v43;
	v50 =	vtrunc.f32 v45;
	v51 =	vld.idx.msk [tilespmem:v47+s15+$0x0], $0xffff  }
0x484: {  	v16 =	vmul.f32 v54, v16;
	v57 =	vcvt.f32.s32 v50;
	v50 =	vld.idx.msk [tilespmem:v21+s15+$0x0], $0xffff  }
0x485: {  	v23 =	vsub.f32 v23, v27;
	v39 =	vcvt.s32.f32 v39;
	v61 =	vsub.f32 v37, v43;
	v59 =	vld.idx.msk [tilespmem:v47+s0+$0x0], $0xffff  }
0x486: {  	v0 =	vmul.f32 v4, v0;
	v15 =	vmul.f32 v16, v15;
	v27 =	vsub.f32 v38, v58;
	v21 =	vld.idx.msk [tilespmem:v21+s0+$0x0], $0xffff  }
0x487: {  	v55 =	vmul.f32 $1.000000000e+03, v46;
	v39 =	vsub.f32 v41, v39;
	v16 =	vmul.f32 v61, v42  }
0x488: {  	v5 =	vmul.f32 v8, v5;
	v27 =	vmul.f32 v27, v51  }
0x489: {  	v13 =	vmul.f32 v55, v13;
	v62 =	vmul.f32 v39, v50;
	v16 =	vadd.f32 v16, v24  }
0x48a: {  	v18 =	vsub.f32 v18, v25;
	v56 =	vmul.f32 $1.000000000e+03, v48;
	v63 =	vadd.f32 v27, v59  }
0x48b: {  	v0 =	vmul.f32 v5, v0;
	s1 =	sor.u32 s5, s9;
	v11 =	vmul.f32 v13, v11;
	v13 =	vadd.f32 v62, v21;
	[tilespmem:s16+$0x12E90] =	vst v16  }
0x48c: {  	s11 =	sadd.s32 s6, s9;
	v25 =	vmul.f32 $1.000000000e+03, v31;
	v14 =	vmul.f32 v56, v14;
	[tilespmem:s16+$0x12EA0] =	vst v63;
	v41 =	vld [tilespmem:s1+$0x0]  }
0x48d: {  	s12 =	sor.u32 s12, s9;
	v44 =	vmul.f32 $1.000000000e+03, v29;
	v18 =	vmul.f32 v18, v46;
	[tilespmem:s16+$0x12EB0] =	vst v13;
	v37 =	vld [tilespmem:s11+$0x0]  }
0x48e: {  	v1 =	vmul.f32 v15, v1;
	v12 =	vmul.f32 v14, v12;
	v39 =	vld [tilespmem:s12+$0x0]  }
0x48f: {  	v46 =	vmul.f32 $1.000000000e+03, v40;
	v43 =	vmul.f32 $1.000000000e+03, v10;
	vm12 =	vlt.s32 v57, $0x3E8  }
0x490: {  	v14 =	vmul.f32 v23, v48;
	v3 =	vmul.f32 v12, v3;
	v60 =	vnsel vm12, $0x3E8, v57  }
0x491: {  	v10 =	vmul.f32 v44, v43;
	v38 =	vadd.s32 $0x1B5F, v60;
	v15 =	vmul.f32 $1.000000000e+03, v41  }
0x492: {  	v2 =	vmul.f32 v11, v2;
	v13 =	vmul.f32 $1.000000000e+03, v37  }
0x493: {  	v12 =	vmul.f32 $1.000000000e+03, v39;
	v53 =	vtrunc.f32 v15  }
0x494: {  	v48 =	vtrunc.f32 v13;
	v8 =	vcvt.f32.s32 v53  }
0x495: {  	v49 =	vtrunc.f32 v12;
	v29 =	vcvt.f32.s32 v48  }
0x496: {  	v57 =	vcvt.s32.f32 v57;
	v24 =	vld.idx.msk [tilespmem:v38+s15+$0x0], $0xffff;
	v52 =	vcvt.f32.s32 v49;
	vm15 =	vlt.s32 v8, $0x3E8  }
0x497: {  	v40 =	vmul.f32 $1.000000000e+03, v51;
	vm13 =	vlt.s32 v29, $0x3E8;
	v58 =	vnsel vm15, $0x3E8, v8  }
0x498: {  	v62 =	vld.idx.msk [tilespmem:v28+s0+$0x0], $0xffff;
	vm14 =	vlt.s32 v52, $0x3E8;
	v54 =	vnsel vm13, $0x3E8, v29;
	v61 =	vadd.s32 $0x1B5F, v58  }
0x499: {  	v21 =	vmul.f32 $1.000000000e+03, v30;
	v55 =	vnsel vm14, $0x3E8, v52;
	v30 =	vadd.s32 $0x1B5F, v54  }
0x49a: {  	v44 =	vmul.f32 $1.000000000e+03, v50;
	v63 =	vmul.f32 $1.000000000e+03, v33;
	v16 =	vadd.s32 $0x1B5F, v55  }
0x49b: {  	v56 =	vld.idx.msk [tilespmem:v17+s0+$0x0], $0xffff;
	v27 =	vmul.f32 $1.000000000e+03, v32;
	v47 =	vmul.f32 $1.000000000e+03, v24  }
0x49c: {  	v11 =	vsub.f32 v45, v57;
	v59 =	vld.idx.msk [tilespmem:v36+s0+$0x0], $0xffff;
	v36 =	vmul.f32 $1.000000000e+03, v34;
	v21 =	vmul.f32 v63, v21  }
0x49d: {  	v18 =	vadd.f32 v18, v62;
	v62 =	vmul.f32 v20, v6;
	v19 =	vmul.f32 v47, v46;
	v46 =	vld.idx.msk [tilespmem:v61+s15+$0x0], $0xffff  }
0x49e: {  	v41 =	vmul.f32 $1.000000000e+03, v42;
	v11 =	vmul.f32 v11, v24;
	v39 =	vld.idx.msk [tilespmem:v30+s15+$0x0], $0xffff  }
0x49f: {  	[tilespmem:s4+$0x146A0] =	vst v1;
	v37 =	vmul.f32 $1.000000000e+03, v35;
	v48 =	vcvt.s32.f32 v8;
	v42 =	vld.idx.msk [tilespmem:v16+s15+$0x0], $0xffff  }
0x4a0: {  	v17 =	vadd.f32 v22, v56;
	v43 =	vld.idx.msk [tilespmem:v38+s0+$0x0], $0xffff;
	v47 =	vmul.f32 v36, v25;
	v60 =	vmul.f32 v19, v10  }
0x4a1: {  	[tilespmem:s4+$0x146B0] =	vst v3;
	v5 =	vmul.f32 v37, v27;
	v45 =	vcvt.s32.f32 v29;
	v3 =	vsub.f32 v15, v48;
	v10 =	vld.idx.msk [tilespmem:v61+s0+$0x0], $0xffff  }
0x4a2: {  	[tilespmem:s4+$0x136A0] =	vst v17;
	v14 =	vadd.f32 v14, v59;
	v0 =	vmul.f32 v60, v0;
	v4 =	vcvt.s32.f32 v52;
	v51 =	vld.idx.msk [tilespmem:v30+s0+$0x0], $0xffff  }
0x4a3: {  	[tilespmem:s4+$0x14690] =	vst v2;
	v49 =	vsub.f32 v13, v45;
	v54 =	vld.idx.msk [tilespmem:v16+s0+$0x0], $0xffff;
	v55 =	vmul.f32 $1.000000000e+03, v46;
	v61 =	vmul.f32 v3, v46  }
0x4a4: {  	[tilespmem:s4+$0x136B0] =	vst v14;
	v4 =	vsub.f32 v12, v4;
	v50 =	vmul.f32 $1.000000000e+03, v39;
	v52 =	vmul.f32 $1.000000000e+03, v42  }
0x4a5: {  	[tilespmem:s4+$0x13690] =	vst v18;
	v53 =	vadd.f32 v11, v43;
	v8 =	vmul.f32 v49, v39;
	v58 =	vmul.f32 v55, v41  }
0x4a6: {  	[tilespmem:s16+$0x146C0] =	vst v0;
	v59 =	vmul.f32 v4, v42;
	v0 =	vadd.f32 v61, v10;
	v13 =	vmul.f32 v50, v40  }
0x4a7: {  	[tilespmem:s16+$0x136C0] =	vst v53;
	v14 =	vmul.f32 v52, v44;
	v57 =	vadd.f32 v8, v51;
	v5 =	vmul.f32 v58, v5  }
0x4a8: {  	v2 =	vadd.f32 v59, v54;
	[tilespmem:s16+$0x13690] =	vst v0;
	v56 =	vmul.f32 v13, v21  }
0x4a9: {  	v1 =	vmul.f32 v14, v47;
	[tilespmem:s16+$0x136A0] =	vst v57;
	v63 =	vmul.f32 v5, v62  }
0x4aa: {  	[tilespmem:s16+$0x136B0] =	vst v2;
	v60 =	vmul.f32 v56, v9  }
0x4ab: {  	v1 =	vmul.f32 v1, v7;
	[tilespmem:s16+$0x14690] =	vst v63  }
0x4ac: {  	[tilespmem:s16+$0x146A0] =	vst v60  }
0x4ad: {  	[tilespmem:s16+$0x146B0] =	vst v1  }
0x4ae: {  	s13 =	simm.s32 $0xFE90;
	s6 =	rddreg [dreg:$0x12]  }
0x4af: {  	[hbm4b:s6+s29] =	stream.linear.scatter [tilespmem:s13], [sflag:$0x4], $0x80, $0x38;
	[tilespmem:$0x14E90] =	vst v63  }
0x4b0: {  	s14 =	simm.s32 $0x10690;
	s16 =	sadd.s32 $0x10, s6  }
0x4b1: {  	[hbm4b:s16+s29] =	stream.linear.scatter [tilespmem:s14], [sflag:$0x4], $0x80, $0x38;
	[tilespmem:$0x14E90] =	vst v63  }
0x4b2: {  	s17 =	simm.s32 $0x10E90;
	s19 =	simm.s32 $0x11690;
	s18 =	sadd.s32 $0x20, s6  }
0x4b3: {  	[hbm4b:s18+s29] =	stream.linear.scatter [tilespmem:s17], [sflag:$0x4], $0x80, $0x38;
	[tilespmem:$0x14E90] =	vst v63  }
0x4b4: {  	s21 =	simm.s32 $0x11E90;
	s23 =	simm.s32 $0x12690;
	s20 =	sadd.s32 $0x30, s6  }
0x4b5: {  	[hbm4b:s20+s29] =	stream.linear.scatter [tilespmem:s19], [sflag:$0x4], $0x80, $0x38;
	[tilespmem:$0x14E90] =	vst v63  }
0x4b6: {  	s2 =	simm.s32 $0x400;
	s25 =	simm.s32 $0x12E90;
	s22 =	sadd.s32 $0x40, s6  }
0x4b7: {  	[hbm4b:s22+s29] =	stream.linear.scatter [tilespmem:s21], [sflag:$0x4], $0x80, $0x38;
	[tilespmem:$0x14E90] =	vst v63  }
0x4b8: {  	s3 =	simm.s32 $0x13690;
	s0 =	simm.s32 $0x80;
	s24 =	sadd.s32 $0x50, s6  }
0x4b9: {  	[hbm4b:s24+s29] =	stream.linear.scatter [tilespmem:s23], [sflag:$0x4], $0x80, $0x38;
	[tilespmem:$0x14E90] =	vst v63  }
0x4ba: {  	s26 =	sadd.s32 $0x60, s6;
	s4 =	sadd.s32 $0x70, s6;
	s1 =	sadd.s32 $0x80, s6  }
0x4bb: {  	[hbm4b:s26+s29] =	stream.linear.scatter [tilespmem:s25], [sflag:$0x4], $0x80, $0x38;
	[tilespmem:$0x14E90] =	vst v63  }
.LBB2_10:
0x4bc: {  	[hbm4b:s4+s29] =	stream.linear.scatter [tilespmem:s3], [sflag:$0x4], $0x80, $0x38;
	[tilespmem:$0x14E90] =	vst v63  }
0x4bd: {  	s3 =	smov.u32 s0;
	s0 =	smov.u32 s2  }
0x4be: {  	s5 =	sadd.s32 $0x200, s2;
	s0 =	sshra.s32 s0, $0x2;
	s4 =	sadd.s32 $0xFE90, s3  }
0x4bf: {  	[hbm4b:s1+s29] =	stream.linear.scatter [tilespmem:s4], [sflag:$0x4], $0x80, $0x38;
	[tilespmem:$0x14E90] =	vst v63  }
0x4c0: {  	p0 =	sne.s32 s2, $0x1E00;
	s2 =	sadd.s32 $0x10690, s3;
	s4 =	sadd.s32 $0x10, s1  }
0x4c1: {  	[hbm4b:s4+s29] =	stream.linear.scatter [tilespmem:s2], [sflag:$0x4], $0x80, $0x38;
	[tilespmem:$0x14E90] =	vst v63  }
0x4c2: {  	s2 =	sadd.s32 $0x10E90, s3;
	s4 =	sadd.s32 $0x20, s1  }
0x4c3: {  	[hbm4b:s4+s29] =	stream.linear.scatter [tilespmem:s2], [sflag:$0x4], $0x80, $0x38;
	[tilespmem:$0x14E90] =	vst v63  }
0x4c4: {  	s2 =	sadd.s32 $0x11690, s3;
	s4 =	sadd.s32 $0x30, s1  }
0x4c5: {  	[hbm4b:s4+s29] =	stream.linear.scatter [tilespmem:s2], [sflag:$0x4], $0x80, $0x38;
	[tilespmem:$0x14E90] =	vst v63  }
0x4c6: {  	s2 =	sadd.s32 $0x11E90, s3;
	s4 =	sadd.s32 $0x40, s1  }
0x4c7: {  	[hbm4b:s4+s29] =	stream.linear.scatter [tilespmem:s2], [sflag:$0x4], $0x80, $0x38;
	[tilespmem:$0x14E90] =	vst v63  }
.Ltmp4:
0x4c8: {  	s2 =	sadd.s32 $0x12690, s3;
	s4 =	sadd.s32 $0x50, s1;
	(pc) =	sbr.rel @p0 .LBB2_10-.Ltmp4, $4  }
0x4c9: {  	[hbm4b:s4+s29] =	stream.linear.scatter [tilespmem:s2], [sflag:$0x4], $0x80, $0x38;
	[tilespmem:$0x14E90] =	vst v63  }
0x4ca: {  	s2 =	sadd.s32 $0x12E90, s3;
	s4 =	sadd.s32 $0x60, s1;
	s3 =	sadd.s32 $0x13690, s3  }
0x4cb: {  	[hbm4b:s4+s29] =	stream.linear.scatter [tilespmem:s2], [sflag:$0x4], $0x80, $0x38;
	[tilespmem:$0x14E90] =	vst v63  }
0x4cc: {  	s4 =	sadd.s32 $0x70, s1;
	s1 =	sadd.s32 $0x80, s1;
	s2 =	smov.u32 s5  }
0x4cd: {  	[hbm4b:s4+s29] =	stream.linear.scatter [tilespmem:s3], [sflag:$0x4], $0x80, $0x38;
	[tilespmem:$0x14E90] =	vst v63  }
0x4ce: {  	s2 =	sadd.s32 $0xFE90, s0  }
0x4cf: {  	[hbm4b:s1+s29] =	stream.linear.scatter [tilespmem:s2], [sflag:$0x4], $0x80, $0x38;
	[tilespmem:$0x14E90] =	vst v63  }
0x4d0: {  	s11 =	sadd.s32 $0x10690, s0;
	s12 =	sadd.s32 $0x10, s1  }
0x4d1: {  	[hbm4b:s12+s29] =	stream.linear.scatter [tilespmem:s11], [sflag:$0x4], $0x80, $0x38;
	[tilespmem:$0x14E90] =	vst v63  }
0x4d2: {  	s13 =	sadd.s32 $0x10E90, s0;
	s14 =	sadd.s32 $0x20, s1  }
0x4d3: {  	[hbm4b:s14+s29] =	stream.linear.scatter [tilespmem:s13], [sflag:$0x4], $0x80, $0x38;
	[tilespmem:$0x14E90] =	vst v63  }
0x4d4: {  	s16 =	sadd.s32 $0x11690, s0;
	s17 =	sadd.s32 $0x30, s1  }
0x4d5: {  	[hbm4b:s17+s29] =	stream.linear.scatter [tilespmem:s16], [sflag:$0x4], $0x80, $0x38;
	[tilespmem:$0x14E90] =	vst v63  }
0x4d6: {  	s18 =	sadd.s32 $0x11E90, s0;
	s19 =	sadd.s32 $0x40, s1  }
0x4d7: {  	[hbm4b:s19+s29] =	stream.linear.scatter [tilespmem:s18], [sflag:$0x4], $0x80, $0x38;
	[tilespmem:$0x14E90] =	vst v63  }
0x4d8: {  	s20 =	sadd.s32 $0x12690, s0;
	s21 =	sadd.s32 $0x50, s1;
	s31 =	sadd.s32 $0x1, s31  }
0x4d9: {  	[hbm4b:s21+s29] =	stream.linear.scatter [tilespmem:s20], [sflag:$0x4], $0x80, $0x38;
	[tilespmem:$0x14E90] =	vst v63  }
0x4da: {  	s22 =	sadd.s32 $0x12E90, s0;
	s23 =	sadd.s32 $0x60, s1;
	p0 =	sne.s32 s31, $0x8  }
0x4db: {  	[hbm4b:s23+s29] =	stream.linear.scatter [tilespmem:s22], [sflag:$0x4], $0x80, $0x38;
	[tilespmem:$0x14E90] =	vst v63  }
.Ltmp5:
0x4dc: {  	s24 =	sadd.s32 $0x13690, s0;
	s26 =	rddreg [dreg:$0x15];
	(pc) =	sbr.rel @p0 .LBB2_2-.Ltmp5, $4  }
0x4dd: {  	s25 =	sadd.s32 $0x70, s1;
	s30 =	sadd.s32 $0x1000, s30;
	s0 =	sshrl.u32 s26, $0x3  }
0x4de: {  	[hbm4b:s25+s29] =	stream.linear.scatter [tilespmem:s24], [sflag:$0x4], $0x80, $0x38;
	[tilespmem:$0x14E90] =	vst v63  }
0x4df: {  	s6 =	sadd.s32 $0x1000, s6;
	s0 =	sadd.s32 s28, s0;
	s28 =	simm.s32 $0x14690  }
0x4e0: {  	[hbm4b:s0+s29] =	stream.linear.scatter [tilespmem:s28], [sflag:$0x6], $0x800, $0x38;
	[tilespmem:$0x14E90] =	vst v63  }
0x4e1: {  	s0 =	simm.s32 $0x3  }
0x4e2: {  	_ =	swait.ge [sflag:s0], $0x400  }
0x4e3: {  	[sflag:s0] =	ssyncset.done $0x0  }
0x4e4: {  	[sflag:s0] =	ssyncadd.s32 $0xFFFFFC00  }
0x4e5: {  	_ =	swait.ge [sflag:s0], $0x400  }
0x4e6: {  	[sflag:s0] =	ssyncset.done $0x0  }
0x4e7: {  	[sflag:s0] =	ssyncadd.s32 $0xFFFFFC00  }
0x4e8: {  	_ =	swait.ge [sflag:s0], $0x400  }
0x4e9: {  	[sflag:s0] =	ssyncset.done $0x0  }
0x4ea: {  	[sflag:s0] =	ssyncadd.s32 $0xFFFFFC00  }
0x4eb: {  	_ =	swait.ge [sflag:s0], $0x400  }
0x4ec: {  	[sflag:s0] =	ssyncset.done $0x0  }
0x4ed: {  	[sflag:s0] =	ssyncadd.s32 $0xFFFFFC00  }
0x4ee: {  	_ =	swait.ge [sflag:s0], $0x400  }
0x4ef: {  	[sflag:s0] =	ssyncset.done $0x0  }
0x4f0: {  	[sflag:s0] =	ssyncadd.s32 $0xFFFFFC00  }
0x4f1: {  	_ =	swait.ge [sflag:s0], $0x400  }
0x4f2: {  	[sflag:s0] =	ssyncset.done $0x0  }
0x4f3: {  	[sflag:s0] =	ssyncadd.s32 $0xFFFFFC00  }
0x4f4: {  	_ =	swait.ge [sflag:s0], $0x400  }
0x4f5: {  	[sflag:s0] =	ssyncset.done $0x0  }
0x4f6: {  	[sflag:s0] =	ssyncadd.s32 $0xFFFFFC00  }
0x4f7: {  	_ =	swait.ge [sflag:s0], $0x400  }
0x4f8: {  	[sflag:s0] =	ssyncset.done $0x0  }
0x4f9: {  	[sflag:s0] =	ssyncadd.s32 $0xFFFFFC00  }
0x4fa: {  	_ =	swait.ge [sflag:s0], $0x400  }
0x4fb: {  	[sflag:s0] =	ssyncset.done $0x0  }
0x4fc: {  	[sflag:s0] =	ssyncadd.s32 $0xFFFFFC00  }
0x4fd: {  	_ =	swait.ge [sflag:s0], $0x400  }
0x4fe: {  	[sflag:s0] =	ssyncset.done $0x0  }
0x4ff: {  	[sflag:s0] =	ssyncadd.s32 $0xFFFFFC00  }
0x500: {  	_ =	swait.ge [sflag:s0], $0x400  }
0x501: {  	[sflag:s0] =	ssyncset.done $0x0  }
0x502: {  	[sflag:s0] =	ssyncadd.s32 $0xFFFFFC00  }
0x503: {  	_ =	swait.ge [sflag:s0], $0x400  }
0x504: {  	[sflag:s0] =	ssyncset.done $0x0  }
0x505: {  	[sflag:s0] =	ssyncadd.s32 $0xFFFFFC00  }
0x506: {  	_ =	swait.ge [sflag:s0], $0x400  }
0x507: {  	[sflag:s0] =	ssyncset.done $0x0  }
0x508: {  	[sflag:s0] =	ssyncadd.s32 $0xFFFFFC00  }
0x509: {  	_ =	swait.ge [sflag:s0], $0x400  }
0x50a: {  	[sflag:s0] =	ssyncset.done $0x0  }
0x50b: {  	[sflag:s0] =	ssyncadd.s32 $0xFFFFFC00  }
0x50c: {  	_ =	swait.ge [sflag:s0], $0x400  }
0x50d: {  	[sflag:s0] =	ssyncset.done $0x0  }
0x50e: {  	[sflag:s0] =	ssyncadd.s32 $0xFFFFFC00  }
0x50f: {  	_ =	swait.ge [sflag:s0], $0x400  }
0x510: {  	[sflag:s0] =	ssyncset.done $0x0  }
0x511: {  	s28 =	simm.s32 $0x5;
	[sflag:s0] =	ssyncadd.s32 $0xFFFFFC00  }
0x512: {  	_ =	swait.ge [sflag:s28], $0x800  }
0x513: {  	[sflag:s28] =	ssyncset.done $0x0  }
0x514: {  	s30 =	simm.s32 $0x4;
	[sflag:s28] =	ssyncadd.s32 $0xFFFFF800  }
0x515: {  	_ =	swait.ge [sflag:s30], $0x400  }
0x516: {  	[sflag:s30] =	ssyncset.done $0x0  }
0x517: {  	[sflag:s30] =	ssyncadd.s32 $0xFFFFFC00  }
0x518: {  	_ =	swait.ge [sflag:s30], $0x400  }
0x519: {  	[sflag:s30] =	ssyncset.done $0x0  }
0x51a: {  	[sflag:s30] =	ssyncadd.s32 $0xFFFFFC00  }
0x51b: {  	_ =	swait.ge [sflag:s30], $0x400  }
0x51c: {  	[sflag:s30] =	ssyncset.done $0x0  }
0x51d: {  	[sflag:s30] =	ssyncadd.s32 $0xFFFFFC00  }
0x51e: {  	_ =	swait.ge [sflag:s30], $0x400  }
0x51f: {  	[sflag:s30] =	ssyncset.done $0x0  }
0x520: {  	[sflag:s30] =	ssyncadd.s32 $0xFFFFFC00  }
0x521: {  	_ =	swait.ge [sflag:s30], $0x400  }
0x522: {  	[sflag:s30] =	ssyncset.done $0x0  }
0x523: {  	[sflag:s30] =	ssyncadd.s32 $0xFFFFFC00  }
0x524: {  	_ =	swait.ge [sflag:s30], $0x400  }
0x525: {  	[sflag:s30] =	ssyncset.done $0x0  }
0x526: {  	[sflag:s30] =	ssyncadd.s32 $0xFFFFFC00  }
0x527: {  	_ =	swait.ge [sflag:s30], $0x400  }
0x528: {  	[sflag:s30] =	ssyncset.done $0x0  }
0x529: {  	[sflag:s30] =	ssyncadd.s32 $0xFFFFFC00  }
0x52a: {  	_ =	swait.ge [sflag:s30], $0x400  }
0x52b: {  	[sflag:s30] =	ssyncset.done $0x0  }
0x52c: {  	[sflag:s30] =	ssyncadd.s32 $0xFFFFFC00  }
0x52d: {  	_ =	swait.ge [sflag:s30], $0x400  }
0x52e: {  	[sflag:s30] =	ssyncset.done $0x0  }
0x52f: {  	[sflag:s30] =	ssyncadd.s32 $0xFFFFFC00  }
0x530: {  	_ =	swait.ge [sflag:s30], $0x400  }
0x531: {  	[sflag:s30] =	ssyncset.done $0x0  }
0x532: {  	[sflag:s30] =	ssyncadd.s32 $0xFFFFFC00  }
0x533: {  	_ =	swait.ge [sflag:s30], $0x400  }
0x534: {  	[sflag:s30] =	ssyncset.done $0x0  }
0x535: {  	[sflag:s30] =	ssyncadd.s32 $0xFFFFFC00  }
0x536: {  	_ =	swait.ge [sflag:s30], $0x400  }
0x537: {  	[sflag:s30] =	ssyncset.done $0x0  }
0x538: {  	[sflag:s30] =	ssyncadd.s32 $0xFFFFFC00  }
0x539: {  	_ =	swait.ge [sflag:s30], $0x400  }
0x53a: {  	[sflag:s30] =	ssyncset.done $0x0  }
0x53b: {  	[sflag:s30] =	ssyncadd.s32 $0xFFFFFC00  }
0x53c: {  	_ =	swait.ge [sflag:s30], $0x400  }
0x53d: {  	[sflag:s30] =	ssyncset.done $0x0  }
0x53e: {  	[sflag:s30] =	ssyncadd.s32 $0xFFFFFC00  }
0x53f: {  	_ =	swait.ge [sflag:s30], $0x400  }
0x540: {  	[sflag:s30] =	ssyncset.done $0x0  }
0x541: {  	[sflag:s30] =	ssyncadd.s32 $0xFFFFFC00  }
0x542: {  	_ =	swait.ge [sflag:s30], $0x400  }
0x543: {  	[sflag:s30] =	ssyncset.done $0x0  }
0x544: {  	s1 =	simm.s32 $0x6;
	[sflag:s30] =	ssyncadd.s32 $0xFFFFFC00  }
0x545: {  	_ =	swait.ge [sflag:s1], $0x800  }
0x546: {  	s2 =	rddreg [dreg:$0x11]  }
0x547: {  	s31 =	rddreg [dreg:$0xf];
	s2 =	sadd.s32 $0x1, s2  }
0x548: {  	p0 =	sne.s32 s2, s31  }
.Ltmp6:
0x549: {  	_ = 	snop;
	(pc) =	sbr.rel @p0 .LBB2_1-.Ltmp6, $3  }
0x54a: {  	_ =	sdelay $0x1  }
0x54b: {  	[sflag:s1] =	ssyncset.done $0x0  }
0x54c: {  	[sflag:s1] =	ssyncadd.s32 $0xFFFFF800  }
0x54d: {  	_ =	sfence.sel $0x180000  }
0x54e: {  	[bflag:$0x0] =	sbarrier.arrive $0xFFFF  }
0x54f: {  	_ =	strace $0x90000047  }
0x550: {  	s0 =	stileid.u32;
	[bflag:$0x2] =	sbarrier.arrive $0xFFFF  }
0x551: {  	p0 =	sne.s32 s0, $0x0;
	s0 =	rddreg [dreg:$0x4]  }
0x552: {  	s0 =	sadd.s32 @!p0 $0x100000, s0  }
0x553: {  	[sflag:s0] =	ssyncadd.tile.s32 @!p0 $0x1;
	_ =	shalt  }
.Lfunc_end2:
_tile_overlayer_lowered:
.L_overlay_start_2:
0x554: {  	(tag) =	ssettag $0x2  }
0x555: {  	s0 =	rddreg [dreg:$0x0];
	s2 =	stileid.u32  }
0x556: {  	s1 =	rddreg [dreg:$0x1];
	p0 =	sne.s32 s2, $0x0  }
0x557: {  	s3 =	rddreg [dreg:$0x2];
	[bflag:$0x3] =	sbarrier.arrive $0xFFFF;
	s2 =	simm.s32 @!p0 $0x1C07  }
0x558: {  	[timem:s3], [sflag:s2] =	dma.local @!p0 [hbm:s0], s1  }
0x559: {  	s0 =	simm.s32 @!p0 $0x7  }
0x55a: {  	_ =	swait.ge @!p0 [sflag:s0], s1  }
0x55b: {  	s1 =	ssub.s32 @!p0 $0x0, s1;
	[sflag:s0] =	ssyncset.done @!p0 $0x0  }
0x55c: {  	[sflag:s0] =	ssyncadd.s32 @!p0 s1  }
0x55d: {  	[bflag:$0x3] =	sbarrier.arrive $0xFFFF  }
0x55e: {  	_ =	shalt  }

</sc_bundles>
